<compile_context>
chip_gen: v7x
topology: tpu7x:2x2x1
jax: 0.10.2.dev20260603
libtpu: 0.0.44.dev20260713+nightly
codegen_flags: <defaults>
</compile_context>

<pallas_src>
import functools
import math

import jax
import jax.numpy as jnp
from jax import lax
from jax.experimental import pallas as pl
from jax.experimental.pallas import tpu as pltpu
from jax.experimental.pallas import tpu_sc as plsc

D_MODEL = 128
SCALE = math.sqrt(float(D_MODEL))

NUM_CORES = 2
NUM_SUBCORES = 16
NW = NUM_CORES * NUM_SUBCORES

CHUNK = 64
NB = 8
LA = 4


def _make_gather(vocab: int, batch: int):
    assert batch % (NW * CHUNK * NB) == 0
    rows_per_w = batch // NW
    n_chunks = rows_per_w // CHUNK
    n_rings = n_chunks // NB

    mesh = plsc.VectorSubcoreMesh(
        core_axis_name="c", subcore_axis_name="s",
        num_cores=NUM_CORES, num_subcores=NUM_SUBCORES,
    )

    @functools.partial(
        pl.kernel,
        out_type=jax.ShapeDtypeStruct((batch, D_MODEL), jnp.float32),
        mesh=mesh,
        scratch_types=[
            pltpu.VMEM((n_chunks, CHUNK), jnp.int32),
            [pltpu.VMEM((CHUNK, D_MODEL), jnp.float32) for _ in range(NB)],
            [pltpu.SemaphoreType.DMA for _ in range(NB)],
            [pltpu.SemaphoreType.DMA for _ in range(NB)],
        ],
    )
    def gather_kernel(table_hbm, idx_hbm, out_hbm, idx_v, bufs, gsems, osems):
        wid = lax.axis_index("s") * NUM_CORES + lax.axis_index("c")
        out_row0 = wid * rows_per_w

        pltpu.sync_copy(idx_hbm.at[pl.ds(wid * n_chunks, n_chunks)], idx_v)

        def gather_chunk(g, b):
            return pltpu.async_copy(
                table_hbm.at[idx_v.at[g]], bufs[b], gsems[b])

        def write_desc(g, b):
            return pltpu.make_async_copy(
                bufs[b], out_hbm.at[pl.ds(out_row0 + g * CHUNK, CHUNK)],
                osems[b])

        for b in range(LA):
            gather_chunk(b, b)

        @pl.loop(0, n_rings)
        def _ring(it):
            for b in range(NB):
                g = it * NB + b
                pltpu.make_async_copy(
                    table_hbm.at[idx_v.at[g]], bufs[b], gsems[b]).wait()

                @plsc.parallel_loop(0, CHUNK, unroll=4)
                def _scale(i):
                    for c in range(D_MODEL // 16):
                        bufs[b][i, pl.ds(c * 16, 16)] = (
                            bufs[b][i, pl.ds(c * 16, 16)] * SCALE
                        )

                write_desc(g, b).start()

                bf = (b + LA) % NB
                if b + LA < NB:
                    @pl.when(it > 0)
                    def _():
                        write_desc(g + LA - NB, bf).wait()

                    gather_chunk(g + LA, bf)
                else:
                    @pl.when(it < n_rings - 1)
                    def _():
                        write_desc(g + LA - NB, bf).wait()
                        gather_chunk(g + LA, bf)

        for b in range(NB):
            write_desc(n_chunks - NB + b, b).wait()

    return gather_kernel


def kernel(tokens, embedding):
    b, h = tokens.shape
    batch = b * h
    idx2d = tokens.reshape(batch // CHUNK, CHUNK).astype(jnp.int32)
    out = _make_gather(embedding.shape[0], batch)(embedding, idx2d)
    return out.reshape(b, h, D_MODEL)

# --- scband reference (transcript-rebuilt; emitter-appended) ---
"""Pipeline reference for scband-token-embedding-1365799600639 (READ-ONLY COPY).

The authoritative reference and input builder live on the scoring server;
editing this copy changes nothing except your own understanding.
"""

import jax, jax.numpy as jnp
import numpy as np
import math

VOCAB = 100000
D_MODEL = 128
BATCH = 4096
HIST = 200

def setup_inputs(seed: int = 0) -> dict:
    key = jax.random.key(seed)
    k_tok, k_emb = jax.random.split(key)
    tokens = jax.random.randint(k_tok, (BATCH, HIST), 0, VOCAB, dtype=jnp.int64 if jax.config.jax_enable_x64 else jnp.int32)
    embedding = jax.random.normal(k_emb, (VOCAB, D_MODEL), dtype=jnp.float32)
    return {"tokens": tokens, "embedding": embedding}

def reference(tokens, embedding):
    # nn.Embedding lookup followed by sqrt(d_model) scaling
    out = jnp.take(embedding, tokens, axis=0) * math.sqrt(D_MODEL)
    return out

if __name__ == "__main__":
    import jax
    _d = setup_inputs()
    print(jax.jit(kernel)(*tuple(_d.values())))

</pallas_src>

<mosaic_0001>
#map = affine_map<(d0, d1) -> (0, 0)>
module attributes {stable_mosaic.version = 14 : i64} {
  func.func @gather_kernel(%arg0: i32, %arg1: i32, %arg2: memref<100000x128xf32, #tpu.memory_space<hbm>>, %arg3: memref<12800x64xi32, #tpu.memory_space<hbm>>, %arg4: memref<819200x128xf32, #tpu.memory_space<hbm>>, %arg5: memref<400x64xi32, #tpu.memory_space<vmem>>, %arg6: memref<64x128xf32, #tpu.memory_space<vmem>>, %arg7: memref<64x128xf32, #tpu.memory_space<vmem>>, %arg8: memref<64x128xf32, #tpu.memory_space<vmem>>, %arg9: memref<64x128xf32, #tpu.memory_space<vmem>>, %arg10: memref<64x128xf32, #tpu.memory_space<vmem>>, %arg11: memref<64x128xf32, #tpu.memory_space<vmem>>, %arg12: memref<64x128xf32, #tpu.memory_space<vmem>>, %arg13: memref<64x128xf32, #tpu.memory_space<vmem>>, %arg14: memref<!tpu.dma_semaphore, #tpu.memory_space<semaphore_mem>>, %arg15: memref<!tpu.dma_semaphore, #tpu.memory_space<semaphore_mem>>, %arg16: memref<!tpu.dma_semaphore, #tpu.memory_space<semaphore_mem>>, %arg17: memref<!tpu.dma_semaphore, #tpu.memory_space<semaphore_mem>>, %arg18: memref<!tpu.dma_semaphore, #tpu.memory_space<semaphore_mem>>, %arg19: memref<!tpu.dma_semaphore, #tpu.memory_space<semaphore_mem>>, %arg20: memref<!tpu.dma_semaphore, #tpu.memory_space<semaphore_mem>>, %arg21: memref<!tpu.dma_semaphore, #tpu.memory_space<semaphore_mem>>, %arg22: memref<!tpu.dma_semaphore, #tpu.memory_space<semaphore_mem>>, %arg23: memref<!tpu.dma_semaphore, #tpu.memory_space<semaphore_mem>>, %arg24: memref<!tpu.dma_semaphore, #tpu.memory_space<semaphore_mem>>, %arg25: memref<!tpu.dma_semaphore, #tpu.memory_space<semaphore_mem>>, %arg26: memref<!tpu.dma_semaphore, #tpu.memory_space<semaphore_mem>>, %arg27: memref<!tpu.dma_semaphore, #tpu.memory_space<semaphore_mem>>, %arg28: memref<!tpu.dma_semaphore, #tpu.memory_space<semaphore_mem>>, %arg29: memref<!tpu.dma_semaphore, #tpu.memory_space<semaphore_mem>>) attributes {dimension_semantics = [#tpu.dimension_semantics<core_parallel>, #tpu.dimension_semantics<subcore_parallel>], iteration_bounds = array<i64: 2, 16>, scalar_prefetch = 0 : i64, scratch_operands = 25 : i64, tpu.core_type = #tpu.core_type<sc_vector_subcore>, window_params = [{transform_indices = #map}, {transform_indices = #map}, {transform_indices = #map}]} {
    %mul3A = arith.constant 2 : i32
    %mul3A_0 = arith.muli %arg1, %mul3A : i32
    %add3A = arith.addi %mul3A_0, %arg0 : i32
    %mul3A_1 = arith.constant 25600 : i32
    %mul3A_2 = arith.muli %add3A, %mul3A_1 : i32
    %mul3A_3 = arith.constant 400 : i32
    %mul3A_4 = arith.muli %add3A, %mul3A_3 : i32
    "tpu.region"() ({
      %run_scoped3A = tpu.sem_alloc : memref<!tpu.dma_semaphore, #tpu.memory_space<semaphore_mem>>
      %dma_start3A_83 = arith.constant 0 : i32
      %dma_start3A_84 = tpu.memref_slice %arg3[%mul3A_4, %dma_start3A_83] : memref<12800x64xi32, #tpu.memory_space<hbm>> -> memref<400x64xi32, #tpu.memory_space<hbm>>
      %dma_start3A_85 = arith.constant 0 : i32
      %dma_start3A_86 = tpu.memref_slice %arg3[%mul3A_4, %dma_start3A_85] : memref<12800x64xi32, #tpu.memory_space<hbm>> -> memref<400x64xi32, #tpu.memory_space<hbm>>
      tpu.enqueue_dma source(%dma_start3A_86 : memref<400x64xi32, #tpu.memory_space<hbm>>) target(%arg5 : memref<400x64xi32, #tpu.memory_space<vmem>>) target_semaphore(%run_scoped3A : memref<!tpu.dma_semaphore, #tpu.memory_space<semaphore_mem>>)
      %dma_wait3A_87 = arith.constant 0 : i32
      %dma_wait3A_88 = tpu.memref_slice %arg3[%mul3A_4, %dma_wait3A_87] : memref<12800x64xi32, #tpu.memory_space<hbm>> -> memref<400x64xi32, #tpu.memory_space<hbm>>
      %dma_wait3A_89 = arith.constant 0 : i32
      %dma_wait3A_90 = tpu.memref_slice %arg3[%mul3A_4, %dma_wait3A_89] : memref<12800x64xi32, #tpu.memory_space<hbm>> -> memref<400x64xi32, #tpu.memory_space<hbm>>
      tpu.wait_dma2 semaphore(%run_scoped3A : memref<!tpu.dma_semaphore, #tpu.memory_space<semaphore_mem>>) src(%dma_wait3A_90 : memref<400x64xi32, #tpu.memory_space<hbm>>) dst(%arg5 : memref<400x64xi32, #tpu.memory_space<vmem>>)
      tpu.yield
    }) : () -> ()
    %dma_start3A = arith.constant 0 : i32
    %dma_start3A_5 = arith.constant 0 : i32
    %dma_start3A_6 = tpu.memref_slice %arg5[%dma_start3A, %dma_start3A_5] : memref<400x64xi32, #tpu.memory_space<vmem>> -> memref<1x64xi32, #tpu.memory_space<vmem>>
    %dma_start3A_7 = tpu.memref_squeeze %dma_start3A_6 : memref<1x64xi32, #tpu.memory_space<vmem>> -> memref<64xi32, #tpu.memory_space<vmem>>
    %dma_start3A_8 = arith.constant 0 : i32
    %dma_start3A_9 = arith.constant 0 : i32
    %dma_start3A_10 = tpu.memref_slice %arg2[%dma_start3A_8, %dma_start3A_9] : memref<100000x128xf32, #tpu.memory_space<hbm>> -> memref<100000x128xf32, #tpu.memory_space<hbm>>
    tpu.enqueue_indirect_dma source(%dma_start3A_10 : memref<100000x128xf32, #tpu.memory_space<hbm>>) target(%arg6 : memref<64x128xf32, #tpu.memory_space<vmem>>) offsets(%dma_start3A_7 : memref<64xi32, #tpu.memory_space<vmem>>) semaphore(%arg14 : memref<!tpu.dma_semaphore, #tpu.memory_space<semaphore_mem>>)
    %dma_start3A_11 = arith.constant 1 : i32
    %dma_start3A_12 = arith.constant 0 : i32
    %dma_start3A_13 = tpu.memref_slice %arg5[%dma_start3A_11, %dma_start3A_12] : memref<400x64xi32, #tpu.memory_space<vmem>> -> memref<1x64xi32, #tpu.memory_space<vmem>>
    %dma_start3A_14 = tpu.memref_squeeze %dma_start3A_13 : memref<1x64xi32, #tpu.memory_space<vmem>> -> memref<64xi32, #tpu.memory_space<vmem>>
    %dma_start3A_15 = arith.constant 0 : i32
    %dma_start3A_16 = arith.constant 0 : i32
    %dma_start3A_17 = tpu.memref_slice %arg2[%dma_start3A_15, %dma_start3A_16] : memref<100000x128xf32, #tpu.memory_space<hbm>> -> memref<100000x128xf32, #tpu.memory_space<hbm>>
    tpu.enqueue_indirect_dma source(%dma_start3A_17 : memref<100000x128xf32, #tpu.memory_space<hbm>>) target(%arg7 : memref<64x128xf32, #tpu.memory_space<vmem>>) offsets(%dma_start3A_14 : memref<64xi32, #tpu.memory_space<vmem>>) semaphore(%arg15 : memref<!tpu.dma_semaphore, #tpu.memory_space<semaphore_mem>>)
    %dma_start3A_18 = arith.constant 2 : i32
    %dma_start3A_19 = arith.constant 0 : i32
    %dma_start3A_20 = tpu.memref_slice %arg5[%dma_start3A_18, %dma_start3A_19] : memref<400x64xi32, #tpu.memory_space<vmem>> -> memref<1x64xi32, #tpu.memory_space<vmem>>
    %dma_start3A_21 = tpu.memref_squeeze %dma_start3A_20 : memref<1x64xi32, #tpu.memory_space<vmem>> -> memref<64xi32, #tpu.memory_space<vmem>>
    %dma_start3A_22 = arith.constant 0 : i32
    %dma_start3A_23 = arith.constant 0 : i32
    %dma_start3A_24 = tpu.memref_slice %arg2[%dma_start3A_22, %dma_start3A_23] : memref<100000x128xf32, #tpu.memory_space<hbm>> -> memref<100000x128xf32, #tpu.memory_space<hbm>>
    tpu.enqueue_indirect_dma source(%dma_start3A_24 : memref<100000x128xf32, #tpu.memory_space<hbm>>) target(%arg8 : memref<64x128xf32, #tpu.memory_space<vmem>>) offsets(%dma_start3A_21 : memref<64xi32, #tpu.memory_space<vmem>>) semaphore(%arg16 : memref<!tpu.dma_semaphore, #tpu.memory_space<semaphore_mem>>)
    %dma_start3A_25 = arith.constant 3 : i32
    %dma_start3A_26 = arith.constant 0 : i32
    %dma_start3A_27 = tpu.memref_slice %arg5[%dma_start3A_25, %dma_start3A_26] : memref<400x64xi32, #tpu.memory_space<vmem>> -> memref<1x64xi32, #tpu.memory_space<vmem>>
    %dma_start3A_28 = tpu.memref_squeeze %dma_start3A_27 : memref<1x64xi32, #tpu.memory_space<vmem>> -> memref<64xi32, #tpu.memory_space<vmem>>
    %dma_start3A_29 = arith.constant 0 : i32
    %dma_start3A_30 = arith.constant 0 : i32
    %dma_start3A_31 = tpu.memref_slice %arg2[%dma_start3A_29, %dma_start3A_30] : memref<100000x128xf32, #tpu.memory_space<hbm>> -> memref<100000x128xf32, #tpu.memory_space<hbm>>
    tpu.enqueue_indirect_dma source(%dma_start3A_31 : memref<100000x128xf32, #tpu.memory_space<hbm>>) target(%arg9 : memref<64x128xf32, #tpu.memory_space<vmem>>) offsets(%dma_start3A_28 : memref<64xi32, #tpu.memory_space<vmem>>) semaphore(%arg17 : memref<!tpu.dma_semaphore, #tpu.memory_space<semaphore_mem>>)
    %scan3A = arith.constant 0 : i32
    %scan3A_32 = arith.constant 50 : i32
    %scan3A_33 = arith.addi %scan3A, %scan3A_32 : i32
    %scan3A_34 = arith.constant 1 : i32
    scf.for %scan3A_83 = %scan3A to %scan3A_33 step %scan3A_34  : i32 {
      %mul3A_84 = arith.constant 1 : i32
      %mul3A_85 = arith.muli %scan3A_83, %mul3A_84 : i32
      %add3A_86 = arith.constant 0 : i32
      %add3A_87 = arith.addi %add3A_86, %mul3A_85 : i32
      %mul3A_88 = arith.constant 8 : i32
      %mul3A_89 = arith.muli %add3A_87, %mul3A_88 : i32
      %add3A_90 = arith.constant 0 : i32
      %add3A_91 = arith.addi %mul3A_89, %add3A_90 : i32
      %dma_wait3A_92 = arith.constant 0 : i32
      %dma_wait3A_93 = tpu.memref_slice %arg5[%add3A_91, %dma_wait3A_92] : memref<400x64xi32, #tpu.memory_space<vmem>> -> memref<1x64xi32, #tpu.memory_space<vmem>>
      %dma_wait3A_94 = tpu.memref_squeeze %dma_wait3A_93 : memref<1x64xi32, #tpu.memory_space<vmem>> -> memref<64xi32, #tpu.memory_space<vmem>>
      %dma_wait3A_95 = arith.constant 0 : i32
      %dma_wait3A_96 = arith.constant 0 : i32
      %dma_wait3A_97 = tpu.memref_slice %arg2[%dma_wait3A_95, %dma_wait3A_96] : memref<100000x128xf32, #tpu.memory_space<hbm>> -> memref<100000x128xf32, #tpu.memory_space<hbm>>
      tpu.wait_indirect_dma semaphore(%arg14 : memref<!tpu.dma_semaphore, #tpu.memory_space<semaphore_mem>>) src(%dma_wait3A_97 : memref<100000x128xf32, #tpu.memory_space<hbm>>) dst(%arg6 : memref<64x128xf32, #tpu.memory_space<vmem>>)
      %parallel_loop3A = arith.constant 0 : i32
      %parallel_loop3A_98 = arith.constant 64 : i32
      %parallel_loop3A_99 = arith.constant 1 : i32
      scf.for %parallel_loop3A_315 = %parallel_loop3A to %parallel_loop3A_98 step %parallel_loop3A_99  : i32 {
        %parallel_loop3A_316 = arith.index_cast %parallel_loop3A_315 : i32 to index
        %parallel_loop3A_317 = arith.constant 0 : index
        %parallel_loop3A_318 = tpu.vector_load %arg6[%parallel_loop3A_316, %parallel_loop3A_317] {strides = array<i32>} : memref<64x128xf32, #tpu.memory_space<vmem>>, vector<1x16xf32>,
        %parallel_loop3A_319 = vector.shape_cast %parallel_loop3A_318 : vector<1x16xf32> to vector<16xf32>
        %parallel_loop3A_320 = arith.constant 11.3137083 : f32
        %parallel_loop3A_321 = vector.broadcast %parallel_loop3A_320 : f32 to vector<16xf32>
        %parallel_loop3A_322 = arith.mulf %parallel_loop3A_319, %parallel_loop3A_321 : vector<16xf32>
        %parallel_loop3A_323 = arith.index_cast %parallel_loop3A_315 : i32 to index
        %parallel_loop3A_324 = arith.constant 0 : index
        %parallel_loop3A_325 = tpu.vector_load %arg6[%parallel_loop3A_323, %parallel_loop3A_324] {strides = array<i32>} : memref<64x128xf32, #tpu.memory_space<vmem>>, vector<1x16xf32>,
        %parallel_loop3A_326 = vector.shape_cast %parallel_loop3A_325 : vector<1x16xf32> to vector<16xf32>
        %parallel_loop3A_327 = vector.shape_cast %parallel_loop3A_322 : vector<16xf32> to vector<1x16xf32>
        tpu.vector_store %arg6[%parallel_loop3A_323, %parallel_loop3A_324], %parallel_loop3A_327 {strides = array<i32>} : memref<64x128xf32, #tpu.memory_space<vmem>>, vector<1x16xf32>,
        %parallel_loop3A_328 = arith.index_cast %parallel_loop3A_315 : i32 to index
        %parallel_loop3A_329 = arith.constant 16 : index
        %parallel_loop3A_330 = tpu.vector_load %arg6[%parallel_loop3A_328, %parallel_loop3A_329] {strides = array<i32>} : memref<64x128xf32, #tpu.memory_space<vmem>>, vector<1x16xf32>,
        %parallel_loop3A_331 = vector.shape_cast %parallel_loop3A_330 : vector<1x16xf32> to vector<16xf32>
        %parallel_loop3A_332 = arith.constant 11.3137083 : f32
        %parallel_loop3A_333 = vector.broadcast %parallel_loop3A_332 : f32 to vector<16xf32>
        %parallel_loop3A_334 = arith.mulf %parallel_loop3A_331, %parallel_loop3A_333 : vector<16xf32>
        %parallel_loop3A_335 = arith.index_cast %parallel_loop3A_315 : i32 to index
        %parallel_loop3A_336 = arith.constant 16 : index
        %parallel_loop3A_337 = tpu.vector_load %arg6[%parallel_loop3A_335, %parallel_loop3A_336] {strides = array<i32>} : memref<64x128xf32, #tpu.memory_space<vmem>>, vector<1x16xf32>,
        %parallel_loop3A_338 = vector.shape_cast %parallel_loop3A_337 : vector<1x16xf32> to vector<16xf32>
        %parallel_loop3A_339 = vector.shape_cast %parallel_loop3A_334 : vector<16xf32> to vector<1x16xf32>
        tpu.vector_store %arg6[%parallel_loop3A_335, %parallel_loop3A_336], %parallel_loop3A_339 {strides = array<i32>} : memref<64x128xf32, #tpu.memory_space<vmem>>, vector<1x16xf32>,
        %parallel_loop3A_340 = arith.index_cast %parallel_loop3A_315 : i32 to index
        %parallel_loop3A_341 = arith.constant 32 : index
        %parallel_loop3A_342 = tpu.vector_load %arg6[%parallel_loop3A_340, %parallel_loop3A_341] {strides = array<i32>} : memref<64x128xf32, #tpu.memory_space<vmem>>, vector<1x16xf32>,
        %parallel_loop3A_343 = vector.shape_cast %parallel_loop3A_342 : vector<1x16xf32> to vector<16xf32>
        %parallel_loop3A_344 = arith.constant 11.3137083 : f32
        %parallel_loop3A_345 = vector.broadcast %parallel_loop3A_344 : f32 to vector<16xf32>
        %parallel_loop3A_346 = arith.mulf %parallel_loop3A_343, %parallel_loop3A_345 : vector<16xf32>
        %parallel_loop3A_347 = arith.index_cast %parallel_loop3A_315 : i32 to index
        %parallel_loop3A_348 = arith.constant 32 : index
        %parallel_loop3A_349 = tpu.vector_load %arg6[%parallel_loop3A_347, %parallel_loop3A_348] {strides = array<i32>} : memref<64x128xf32, #tpu.memory_space<vmem>>, vector<1x16xf32>,
        %parallel_loop3A_350 = vector.shape_cast %parallel_loop3A_349 : vector<1x16xf32> to vector<16xf32>
        %parallel_loop3A_351 = vector.shape_cast %parallel_loop3A_346 : vector<16xf32> to vector<1x16xf32>
        tpu.vector_store %arg6[%parallel_loop3A_347, %parallel_loop3A_348], %parallel_loop3A_351 {strides = array<i32>} : memref<64x128xf32, #tpu.memory_space<vmem>>, vector<1x16xf32>,
        %parallel_loop3A_352 = arith.index_cast %parallel_loop3A_315 : i32 to index
        %parallel_loop3A_353 = arith.constant 48 : index
        %parallel_loop3A_354 = tpu.vector_load %arg6[%parallel_loop3A_352, %parallel_loop3A_353] {strides = array<i32>} : memref<64x128xf32, #tpu.memory_space<vmem>>, vector<1x16xf32>,
        %parallel_loop3A_355 = vector.shape_cast %parallel_loop3A_354 : vector<1x16xf32> to vector<16xf32>
        %parallel_loop3A_356 = arith.constant 11.3137083 : f32
        %parallel_loop3A_357 = vector.broadcast %parallel_loop3A_356 : f32 to vector<16xf32>
        %parallel_loop3A_358 = arith.mulf %parallel_loop3A_355, %parallel_loop3A_357 : vector<16xf32>
        %parallel_loop3A_359 = arith.index_cast %parallel_loop3A_315 : i32 to index
        %parallel_loop3A_360 = arith.constant 48 : index
        %parallel_loop3A_361 = tpu.vector_load %arg6[%parallel_loop3A_359, %parallel_loop3A_360] {strides = array<i32>} : memref<64x128xf32, #tpu.memory_space<vmem>>, vector<1x16xf32>,
        %parallel_loop3A_362 = vector.shape_cast %parallel_loop3A_361 : vector<1x16xf32> to vector<16xf32>
        %parallel_loop3A_363 = vector.shape_cast %parallel_loop3A_358 : vector<16xf32> to vector<1x16xf32>
        tpu.vector_store %arg6[%parallel_loop3A_359, %parallel_loop3A_360], %parallel_loop3A_363 {strides = array<i32>} : memref<64x128xf32, #tpu.memory_space<vmem>>, vector<1x16xf32>,
        %parallel_loop3A_364 = arith.index_cast %parallel_loop3A_315 : i32 to index
        %parallel_loop3A_365 = arith.constant 64 : index
        %parallel_loop3A_366 = tpu.vector_load %arg6[%parallel_loop3A_364, %parallel_loop3A_365] {strides = array<i32>} : memref<64x128xf32, #tpu.memory_space<vmem>>, vector<1x16xf32>,
        %parallel_loop3A_367 = vector.shape_cast %parallel_loop3A_366 : vector<1x16xf32> to vector<16xf32>
        %parallel_loop3A_368 = arith.constant 11.3137083 : f32
        %parallel_loop3A_369 = vector.broadcast %parallel_loop3A_368 : f32 to vector<16xf32>
        %parallel_loop3A_370 = arith.mulf %parallel_loop3A_367, %parallel_loop3A_369 : vector<16xf32>
        %parallel_loop3A_371 = arith.index_cast %parallel_loop3A_315 : i32 to index
        %parallel_loop3A_372 = arith.constant 64 : index
        %parallel_loop3A_373 = tpu.vector_load %arg6[%parallel_loop3A_371, %parallel_loop3A_372] {strides = array<i32>} : memref<64x128xf32, #tpu.memory_space<vmem>>, vector<1x16xf32>,
        %parallel_loop3A_374 = vector.shape_cast %parallel_loop3A_373 : vector<1x16xf32> to vector<16xf32>
        %parallel_loop3A_375 = vector.shape_cast %parallel_loop3A_370 : vector<16xf32> to vector<1x16xf32>
        tpu.vector_store %arg6[%parallel_loop3A_371, %parallel_loop3A_372], %parallel_loop3A_375 {strides = array<i32>} : memref<64x128xf32, #tpu.memory_space<vmem>>, vector<1x16xf32>,
        %parallel_loop3A_376 = arith.index_cast %parallel_loop3A_315 : i32 to index
        %parallel_loop3A_377 = arith.constant 80 : index
        %parallel_loop3A_378 = tpu.vector_load %arg6[%parallel_loop3A_376, %parallel_loop3A_377] {strides = array<i32>} : memref<64x128xf32, #tpu.memory_space<vmem>>, vector<1x16xf32>,
        %parallel_loop3A_379 = vector.shape_cast %parallel_loop3A_378 : vector<1x16xf32> to vector<16xf32>
        %parallel_loop3A_380 = arith.constant 11.3137083 : f32
        %parallel_loop3A_381 = vector.broadcast %parallel_loop3A_380 : f32 to vector<16xf32>
        %parallel_loop3A_382 = arith.mulf %parallel_loop3A_379, %parallel_loop3A_381 : vector<16xf32>
        %parallel_loop3A_383 = arith.index_cast %parallel_loop3A_315 : i32 to index
        %parallel_loop3A_384 = arith.constant 80 : index
        %parallel_loop3A_385 = tpu.vector_load %arg6[%parallel_loop3A_383, %parallel_loop3A_384] {strides = array<i32>} : memref<64x128xf32, #tpu.memory_space<vmem>>, vector<1x16xf32>,
        %parallel_loop3A_386 = vector.shape_cast %parallel_loop3A_385 : vector<1x16xf32> to vector<16xf32>
        %parallel_loop3A_387 = vector.shape_cast %parallel_loop3A_382 : vector<16xf32> to vector<1x16xf32>
        tpu.vector_store %arg6[%parallel_loop3A_383, %parallel_loop3A_384], %parallel_loop3A_387 {strides = array<i32>} : memref<64x128xf32, #tpu.memory_space<vmem>>, vector<1x16xf32>,
        %parallel_loop3A_388 = arith.index_cast %parallel_loop3A_315 : i32 to index
        %parallel_loop3A_389 = arith.constant 96 : index
        %parallel_loop3A_390 = tpu.vector_load %arg6[%parallel_loop3A_388, %parallel_loop3A_389] {strides = array<i32>} : memref<64x128xf32, #tpu.memory_space<vmem>>, vector<1x16xf32>,
        %parallel_loop3A_391 = vector.shape_cast %parallel_loop3A_390 : vector<1x16xf32> to vector<16xf32>
        %parallel_loop3A_392 = arith.constant 11.3137083 : f32
        %parallel_loop3A_393 = vector.broadcast %parallel_loop3A_392 : f32 to vector<16xf32>
        %parallel_loop3A_394 = arith.mulf %parallel_loop3A_391, %parallel_loop3A_393 : vector<16xf32>
        %parallel_loop3A_395 = arith.index_cast %parallel_loop3A_315 : i32 to index
        %parallel_loop3A_396 = arith.constant 96 : index
        %parallel_loop3A_397 = tpu.vector_load %arg6[%parallel_loop3A_395, %parallel_loop3A_396] {strides = array<i32>} : memref<64x128xf32, #tpu.memory_space<vmem>>, vector<1x16xf32>,
        %parallel_loop3A_398 = vector.shape_cast %parallel_loop3A_397 : vector<1x16xf32> to vector<16xf32>
        %parallel_loop3A_399 = vector.shape_cast %parallel_loop3A_394 : vector<16xf32> to vector<1x16xf32>
        tpu.vector_store %arg6[%parallel_loop3A_395, %parallel_loop3A_396], %parallel_loop3A_399 {strides = array<i32>} : memref<64x128xf32, #tpu.memory_space<vmem>>, vector<1x16xf32>,
        %parallel_loop3A_400 = arith.index_cast %parallel_loop3A_315 : i32 to index
        %parallel_loop3A_401 = arith.constant 112 : index
        %parallel_loop3A_402 = tpu.vector_load %arg6[%parallel_loop3A_400, %parallel_loop3A_401] {strides = array<i32>} : memref<64x128xf32, #tpu.memory_space<vmem>>, vector<1x16xf32>,
        %parallel_loop3A_403 = vector.shape_cast %parallel_loop3A_402 : vector<1x16xf32> to vector<16xf32>
        %parallel_loop3A_404 = arith.constant 11.3137083 : f32
        %parallel_loop3A_405 = vector.broadcast %parallel_loop3A_404 : f32 to vector<16xf32>
        %parallel_loop3A_406 = arith.mulf %parallel_loop3A_403, %parallel_loop3A_405 : vector<16xf32>
        %parallel_loop3A_407 = arith.index_cast %parallel_loop3A_315 : i32 to index
        %parallel_loop3A_408 = arith.constant 112 : index
        %parallel_loop3A_409 = tpu.vector_load %arg6[%parallel_loop3A_407, %parallel_loop3A_408] {strides = array<i32>} : memref<64x128xf32, #tpu.memory_space<vmem>>, vector<1x16xf32>,
        %parallel_loop3A_410 = vector.shape_cast %parallel_loop3A_409 : vector<1x16xf32> to vector<16xf32>
        %parallel_loop3A_411 = vector.shape_cast %parallel_loop3A_406 : vector<16xf32> to vector<1x16xf32>
        tpu.vector_store %arg6[%parallel_loop3A_407, %parallel_loop3A_408], %parallel_loop3A_411 {strides = array<i32>} : memref<64x128xf32, #tpu.memory_space<vmem>>, vector<1x16xf32>,
      } {sc.loop_unroll_factor = 4 : i64, sc.parallel_access}
      %mul3A_100 = arith.constant 64 : i32
      %mul3A_101 = arith.muli %add3A_91, %mul3A_100 : i32
      %add3A_102 = arith.addi %mul3A_2, %mul3A_101 : i32
      %dma_start3A_103 = arith.constant 0 : i32
      %dma_start3A_104 = tpu.memref_slice %arg4[%add3A_102, %dma_start3A_103] : memref<819200x128xf32, #tpu.memory_space<hbm>> -> memref<64x128xf32, #tpu.memory_space<hbm>>
      %dma_start3A_105 = arith.constant 0 : i32
      %dma_start3A_106 = tpu.memref_slice %arg4[%add3A_102, %dma_start3A_105] : memref<819200x128xf32, #tpu.memory_space<hbm>> -> memref<64x128xf32, #tpu.memory_space<hbm>>
      tpu.enqueue_dma source(%arg6 : memref<64x128xf32, #tpu.memory_space<vmem>>) target(%dma_start3A_106 : memref<64x128xf32, #tpu.memory_space<hbm>>) target_semaphore(%arg22 : memref<!tpu.dma_semaphore, #tpu.memory_space<semaphore_mem>>)
      %gt3A = arith.constant 0 : i32
      %gt3A_107 = arith.cmpi sgt, %add3A_87, %gt3A : i32
      %convert_element_type3A = arith.extui %gt3A_107 : i1 to i32
      %cond3A = arith.constant 0 : i32
      %cond3A_108 = arith.cmpi ne, %convert_element_type3A, %cond3A : i32
      scf.if %cond3A_108 {
        %add3A_315 = arith.constant 4 : i32
        %add3A_316 = arith.addi %add3A_91, %add3A_315 : i32
        %sub3A = arith.constant 8 : i32
        %sub3A_317 = arith.subi %add3A_316, %sub3A : i32
        %mul3A_318 = arith.constant 64 : i32
        %mul3A_319 = arith.muli %sub3A_317, %mul3A_318 : i32
        %add3A_320 = arith.addi %mul3A_2, %mul3A_319 : i32
        %dma_wait3A_321 = arith.constant 0 : i32
        %dma_wait3A_322 = tpu.memref_slice %arg4[%add3A_320, %dma_wait3A_321] : memref<819200x128xf32, #tpu.memory_space<hbm>> -> memref<64x128xf32, #tpu.memory_space<hbm>>
        %dma_wait3A_323 = arith.constant 0 : i32
        %dma_wait3A_324 = tpu.memref_slice %arg4[%add3A_320, %dma_wait3A_323] : memref<819200x128xf32, #tpu.memory_space<hbm>> -> memref<64x128xf32, #tpu.memory_space<hbm>>
        tpu.wait_dma2 semaphore(%arg26 : memref<!tpu.dma_semaphore, #tpu.memory_space<semaphore_mem>>) src(%arg10 : memref<64x128xf32, #tpu.memory_space<vmem>>) dst(%dma_wait3A_324 : memref<64x128xf32, #tpu.memory_space<hbm>>)
      } else {
      }
      %add3A_109 = arith.constant 4 : i32
      %add3A_110 = arith.addi %add3A_91, %add3A_109 : i32
      %dma_start3A_111 = arith.constant 0 : i32
      %dma_start3A_112 = tpu.memref_slice %arg5[%add3A_110, %dma_start3A_111] : memref<400x64xi32, #tpu.memory_space<vmem>> -> memref<1x64xi32, #tpu.memory_space<vmem>>
      %dma_start3A_113 = tpu.memref_squeeze %dma_start3A_112 : memref<1x64xi32, #tpu.memory_space<vmem>> -> memref<64xi32, #tpu.memory_space<vmem>>
      %dma_start3A_114 = arith.constant 0 : i32
      %dma_start3A_115 = arith.constant 0 : i32
      %dma_start3A_116 = tpu.memref_slice %arg2[%dma_start3A_114, %dma_start3A_115] : memref<100000x128xf32, #tpu.memory_space<hbm>> -> memref<100000x128xf32, #tpu.memory_space<hbm>>
      tpu.enqueue_indirect_dma source(%dma_start3A_116 : memref<100000x128xf32, #tpu.memory_space<hbm>>) target(%arg10 : memref<64x128xf32, #tpu.memory_space<vmem>>) offsets(%dma_start3A_113 : memref<64xi32, #tpu.memory_space<vmem>>) semaphore(%arg18 : memref<!tpu.dma_semaphore, #tpu.memory_space<semaphore_mem>>)
      %mul3A_117 = arith.constant 8 : i32
      %mul3A_118 = arith.muli %add3A_87, %mul3A_117 : i32
      %add3A_119 = arith.constant 1 : i32
      %add3A_120 = arith.addi %mul3A_118, %add3A_119 : i32
      %dma_wait3A_121 = arith.constant 0 : i32
      %dma_wait3A_122 = tpu.memref_slice %arg5[%add3A_120, %dma_wait3A_121] : memref<400x64xi32, #tpu.memory_space<vmem>> -> memref<1x64xi32, #tpu.memory_space<vmem>>
      %dma_wait3A_123 = tpu.memref_squeeze %dma_wait3A_122 : memref<1x64xi32, #tpu.memory_space<vmem>> -> memref<64xi32, #tpu.memory_space<vmem>>
      %dma_wait3A_124 = arith.constant 0 : i32
      %dma_wait3A_125 = arith.constant 0 : i32
      %dma_wait3A_126 = tpu.memref_slice %arg2[%dma_wait3A_124, %dma_wait3A_125] : memref<100000x128xf32, #tpu.memory_space<hbm>> -> memref<100000x128xf32, #tpu.memory_space<hbm>>
      tpu.wait_indirect_dma semaphore(%arg15 : memref<!tpu.dma_semaphore, #tpu.memory_space<semaphore_mem>>) src(%dma_wait3A_126 : memref<100000x128xf32, #tpu.memory_space<hbm>>) dst(%arg7 : memref<64x128xf32, #tpu.memory_space<vmem>>)
      %parallel_loop3A_127 = arith.constant 0 : i32
      %parallel_loop3A_128 = arith.constant 64 : i32
      %parallel_loop3A_129 = arith.constant 1 : i32
      scf.for %parallel_loop3A_315 = %parallel_loop3A_127 to %parallel_loop3A_128 step %parallel_loop3A_129  : i32 {
        %parallel_loop3A_316 = arith.index_cast %parallel_loop3A_315 : i32 to index
        %parallel_loop3A_317 = arith.constant 0 : index
        %parallel_loop3A_318 = tpu.vector_load %arg7[%parallel_loop3A_316, %parallel_loop3A_317] {strides = array<i32>} : memref<64x128xf32, #tpu.memory_space<vmem>>, vector<1x16xf32>,
        %parallel_loop3A_319 = vector.shape_cast %parallel_loop3A_318 : vector<1x16xf32> to vector<16xf32>
        %parallel_loop3A_320 = arith.constant 11.3137083 : f32
        %parallel_loop3A_321 = vector.broadcast %parallel_loop3A_320 : f32 to vector<16xf32>
        %parallel_loop3A_322 = arith.mulf %parallel_loop3A_319, %parallel_loop3A_321 : vector<16xf32>
        %parallel_loop3A_323 = arith.index_cast %parallel_loop3A_315 : i32 to index
        %parallel_loop3A_324 = arith.constant 0 : index
        %parallel_loop3A_325 = tpu.vector_load %arg7[%parallel_loop3A_323, %parallel_loop3A_324] {strides = array<i32>} : memref<64x128xf32, #tpu.memory_space<vmem>>, vector<1x16xf32>,
        %parallel_loop3A_326 = vector.shape_cast %parallel_loop3A_325 : vector<1x16xf32> to vector<16xf32>
        %parallel_loop3A_327 = vector.shape_cast %parallel_loop3A_322 : vector<16xf32> to vector<1x16xf32>
        tpu.vector_store %arg7[%parallel_loop3A_323, %parallel_loop3A_324], %parallel_loop3A_327 {strides = array<i32>} : memref<64x128xf32, #tpu.memory_space<vmem>>, vector<1x16xf32>,
        %parallel_loop3A_328 = arith.index_cast %parallel_loop3A_315 : i32 to index
        %parallel_loop3A_329 = arith.constant 16 : index
        %parallel_loop3A_330 = tpu.vector_load %arg7[%parallel_loop3A_328, %parallel_loop3A_329] {strides = array<i32>} : memref<64x128xf32, #tpu.memory_space<vmem>>, vector<1x16xf32>,
        %parallel_loop3A_331 = vector.shape_cast %parallel_loop3A_330 : vector<1x16xf32> to vector<16xf32>
        %parallel_loop3A_332 = arith.constant 11.3137083 : f32
        %parallel_loop3A_333 = vector.broadcast %parallel_loop3A_332 : f32 to vector<16xf32>
        %parallel_loop3A_334 = arith.mulf %parallel_loop3A_331, %parallel_loop3A_333 : vector<16xf32>
        %parallel_loop3A_335 = arith.index_cast %parallel_loop3A_315 : i32 to index
        %parallel_loop3A_336 = arith.constant 16 : index
        %parallel_loop3A_337 = tpu.vector_load %arg7[%parallel_loop3A_335, %parallel_loop3A_336] {strides = array<i32>} : memref<64x128xf32, #tpu.memory_space<vmem>>, vector<1x16xf32>,
        %parallel_loop3A_338 = vector.shape_cast %parallel_loop3A_337 : vector<1x16xf32> to vector<16xf32>
        %parallel_loop3A_339 = vector.shape_cast %parallel_loop3A_334 : vector<16xf32> to vector<1x16xf32>
        tpu.vector_store %arg7[%parallel_loop3A_335, %parallel_loop3A_336], %parallel_loop3A_339 {strides = array<i32>} : memref<64x128xf32, #tpu.memory_space<vmem>>, vector<1x16xf32>,
        %parallel_loop3A_340 = arith.index_cast %parallel_loop3A_315 : i32 to index
        %parallel_loop3A_341 = arith.constant 32 : index
        %parallel_loop3A_342 = tpu.vector_load %arg7[%parallel_loop3A_340, %parallel_loop3A_341] {strides = array<i32>} : memref<64x128xf32, #tpu.memory_space<vmem>>, vector<1x16xf32>,
        %parallel_loop3A_343 = vector.shape_cast %parallel_loop3A_342 : vector<1x16xf32> to vector<16xf32>
        %parallel_loop3A_344 = arith.constant 11.3137083 : f32
        %parallel_loop3A_345 = vector.broadcast %parallel_loop3A_344 : f32 to vector<16xf32>
        %parallel_loop3A_346 = arith.mulf %parallel_loop3A_343, %parallel_loop3A_345 : vector<16xf32>
        %parallel_loop3A_347 = arith.index_cast %parallel_loop3A_315 : i32 to index
        %parallel_loop3A_348 = arith.constant 32 : index
        %parallel_loop3A_349 = tpu.vector_load %arg7[%parallel_loop3A_347, %parallel_loop3A_348] {strides = array<i32>} : memref<64x128xf32, #tpu.memory_space<vmem>>, vector<1x16xf32>,
        %parallel_loop3A_350 = vector.shape_cast %parallel_loop3A_349 : vector<1x16xf32> to vector<16xf32>
        %parallel_loop3A_351 = vector.shape_cast %parallel_loop3A_346 : vector<16xf32> to vector<1x16xf32>
        tpu.vector_store %arg7[%parallel_loop3A_347, %parallel_loop3A_348], %parallel_loop3A_351 {strides = array<i32>} : memref<64x128xf32, #tpu.memory_space<vmem>>, vector<1x16xf32>,
        %parallel_loop3A_352 = arith.index_cast %parallel_loop3A_315 : i32 to index
        %parallel_loop3A_353 = arith.constant 48 : index
        %parallel_loop3A_354 = tpu.vector_load %arg7[%parallel_loop3A_352, %parallel_loop3A_353] {strides = array<i32>} : memref<64x128xf32, #tpu.memory_space<vmem>>, vector<1x16xf32>,
        %parallel_loop3A_355 = vector.shape_cast %parallel_loop3A_354 : vector<1x16xf32> to vector<16xf32>
        %parallel_loop3A_356 = arith.constant 11.3137083 : f32
        %parallel_loop3A_357 = vector.broadcast %parallel_loop3A_356 : f32 to vector<16xf32>
        %parallel_loop3A_358 = arith.mulf %parallel_loop3A_355, %parallel_loop3A_357 : vector<16xf32>
        %parallel_loop3A_359 = arith.index_cast %parallel_loop3A_315 : i32 to index
        %parallel_loop3A_360 = arith.constant 48 : index
        %parallel_loop3A_361 = tpu.vector_load %arg7[%parallel_loop3A_359, %parallel_loop3A_360] {strides = array<i32>} : memref<64x128xf32, #tpu.memory_space<vmem>>, vector<1x16xf32>,
        %parallel_loop3A_362 = vector.shape_cast %parallel_loop3A_361 : vector<1x16xf32> to vector<16xf32>
        %parallel_loop3A_363 = vector.shape_cast %parallel_loop3A_358 : vector<16xf32> to vector<1x16xf32>
        tpu.vector_store %arg7[%parallel_loop3A_359, %parallel_loop3A_360], %parallel_loop3A_363 {strides = array<i32>} : memref<64x128xf32, #tpu.memory_space<vmem>>, vector<1x16xf32>,
        %parallel_loop3A_364 = arith.index_cast %parallel_loop3A_315 : i32 to index
        %parallel_loop3A_365 = arith.constant 64 : index
        %parallel_loop3A_366 = tpu.vector_load %arg7[%parallel_loop3A_364, %parallel_loop3A_365] {strides = array<i32>} : memref<64x128xf32, #tpu.memory_space<vmem>>, vector<1x16xf32>,
        %parallel_loop3A_367 = vector.shape_cast %parallel_loop3A_366 : vector<1x16xf32> to vector<16xf32>
        %parallel_loop3A_368 = arith.constant 11.3137083 : f32
        %parallel_loop3A_369 = vector.broadcast %parallel_loop3A_368 : f32 to vector<16xf32>
        %parallel_loop3A_370 = arith.mulf %parallel_loop3A_367, %parallel_loop3A_369 : vector<16xf32>
        %parallel_loop3A_371 = arith.index_cast %parallel_loop3A_315 : i32 to index
        %parallel_loop3A_372 = arith.constant 64 : index
        %parallel_loop3A_373 = tpu.vector_load %arg7[%parallel_loop3A_371, %parallel_loop3A_372] {strides = array<i32>} : memref<64x128xf32, #tpu.memory_space<vmem>>, vector<1x16xf32>,
        %parallel_loop3A_374 = vector.shape_cast %parallel_loop3A_373 : vector<1x16xf32> to vector<16xf32>
        %parallel_loop3A_375 = vector.shape_cast %parallel_loop3A_370 : vector<16xf32> to vector<1x16xf32>
        tpu.vector_store %arg7[%parallel_loop3A_371, %parallel_loop3A_372], %parallel_loop3A_375 {strides = array<i32>} : memref<64x128xf32, #tpu.memory_space<vmem>>, vector<1x16xf32>,
        %parallel_loop3A_376 = arith.index_cast %parallel_loop3A_315 : i32 to index
        %parallel_loop3A_377 = arith.constant 80 : index
        %parallel_loop3A_378 = tpu.vector_load %arg7[%parallel_loop3A_376, %parallel_loop3A_377] {strides = array<i32>} : memref<64x128xf32, #tpu.memory_space<vmem>>, vector<1x16xf32>,
        %parallel_loop3A_379 = vector.shape_cast %parallel_loop3A_378 : vector<1x16xf32> to vector<16xf32>
        %parallel_loop3A_380 = arith.constant 11.3137083 : f32
        %parallel_loop3A_381 = vector.broadcast %parallel_loop3A_380 : f32 to vector<16xf32>
        %parallel_loop3A_382 = arith.mulf %parallel_loop3A_379, %parallel_loop3A_381 : vector<16xf32>
        %parallel_loop3A_383 = arith.index_cast %parallel_loop3A_315 : i32 to index
        %parallel_loop3A_384 = arith.constant 80 : index
        %parallel_loop3A_385 = tpu.vector_load %arg7[%parallel_loop3A_383, %parallel_loop3A_384] {strides = array<i32>} : memref<64x128xf32, #tpu.memory_space<vmem>>, vector<1x16xf32>,
        %parallel_loop3A_386 = vector.shape_cast %parallel_loop3A_385 : vector<1x16xf32> to vector<16xf32>
        %parallel_loop3A_387 = vector.shape_cast %parallel_loop3A_382 : vector<16xf32> to vector<1x16xf32>
        tpu.vector_store %arg7[%parallel_loop3A_383, %parallel_loop3A_384], %parallel_loop3A_387 {strides = array<i32>} : memref<64x128xf32, #tpu.memory_space<vmem>>, vector<1x16xf32>,
        %parallel_loop3A_388 = arith.index_cast %parallel_loop3A_315 : i32 to index
        %parallel_loop3A_389 = arith.constant 96 : index
        %parallel_loop3A_390 = tpu.vector_load %arg7[%parallel_loop3A_388, %parallel_loop3A_389] {strides = array<i32>} : memref<64x128xf32, #tpu.memory_space<vmem>>, vector<1x16xf32>,
        %parallel_loop3A_391 = vector.shape_cast %parallel_loop3A_390 : vector<1x16xf32> to vector<16xf32>
        %parallel_loop3A_392 = arith.constant 11.3137083 : f32
        %parallel_loop3A_393 = vector.broadcast %parallel_loop3A_392 : f32 to vector<16xf32>
        %parallel_loop3A_394 = arith.mulf %parallel_loop3A_391, %parallel_loop3A_393 : vector<16xf32>
        %parallel_loop3A_395 = arith.index_cast %parallel_loop3A_315 : i32 to index
        %parallel_loop3A_396 = arith.constant 96 : index
        %parallel_loop3A_397 = tpu.vector_load %arg7[%parallel_loop3A_395, %parallel_loop3A_396] {strides = array<i32>} : memref<64x128xf32, #tpu.memory_space<vmem>>, vector<1x16xf32>,
        %parallel_loop3A_398 = vector.shape_cast %parallel_loop3A_397 : vector<1x16xf32> to vector<16xf32>
        %parallel_loop3A_399 = vector.shape_cast %parallel_loop3A_394 : vector<16xf32> to vector<1x16xf32>
        tpu.vector_store %arg7[%parallel_loop3A_395, %parallel_loop3A_396], %parallel_loop3A_399 {strides = array<i32>} : memref<64x128xf32, #tpu.memory_space<vmem>>, vector<1x16xf32>,
        %parallel_loop3A_400 = arith.index_cast %parallel_loop3A_315 : i32 to index
        %parallel_loop3A_401 = arith.constant 112 : index
        %parallel_loop3A_402 = tpu.vector_load %arg7[%parallel_loop3A_400, %parallel_loop3A_401] {strides = array<i32>} : memref<64x128xf32, #tpu.memory_space<vmem>>, vector<1x16xf32>,
        %parallel_loop3A_403 = vector.shape_cast %parallel_loop3A_402 : vector<1x16xf32> to vector<16xf32>
        %parallel_loop3A_404 = arith.constant 11.3137083 : f32
        %parallel_loop3A_405 = vector.broadcast %parallel_loop3A_404 : f32 to vector<16xf32>
        %parallel_loop3A_406 = arith.mulf %parallel_loop3A_403, %parallel_loop3A_405 : vector<16xf32>
        %parallel_loop3A_407 = arith.index_cast %parallel_loop3A_315 : i32 to index
        %parallel_loop3A_408 = arith.constant 112 : index
        %parallel_loop3A_409 = tpu.vector_load %arg7[%parallel_loop3A_407, %parallel_loop3A_408] {strides = array<i32>} : memref<64x128xf32, #tpu.memory_space<vmem>>, vector<1x16xf32>,
        %parallel_loop3A_410 = vector.shape_cast %parallel_loop3A_409 : vector<1x16xf32> to vector<16xf32>
        %parallel_loop3A_411 = vector.shape_cast %parallel_loop3A_406 : vector<16xf32> to vector<1x16xf32>
        tpu.vector_store %arg7[%parallel_loop3A_407, %parallel_loop3A_408], %parallel_loop3A_411 {strides = array<i32>} : memref<64x128xf32, #tpu.memory_space<vmem>>, vector<1x16xf32>,
      } {sc.loop_unroll_factor = 4 : i64, sc.parallel_access}
      %mul3A_130 = arith.constant 64 : i32
      %mul3A_131 = arith.muli %add3A_120, %mul3A_130 : i32
      %add3A_132 = arith.addi %mul3A_2, %mul3A_131 : i32
      %dma_start3A_133 = arith.constant 0 : i32
      %dma_start3A_134 = tpu.memref_slice %arg4[%add3A_132, %dma_start3A_133] : memref<819200x128xf32, #tpu.memory_space<hbm>> -> memref<64x128xf32, #tpu.memory_space<hbm>>
      %dma_start3A_135 = arith.constant 0 : i32
      %dma_start3A_136 = tpu.memref_slice %arg4[%add3A_132, %dma_start3A_135] : memref<819200x128xf32, #tpu.memory_space<hbm>> -> memref<64x128xf32, #tpu.memory_space<hbm>>
      tpu.enqueue_dma source(%arg7 : memref<64x128xf32, #tpu.memory_space<vmem>>) target(%dma_start3A_136 : memref<64x128xf32, #tpu.memory_space<hbm>>) target_semaphore(%arg23 : memref<!tpu.dma_semaphore, #tpu.memory_space<semaphore_mem>>)
      %gt3A_137 = arith.constant 0 : i32
      %gt3A_138 = arith.cmpi sgt, %add3A_87, %gt3A_137 : i32
      %convert_element_type3A_139 = arith.extui %gt3A_138 : i1 to i32
      %cond3A_140 = arith.constant 0 : i32
      %cond3A_141 = arith.cmpi ne, %convert_element_type3A_139, %cond3A_140 : i32
      scf.if %cond3A_141 {
        %add3A_315 = arith.constant 4 : i32
        %add3A_316 = arith.addi %add3A_120, %add3A_315 : i32
        %sub3A = arith.constant 8 : i32
        %sub3A_317 = arith.subi %add3A_316, %sub3A : i32
        %mul3A_318 = arith.constant 64 : i32
        %mul3A_319 = arith.muli %sub3A_317, %mul3A_318 : i32
        %add3A_320 = arith.addi %mul3A_2, %mul3A_319 : i32
        %dma_wait3A_321 = arith.constant 0 : i32
        %dma_wait3A_322 = tpu.memref_slice %arg4[%add3A_320, %dma_wait3A_321] : memref<819200x128xf32, #tpu.memory_space<hbm>> -> memref<64x128xf32, #tpu.memory_space<hbm>>
        %dma_wait3A_323 = arith.constant 0 : i32
        %dma_wait3A_324 = tpu.memref_slice %arg4[%add3A_320, %dma_wait3A_323] : memref<819200x128xf32, #tpu.memory_space<hbm>> -> memref<64x128xf32, #tpu.memory_space<hbm>>
        tpu.wait_dma2 semaphore(%arg27 : memref<!tpu.dma_semaphore, #tpu.memory_space<semaphore_mem>>) src(%arg11 : memref<64x128xf32, #tpu.memory_space<vmem>>) dst(%dma_wait3A_324 : memref<64x128xf32, #tpu.memory_space<hbm>>)
      } else {
      }
      %add3A_142 = arith.constant 4 : i32
      %add3A_143 = arith.addi %add3A_120, %add3A_142 : i32
      %dma_start3A_144 = arith.constant 0 : i32
      %dma_start3A_145 = tpu.memref_slice %arg5[%add3A_143, %dma_start3A_144] : memref<400x64xi32, #tpu.memory_space<vmem>> -> memref<1x64xi32, #tpu.memory_space<vmem>>
      %dma_start3A_146 = tpu.memref_squeeze %dma_start3A_145 : memref<1x64xi32, #tpu.memory_space<vmem>> -> memref<64xi32, #tpu.memory_space<vmem>>
      %dma_start3A_147 = arith.constant 0 : i32
      %dma_start3A_148 = arith.constant 0 : i32
      %dma_start3A_149 = tpu.memref_slice %arg2[%dma_start3A_147, %dma_start3A_148] : memref<100000x128xf32, #tpu.memory_space<hbm>> -> memref<100000x128xf32, #tpu.memory_space<hbm>>
      tpu.enqueue_indirect_dma source(%dma_start3A_149 : memref<100000x128xf32, #tpu.memory_space<hbm>>) target(%arg11 : memref<64x128xf32, #tpu.memory_space<vmem>>) offsets(%dma_start3A_146 : memref<64xi32, #tpu.memory_space<vmem>>) semaphore(%arg19 : memref<!tpu.dma_semaphore, #tpu.memory_space<semaphore_mem>>)
      %mul3A_150 = arith.constant 8 : i32
      %mul3A_151 = arith.muli %add3A_87, %mul3A_150 : i32
      %add3A_152 = arith.constant 2 : i32
      %add3A_153 = arith.addi %mul3A_151, %add3A_152 : i32
      %dma_wait3A_154 = arith.constant 0 : i32
      %dma_wait3A_155 = tpu.memref_slice %arg5[%add3A_153, %dma_wait3A_154] : memref<400x64xi32, #tpu.memory_space<vmem>> -> memref<1x64xi32, #tpu.memory_space<vmem>>
      %dma_wait3A_156 = tpu.memref_squeeze %dma_wait3A_155 : memref<1x64xi32, #tpu.memory_space<vmem>> -> memref<64xi32, #tpu.memory_space<vmem>>
      %dma_wait3A_157 = arith.constant 0 : i32
      %dma_wait3A_158 = arith.constant 0 : i32
      %dma_wait3A_159 = tpu.memref_slice %arg2[%dma_wait3A_157, %dma_wait3A_158] : memref<100000x128xf32, #tpu.memory_space<hbm>> -> memref<100000x128xf32, #tpu.memory_space<hbm>>
      tpu.wait_indirect_dma semaphore(%arg16 : memref<!tpu.dma_semaphore, #tpu.memory_space<semaphore_mem>>) src(%dma_wait3A_159 : memref<100000x128xf32, #tpu.memory_space<hbm>>) dst(%arg8 : memref<64x128xf32, #tpu.memory_space<vmem>>)
      %parallel_loop3A_160 = arith.constant 0 : i32
      %parallel_loop3A_161 = arith.constant 64 : i32
      %parallel_loop3A_162 = arith.constant 1 : i32
      scf.for %parallel_loop3A_315 = %parallel_loop3A_160 to %parallel_loop3A_161 step %parallel_loop3A_162  : i32 {
        %parallel_loop3A_316 = arith.index_cast %parallel_loop3A_315 : i32 to index
        %parallel_loop3A_317 = arith.constant 0 : index
        %parallel_loop3A_318 = tpu.vector_load %arg8[%parallel_loop3A_316, %parallel_loop3A_317] {strides = array<i32>} : memref<64x128xf32, #tpu.memory_space<vmem>>, vector<1x16xf32>,
        %parallel_loop3A_319 = vector.shape_cast %parallel_loop3A_318 : vector<1x16xf32> to vector<16xf32>
        %parallel_loop3A_320 = arith.constant 11.3137083 : f32
        %parallel_loop3A_321 = vector.broadcast %parallel_loop3A_320 : f32 to vector<16xf32>
        %parallel_loop3A_322 = arith.mulf %parallel_loop3A_319, %parallel_loop3A_321 : vector<16xf32>
        %parallel_loop3A_323 = arith.index_cast %parallel_loop3A_315 : i32 to index
        %parallel_loop3A_324 = arith.constant 0 : index
        %parallel_loop3A_325 = tpu.vector_load %arg8[%parallel_loop3A_323, %parallel_loop3A_324] {strides = array<i32>} : memref<64x128xf32, #tpu.memory_space<vmem>>, vector<1x16xf32>,
        %parallel_loop3A_326 = vector.shape_cast %parallel_loop3A_325 : vector<1x16xf32> to vector<16xf32>
        %parallel_loop3A_327 = vector.shape_cast %parallel_loop3A_322 : vector<16xf32> to vector<1x16xf32>
        tpu.vector_store %arg8[%parallel_loop3A_323, %parallel_loop3A_324], %parallel_loop3A_327 {strides = array<i32>} : memref<64x128xf32, #tpu.memory_space<vmem>>, vector<1x16xf32>,
        %parallel_loop3A_328 = arith.index_cast %parallel_loop3A_315 : i32 to index
        %parallel_loop3A_329 = arith.constant 16 : index
        %parallel_loop3A_330 = tpu.vector_load %arg8[%parallel_loop3A_328, %parallel_loop3A_329] {strides = array<i32>} : memref<64x128xf32, #tpu.memory_space<vmem>>, vector<1x16xf32>,
        %parallel_loop3A_331 = vector.shape_cast %parallel_loop3A_330 : vector<1x16xf32> to vector<16xf32>
        %parallel_loop3A_332 = arith.constant 11.3137083 : f32
        %parallel_loop3A_333 = vector.broadcast %parallel_loop3A_332 : f32 to vector<16xf32>
        %parallel_loop3A_334 = arith.mulf %parallel_loop3A_331, %parallel_loop3A_333 : vector<16xf32>
        %parallel_loop3A_335 = arith.index_cast %parallel_loop3A_315 : i32 to index
        %parallel_loop3A_336 = arith.constant 16 : index
        %parallel_loop3A_337 = tpu.vector_load %arg8[%parallel_loop3A_335, %parallel_loop3A_336] {strides = array<i32>} : memref<64x128xf32, #tpu.memory_space<vmem>>, vector<1x16xf32>,
        %parallel_loop3A_338 = vector.shape_cast %parallel_loop3A_337 : vector<1x16xf32> to vector<16xf32>
        %parallel_loop3A_339 = vector.shape_cast %parallel_loop3A_334 : vector<16xf32> to vector<1x16xf32>
        tpu.vector_store %arg8[%parallel_loop3A_335, %parallel_loop3A_336], %parallel_loop3A_339 {strides = array<i32>} : memref<64x128xf32, #tpu.memory_space<vmem>>, vector<1x16xf32>,
        %parallel_loop3A_340 = arith.index_cast %parallel_loop3A_315 : i32 to index
        %parallel_loop3A_341 = arith.constant 32 : index
        %parallel_loop3A_342 = tpu.vector_load %arg8[%parallel_loop3A_340, %parallel_loop3A_341] {strides = array<i32>} : memref<64x128xf32, #tpu.memory_space<vmem>>, vector<1x16xf32>,
        %parallel_loop3A_343 = vector.shape_cast %parallel_loop3A_342 : vector<1x16xf32> to vector<16xf32>
        %parallel_loop3A_344 = arith.constant 11.3137083 : f32
        %parallel_loop3A_345 = vector.broadcast %parallel_loop3A_344 : f32 to vector<16xf32>
        %parallel_loop3A_346 = arith.mulf %parallel_loop3A_343, %parallel_loop3A_345 : vector<16xf32>
        %parallel_loop3A_347 = arith.index_cast %parallel_loop3A_315 : i32 to index
        %parallel_loop3A_348 = arith.constant 32 : index
        %parallel_loop3A_349 = tpu.vector_load %arg8[%parallel_loop3A_347, %parallel_loop3A_348] {strides = array<i32>} : memref<64x128xf32, #tpu.memory_space<vmem>>, vector<1x16xf32>,
        %parallel_loop3A_350 = vector.shape_cast %parallel_loop3A_349 : vector<1x16xf32> to vector<16xf32>
        %parallel_loop3A_351 = vector.shape_cast %parallel_loop3A_346 : vector<16xf32> to vector<1x16xf32>
        tpu.vector_store %arg8[%parallel_loop3A_347, %parallel_loop3A_348], %parallel_loop3A_351 {strides = array<i32>} : memref<64x128xf32, #tpu.memory_space<vmem>>, vector<1x16xf32>,
        %parallel_loop3A_352 = arith.index_cast %parallel_loop3A_315 : i32 to index
        %parallel_loop3A_353 = arith.constant 48 : index
        %parallel_loop3A_354 = tpu.vector_load %arg8[%parallel_loop3A_352, %parallel_loop3A_353] {strides = array<i32>} : memref<64x128xf32, #tpu.memory_space<vmem>>, vector<1x16xf32>,
        %parallel_loop3A_355 = vector.shape_cast %parallel_loop3A_354 : vector<1x16xf32> to vector<16xf32>
        %parallel_loop3A_356 = arith.constant 11.3137083 : f32
        %parallel_loop3A_357 = vector.broadcast %parallel_loop3A_356 : f32 to vector<16xf32>
        %parallel_loop3A_358 = arith.mulf %parallel_loop3A_355, %parallel_loop3A_357 : vector<16xf32>
        %parallel_loop3A_359 = arith.index_cast %parallel_loop3A_315 : i32 to index
        %parallel_loop3A_360 = arith.constant 48 : index
        %parallel_loop3A_361 = tpu.vector_load %arg8[%parallel_loop3A_359, %parallel_loop3A_360] {strides = array<i32>} : memref<64x128xf32, #tpu.memory_space<vmem>>, vector<1x16xf32>,
        %parallel_loop3A_362 = vector.shape_cast %parallel_loop3A_361 : vector<1x16xf32> to vector<16xf32>
        %parallel_loop3A_363 = vector.shape_cast %parallel_loop3A_358 : vector<16xf32> to vector<1x16xf32>
        tpu.vector_store %arg8[%parallel_loop3A_359, %parallel_loop3A_360], %parallel_loop3A_363 {strides = array<i32>} : memref<64x128xf32, #tpu.memory_space<vmem>>, vector<1x16xf32>,
        %parallel_loop3A_364 = arith.index_cast %parallel_loop3A_315 : i32 to index
        %parallel_loop3A_365 = arith.constant 64 : index
        %parallel_loop3A_366 = tpu.vector_load %arg8[%parallel_loop3A_364, %parallel_loop3A_365] {strides = array<i32>} : memref<64x128xf32, #tpu.memory_space<vmem>>, vector<1x16xf32>,
        %parallel_loop3A_367 = vector.shape_cast %parallel_loop3A_366 : vector<1x16xf32> to vector<16xf32>
        %parallel_loop3A_368 = arith.constant 11.3137083 : f32
        %parallel_loop3A_369 = vector.broadcast %parallel_loop3A_368 : f32 to vector<16xf32>
        %parallel_loop3A_370 = arith.mulf %parallel_loop3A_367, %parallel_loop3A_369 : vector<16xf32>
        %parallel_loop3A_371 = arith.index_cast %parallel_loop3A_315 : i32 to index
        %parallel_loop3A_372 = arith.constant 64 : index
        %parallel_loop3A_373 = tpu.vector_load %arg8[%parallel_loop3A_371, %parallel_loop3A_372] {strides = array<i32>} : memref<64x128xf32, #tpu.memory_space<vmem>>, vector<1x16xf32>,
        %parallel_loop3A_374 = vector.shape_cast %parallel_loop3A_373 : vector<1x16xf32> to vector<16xf32>
        %parallel_loop3A_375 = vector.shape_cast %parallel_loop3A_370 : vector<16xf32> to vector<1x16xf32>
        tpu.vector_store %arg8[%parallel_loop3A_371, %parallel_loop3A_372], %parallel_loop3A_375 {strides = array<i32>} : memref<64x128xf32, #tpu.memory_space<vmem>>, vector<1x16xf32>,
        %parallel_loop3A_376 = arith.index_cast %parallel_loop3A_315 : i32 to index
        %parallel_loop3A_377 = arith.constant 80 : index
        %parallel_loop3A_378 = tpu.vector_load %arg8[%parallel_loop3A_376, %parallel_loop3A_377] {strides = array<i32>} : memref<64x128xf32, #tpu.memory_space<vmem>>, vector<1x16xf32>,
        %parallel_loop3A_379 = vector.shape_cast %parallel_loop3A_378 : vector<1x16xf32> to vector<16xf32>
        %parallel_loop3A_380 = arith.constant 11.3137083 : f32
        %parallel_loop3A_381 = vector.broadcast %parallel_loop3A_380 : f32 to vector<16xf32>
        %parallel_loop3A_382 = arith.mulf %parallel_loop3A_379, %parallel_loop3A_381 : vector<16xf32>
        %parallel_loop3A_383 = arith.index_cast %parallel_loop3A_315 : i32 to index
        %parallel_loop3A_384 = arith.constant 80 : index
        %parallel_loop3A_385 = tpu.vector_load %arg8[%parallel_loop3A_383, %parallel_loop3A_384] {strides = array<i32>} : memref<64x128xf32, #tpu.memory_space<vmem>>, vector<1x16xf32>,
        %parallel_loop3A_386 = vector.shape_cast %parallel_loop3A_385 : vector<1x16xf32> to vector<16xf32>
        %parallel_loop3A_387 = vector.shape_cast %parallel_loop3A_382 : vector<16xf32> to vector<1x16xf32>
        tpu.vector_store %arg8[%parallel_loop3A_383, %parallel_loop3A_384], %parallel_loop3A_387 {strides = array<i32>} : memref<64x128xf32, #tpu.memory_space<vmem>>, vector<1x16xf32>,
        %parallel_loop3A_388 = arith.index_cast %parallel_loop3A_315 : i32 to index
        %parallel_loop3A_389 = arith.constant 96 : index
        %parallel_loop3A_390 = tpu.vector_load %arg8[%parallel_loop3A_388, %parallel_loop3A_389] {strides = array<i32>} : memref<64x128xf32, #tpu.memory_space<vmem>>, vector<1x16xf32>,
        %parallel_loop3A_391 = vector.shape_cast %parallel_loop3A_390 : vector<1x16xf32> to vector<16xf32>
        %parallel_loop3A_392 = arith.constant 11.3137083 : f32
        %parallel_loop3A_393 = vector.broadcast %parallel_loop3A_392 : f32 to vector<16xf32>
        %parallel_loop3A_394 = arith.mulf %parallel_loop3A_391, %parallel_loop3A_393 : vector<16xf32>
        %parallel_loop3A_395 = arith.index_cast %parallel_loop3A_315 : i32 to index
        %parallel_loop3A_396 = arith.constant 96 : index
        %parallel_loop3A_397 = tpu.vector_load %arg8[%parallel_loop3A_395, %parallel_loop3A_396] {strides = array<i32>} : memref<64x128xf32, #tpu.memory_space<vmem>>, vector<1x16xf32>,
        %parallel_loop3A_398 = vector.shape_cast %parallel_loop3A_397 : vector<1x16xf32> to vector<16xf32>
        %parallel_loop3A_399 = vector.shape_cast %parallel_loop3A_394 : vector<16xf32> to vector<1x16xf32>
        tpu.vector_store %arg8[%parallel_loop3A_395, %parallel_loop3A_396], %parallel_loop3A_399 {strides = array<i32>} : memref<64x128xf32, #tpu.memory_space<vmem>>, vector<1x16xf32>,
        %parallel_loop3A_400 = arith.index_cast %parallel_loop3A_315 : i32 to index
        %parallel_loop3A_401 = arith.constant 112 : index
        %parallel_loop3A_402 = tpu.vector_load %arg8[%parallel_loop3A_400, %parallel_loop3A_401] {strides = array<i32>} : memref<64x128xf32, #tpu.memory_space<vmem>>, vector<1x16xf32>,
        %parallel_loop3A_403 = vector.shape_cast %parallel_loop3A_402 : vector<1x16xf32> to vector<16xf32>
        %parallel_loop3A_404 = arith.constant 11.3137083 : f32
        %parallel_loop3A_405 = vector.broadcast %parallel_loop3A_404 : f32 to vector<16xf32>
        %parallel_loop3A_406 = arith.mulf %parallel_loop3A_403, %parallel_loop3A_405 : vector<16xf32>
        %parallel_loop3A_407 = arith.index_cast %parallel_loop3A_315 : i32 to index
        %parallel_loop3A_408 = arith.constant 112 : index
        %parallel_loop3A_409 = tpu.vector_load %arg8[%parallel_loop3A_407, %parallel_loop3A_408] {strides = array<i32>} : memref<64x128xf32, #tpu.memory_space<vmem>>, vector<1x16xf32>,
        %parallel_loop3A_410 = vector.shape_cast %parallel_loop3A_409 : vector<1x16xf32> to vector<16xf32>
        %parallel_loop3A_411 = vector.shape_cast %parallel_loop3A_406 : vector<16xf32> to vector<1x16xf32>
        tpu.vector_store %arg8[%parallel_loop3A_407, %parallel_loop3A_408], %parallel_loop3A_411 {strides = array<i32>} : memref<64x128xf32, #tpu.memory_space<vmem>>, vector<1x16xf32>,
      } {sc.loop_unroll_factor = 4 : i64, sc.parallel_access}
      %mul3A_163 = arith.constant 64 : i32
      %mul3A_164 = arith.muli %add3A_153, %mul3A_163 : i32
      %add3A_165 = arith.addi %mul3A_2, %mul3A_164 : i32
      %dma_start3A_166 = arith.constant 0 : i32
      %dma_start3A_167 = tpu.memref_slice %arg4[%add3A_165, %dma_start3A_166] : memref<819200x128xf32, #tpu.memory_space<hbm>> -> memref<64x128xf32, #tpu.memory_space<hbm>>
      %dma_start3A_168 = arith.constant 0 : i32
      %dma_start3A_169 = tpu.memref_slice %arg4[%add3A_165, %dma_start3A_168] : memref<819200x128xf32, #tpu.memory_space<hbm>> -> memref<64x128xf32, #tpu.memory_space<hbm>>
      tpu.enqueue_dma source(%arg8 : memref<64x128xf32, #tpu.memory_space<vmem>>) target(%dma_start3A_169 : memref<64x128xf32, #tpu.memory_space<hbm>>) target_semaphore(%arg24 : memref<!tpu.dma_semaphore, #tpu.memory_space<semaphore_mem>>)
      %gt3A_170 = arith.constant 0 : i32
      %gt3A_171 = arith.cmpi sgt, %add3A_87, %gt3A_170 : i32
      %convert_element_type3A_172 = arith.extui %gt3A_171 : i1 to i32
      %cond3A_173 = arith.constant 0 : i32
      %cond3A_174 = arith.cmpi ne, %convert_element_type3A_172, %cond3A_173 : i32
      scf.if %cond3A_174 {
        %add3A_315 = arith.constant 4 : i32
        %add3A_316 = arith.addi %add3A_153, %add3A_315 : i32
        %sub3A = arith.constant 8 : i32
        %sub3A_317 = arith.subi %add3A_316, %sub3A : i32
        %mul3A_318 = arith.constant 64 : i32
        %mul3A_319 = arith.muli %sub3A_317, %mul3A_318 : i32
        %add3A_320 = arith.addi %mul3A_2, %mul3A_319 : i32
        %dma_wait3A_321 = arith.constant 0 : i32
        %dma_wait3A_322 = tpu.memref_slice %arg4[%add3A_320, %dma_wait3A_321] : memref<819200x128xf32, #tpu.memory_space<hbm>> -> memref<64x128xf32, #tpu.memory_space<hbm>>
        %dma_wait3A_323 = arith.constant 0 : i32
        %dma_wait3A_324 = tpu.memref_slice %arg4[%add3A_320, %dma_wait3A_323] : memref<819200x128xf32, #tpu.memory_space<hbm>> -> memref<64x128xf32, #tpu.memory_space<hbm>>
        tpu.wait_dma2 semaphore(%arg28 : memref<!tpu.dma_semaphore, #tpu.memory_space<semaphore_mem>>) src(%arg12 : memref<64x128xf32, #tpu.memory_space<vmem>>) dst(%dma_wait3A_324 : memref<64x128xf32, #tpu.memory_space<hbm>>)
      } else {
      }
      %add3A_175 = arith.constant 4 : i32
      %add3A_176 = arith.addi %add3A_153, %add3A_175 : i32
      %dma_start3A_177 = arith.constant 0 : i32
      %dma_start3A_178 = tpu.memref_slice %arg5[%add3A_176, %dma_start3A_177] : memref<400x64xi32, #tpu.memory_space<vmem>> -> memref<1x64xi32, #tpu.memory_space<vmem>>
      %dma_start3A_179 = tpu.memref_squeeze %dma_start3A_178 : memref<1x64xi32, #tpu.memory_space<vmem>> -> memref<64xi32, #tpu.memory_space<vmem>>
      %dma_start3A_180 = arith.constant 0 : i32
      %dma_start3A_181 = arith.constant 0 : i32
      %dma_start3A_182 = tpu.memref_slice %arg2[%dma_start3A_180, %dma_start3A_181] : memref<100000x128xf32, #tpu.memory_space<hbm>> -> memref<100000x128xf32, #tpu.memory_space<hbm>>
      tpu.enqueue_indirect_dma source(%dma_start3A_182 : memref<100000x128xf32, #tpu.memory_space<hbm>>) target(%arg12 : memref<64x128xf32, #tpu.memory_space<vmem>>) offsets(%dma_start3A_179 : memref<64xi32, #tpu.memory_space<vmem>>) semaphore(%arg20 : memref<!tpu.dma_semaphore, #tpu.memory_space<semaphore_mem>>)
      %mul3A_183 = arith.constant 8 : i32
      %mul3A_184 = arith.muli %add3A_87, %mul3A_183 : i32
      %add3A_185 = arith.constant 3 : i32
      %add3A_186 = arith.addi %mul3A_184, %add3A_185 : i32
      %dma_wait3A_187 = arith.constant 0 : i32
      %dma_wait3A_188 = tpu.memref_slice %arg5[%add3A_186, %dma_wait3A_187] : memref<400x64xi32, #tpu.memory_space<vmem>> -> memref<1x64xi32, #tpu.memory_space<vmem>>
      %dma_wait3A_189 = tpu.memref_squeeze %dma_wait3A_188 : memref<1x64xi32, #tpu.memory_space<vmem>> -> memref<64xi32, #tpu.memory_space<vmem>>
      %dma_wait3A_190 = arith.constant 0 : i32
      %dma_wait3A_191 = arith.constant 0 : i32
      %dma_wait3A_192 = tpu.memref_slice %arg2[%dma_wait3A_190, %dma_wait3A_191] : memref<100000x128xf32, #tpu.memory_space<hbm>> -> memref<100000x128xf32, #tpu.memory_space<hbm>>
      tpu.wait_indirect_dma semaphore(%arg17 : memref<!tpu.dma_semaphore, #tpu.memory_space<semaphore_mem>>) src(%dma_wait3A_192 : memref<100000x128xf32, #tpu.memory_space<hbm>>) dst(%arg9 : memref<64x128xf32, #tpu.memory_space<vmem>>)
      %parallel_loop3A_193 = arith.constant 0 : i32
      %parallel_loop3A_194 = arith.constant 64 : i32
      %parallel_loop3A_195 = arith.constant 1 : i32
      scf.for %parallel_loop3A_315 = %parallel_loop3A_193 to %parallel_loop3A_194 step %parallel_loop3A_195  : i32 {
        %parallel_loop3A_316 = arith.index_cast %parallel_loop3A_315 : i32 to index
        %parallel_loop3A_317 = arith.constant 0 : index
        %parallel_loop3A_318 = tpu.vector_load %arg9[%parallel_loop3A_316, %parallel_loop3A_317] {strides = array<i32>} : memref<64x128xf32, #tpu.memory_space<vmem>>, vector<1x16xf32>,
        %parallel_loop3A_319 = vector.shape_cast %parallel_loop3A_318 : vector<1x16xf32> to vector<16xf32>
        %parallel_loop3A_320 = arith.constant 11.3137083 : f32
        %parallel_loop3A_321 = vector.broadcast %parallel_loop3A_320 : f32 to vector<16xf32>
        %parallel_loop3A_322 = arith.mulf %parallel_loop3A_319, %parallel_loop3A_321 : vector<16xf32>
        %parallel_loop3A_323 = arith.index_cast %parallel_loop3A_315 : i32 to index
        %parallel_loop3A_324 = arith.constant 0 : index
        %parallel_loop3A_325 = tpu.vector_load %arg9[%parallel_loop3A_323, %parallel_loop3A_324] {strides = array<i32>} : memref<64x128xf32, #tpu.memory_space<vmem>>, vector<1x16xf32>,
        %parallel_loop3A_326 = vector.shape_cast %parallel_loop3A_325 : vector<1x16xf32> to vector<16xf32>
        %parallel_loop3A_327 = vector.shape_cast %parallel_loop3A_322 : vector<16xf32> to vector<1x16xf32>
        tpu.vector_store %arg9[%parallel_loop3A_323, %parallel_loop3A_324], %parallel_loop3A_327 {strides = array<i32>} : memref<64x128xf32, #tpu.memory_space<vmem>>, vector<1x16xf32>,
        %parallel_loop3A_328 = arith.index_cast %parallel_loop3A_315 : i32 to index
        %parallel_loop3A_329 = arith.constant 16 : index
        %parallel_loop3A_330 = tpu.vector_load %arg9[%parallel_loop3A_328, %parallel_loop3A_329] {strides = array<i32>} : memref<64x128xf32, #tpu.memory_space<vmem>>, vector<1x16xf32>,
        %parallel_loop3A_331 = vector.shape_cast %parallel_loop3A_330 : vector<1x16xf32> to vector<16xf32>
        %parallel_loop3A_332 = arith.constant 11.3137083 : f32
        %parallel_loop3A_333 = vector.broadcast %parallel_loop3A_332 : f32 to vector<16xf32>
        %parallel_loop3A_334 = arith.mulf %parallel_loop3A_331, %parallel_loop3A_333 : vector<16xf32>
        %parallel_loop3A_335 = arith.index_cast %parallel_loop3A_315 : i32 to index
        %parallel_loop3A_336 = arith.constant 16 : index
        %parallel_loop3A_337 = tpu.vector_load %arg9[%parallel_loop3A_335, %parallel_loop3A_336] {strides = array<i32>} : memref<64x128xf32, #tpu.memory_space<vmem>>, vector<1x16xf32>,
        %parallel_loop3A_338 = vector.shape_cast %parallel_loop3A_337 : vector<1x16xf32> to vector<16xf32>
        %parallel_loop3A_339 = vector.shape_cast %parallel_loop3A_334 : vector<16xf32> to vector<1x16xf32>
        tpu.vector_store %arg9[%parallel_loop3A_335, %parallel_loop3A_336], %parallel_loop3A_339 {strides = array<i32>} : memref<64x128xf32, #tpu.memory_space<vmem>>, vector<1x16xf32>,
        %parallel_loop3A_340 = arith.index_cast %parallel_loop3A_315 : i32 to index
        %parallel_loop3A_341 = arith.constant 32 : index
        %parallel_loop3A_342 = tpu.vector_load %arg9[%parallel_loop3A_340, %parallel_loop3A_341] {strides = array<i32>} : memref<64x128xf32, #tpu.memory_space<vmem>>, vector<1x16xf32>,
        %parallel_loop3A_343 = vector.shape_cast %parallel_loop3A_342 : vector<1x16xf32> to vector<16xf32>
        %parallel_loop3A_344 = arith.constant 11.3137083 : f32
        %parallel_loop3A_345 = vector.broadcast %parallel_loop3A_344 : f32 to vector<16xf32>
        %parallel_loop3A_346 = arith.mulf %parallel_loop3A_343, %parallel_loop3A_345 : vector<16xf32>
        %parallel_loop3A_347 = arith.index_cast %parallel_loop3A_315 : i32 to index
        %parallel_loop3A_348 = arith.constant 32 : index
        %parallel_loop3A_349 = tpu.vector_load %arg9[%parallel_loop3A_347, %parallel_loop3A_348] {strides = array<i32>} : memref<64x128xf32, #tpu.memory_space<vmem>>, vector<1x16xf32>,
        %parallel_loop3A_350 = vector.shape_cast %parallel_loop3A_349 : vector<1x16xf32> to vector<16xf32>
        %parallel_loop3A_351 = vector.shape_cast %parallel_loop3A_346 : vector<16xf32> to vector<1x16xf32>
        tpu.vector_store %arg9[%parallel_loop3A_347, %parallel_loop3A_348], %parallel_loop3A_351 {strides = array<i32>} : memref<64x128xf32, #tpu.memory_space<vmem>>, vector<1x16xf32>,
        %parallel_loop3A_352 = arith.index_cast %parallel_loop3A_315 : i32 to index
        %parallel_loop3A_353 = arith.constant 48 : index
        %parallel_loop3A_354 = tpu.vector_load %arg9[%parallel_loop3A_352, %parallel_loop3A_353] {strides = array<i32>} : memref<64x128xf32, #tpu.memory_space<vmem>>, vector<1x16xf32>,
        %parallel_loop3A_355 = vector.shape_cast %parallel_loop3A_354 : vector<1x16xf32> to vector<16xf32>
        %parallel_loop3A_356 = arith.constant 11.3137083 : f32
        %parallel_loop3A_357 = vector.broadcast %parallel_loop3A_356 : f32 to vector<16xf32>
        %parallel_loop3A_358 = arith.mulf %parallel_loop3A_355, %parallel_loop3A_357 : vector<16xf32>
        %parallel_loop3A_359 = arith.index_cast %parallel_loop3A_315 : i32 to index
        %parallel_loop3A_360 = arith.constant 48 : index
        %parallel_loop3A_361 = tpu.vector_load %arg9[%parallel_loop3A_359, %parallel_loop3A_360] {strides = array<i32>} : memref<64x128xf32, #tpu.memory_space<vmem>>, vector<1x16xf32>,
        %parallel_loop3A_362 = vector.shape_cast %parallel_loop3A_361 : vector<1x16xf32> to vector<16xf32>
        %parallel_loop3A_363 = vector.shape_cast %parallel_loop3A_358 : vector<16xf32> to vector<1x16xf32>
        tpu.vector_store %arg9[%parallel_loop3A_359, %parallel_loop3A_360], %parallel_loop3A_363 {strides = array<i32>} : memref<64x128xf32, #tpu.memory_space<vmem>>, vector<1x16xf32>,
        %parallel_loop3A_364 = arith.index_cast %parallel_loop3A_315 : i32 to index
        %parallel_loop3A_365 = arith.constant 64 : index
        %parallel_loop3A_366 = tpu.vector_load %arg9[%parallel_loop3A_364, %parallel_loop3A_365] {strides = array<i32>} : memref<64x128xf32, #tpu.memory_space<vmem>>, vector<1x16xf32>,
        %parallel_loop3A_367 = vector.shape_cast %parallel_loop3A_366 : vector<1x16xf32> to vector<16xf32>
        %parallel_loop3A_368 = arith.constant 11.3137083 : f32
        %parallel_loop3A_369 = vector.broadcast %parallel_loop3A_368 : f32 to vector<16xf32>
        %parallel_loop3A_370 = arith.mulf %parallel_loop3A_367, %parallel_loop3A_369 : vector<16xf32>
        %parallel_loop3A_371 = arith.index_cast %parallel_loop3A_315 : i32 to index
        %parallel_loop3A_372 = arith.constant 64 : index
        %parallel_loop3A_373 = tpu.vector_load %arg9[%parallel_loop3A_371, %parallel_loop3A_372] {strides = array<i32>} : memref<64x128xf32, #tpu.memory_space<vmem>>, vector<1x16xf32>,
        %parallel_loop3A_374 = vector.shape_cast %parallel_loop3A_373 : vector<1x16xf32> to vector<16xf32>
        %parallel_loop3A_375 = vector.shape_cast %parallel_loop3A_370 : vector<16xf32> to vector<1x16xf32>
        tpu.vector_store %arg9[%parallel_loop3A_371, %parallel_loop3A_372], %parallel_loop3A_375 {strides = array<i32>} : memref<64x128xf32, #tpu.memory_space<vmem>>, vector<1x16xf32>,
        %parallel_loop3A_376 = arith.index_cast %parallel_loop3A_315 : i32 to index
        %parallel_loop3A_377 = arith.constant 80 : index
        %parallel_loop3A_378 = tpu.vector_load %arg9[%parallel_loop3A_376, %parallel_loop3A_377] {strides = array<i32>} : memref<64x128xf32, #tpu.memory_space<vmem>>, vector<1x16xf32>,
        %parallel_loop3A_379 = vector.shape_cast %parallel_loop3A_378 : vector<1x16xf32> to vector<16xf32>
        %parallel_loop3A_380 = arith.constant 11.3137083 : f32
        %parallel_loop3A_381 = vector.broadcast %parallel_loop3A_380 : f32 to vector<16xf32>
        %parallel_loop3A_382 = arith.mulf %parallel_loop3A_379, %parallel_loop3A_381 : vector<16xf32>
        %parallel_loop3A_383 = arith.index_cast %parallel_loop3A_315 : i32 to index
        %parallel_loop3A_384 = arith.constant 80 : index
        %parallel_loop3A_385 = tpu.vector_load %arg9[%parallel_loop3A_383, %parallel_loop3A_384] {strides = array<i32>} : memref<64x128xf32, #tpu.memory_space<vmem>>, vector<1x16xf32>,
        %parallel_loop3A_386 = vector.shape_cast %parallel_loop3A_385 : vector<1x16xf32> to vector<16xf32>
        %parallel_loop3A_387 = vector.shape_cast %parallel_loop3A_382 : vector<16xf32> to vector<1x16xf32>
        tpu.vector_store %arg9[%parallel_loop3A_383, %parallel_loop3A_384], %parallel_loop3A_387 {strides = array<i32>} : memref<64x128xf32, #tpu.memory_space<vmem>>, vector<1x16xf32>,
        %parallel_loop3A_388 = arith.index_cast %parallel_loop3A_315 : i32 to index
        %parallel_loop3A_389 = arith.constant 96 : index
        %parallel_loop3A_390 = tpu.vector_load %arg9[%parallel_loop3A_388, %parallel_loop3A_389] {strides = array<i32>} : memref<64x128xf32, #tpu.memory_space<vmem>>, vector<1x16xf32>,
        %parallel_loop3A_391 = vector.shape_cast %parallel_loop3A_390 : vector<1x16xf32> to vector<16xf32>
        %parallel_loop3A_392 = arith.constant 11.3137083 : f32
        %parallel_loop3A_393 = vector.broadcast %parallel_loop3A_392 : f32 to vector<16xf32>
        %parallel_loop3A_394 = arith.mulf %parallel_loop3A_391, %parallel_loop3A_393 : vector<16xf32>
        %parallel_loop3A_395 = arith.index_cast %parallel_loop3A_315 : i32 to index
        %parallel_loop3A_396 = arith.constant 96 : index
        %parallel_loop3A_397 = tpu.vector_load %arg9[%parallel_loop3A_395, %parallel_loop3A_396] {strides = array<i32>} : memref<64x128xf32, #tpu.memory_space<vmem>>, vector<1x16xf32>,
        %parallel_loop3A_398 = vector.shape_cast %parallel_loop3A_397 : vector<1x16xf32> to vector<16xf32>
        %parallel_loop3A_399 = vector.shape_cast %parallel_loop3A_394 : vector<16xf32> to vector<1x16xf32>
        tpu.vector_store %arg9[%parallel_loop3A_395, %parallel_loop3A_396], %parallel_loop3A_399 {strides = array<i32>} : memref<64x128xf32, #tpu.memory_space<vmem>>, vector<1x16xf32>,
        %parallel_loop3A_400 = arith.index_cast %parallel_loop3A_315 : i32 to index
        %parallel_loop3A_401 = arith.constant 112 : index
        %parallel_loop3A_402 = tpu.vector_load %arg9[%parallel_loop3A_400, %parallel_loop3A_401] {strides = array<i32>} : memref<64x128xf32, #tpu.memory_space<vmem>>, vector<1x16xf32>,
        %parallel_loop3A_403 = vector.shape_cast %parallel_loop3A_402 : vector<1x16xf32> to vector<16xf32>
        %parallel_loop3A_404 = arith.constant 11.3137083 : f32
        %parallel_loop3A_405 = vector.broadcast %parallel_loop3A_404 : f32 to vector<16xf32>
        %parallel_loop3A_406 = arith.mulf %parallel_loop3A_403, %parallel_loop3A_405 : vector<16xf32>
        %parallel_loop3A_407 = arith.index_cast %parallel_loop3A_315 : i32 to index
        %parallel_loop3A_408 = arith.constant 112 : index
        %parallel_loop3A_409 = tpu.vector_load %arg9[%parallel_loop3A_407, %parallel_loop3A_408] {strides = array<i32>} : memref<64x128xf32, #tpu.memory_space<vmem>>, vector<1x16xf32>,
        %parallel_loop3A_410 = vector.shape_cast %parallel_loop3A_409 : vector<1x16xf32> to vector<16xf32>
        %parallel_loop3A_411 = vector.shape_cast %parallel_loop3A_406 : vector<16xf32> to vector<1x16xf32>
        tpu.vector_store %arg9[%parallel_loop3A_407, %parallel_loop3A_408], %parallel_loop3A_411 {strides = array<i32>} : memref<64x128xf32, #tpu.memory_space<vmem>>, vector<1x16xf32>,
      } {sc.loop_unroll_factor = 4 : i64, sc.parallel_access}
      %mul3A_196 = arith.constant 64 : i32
      %mul3A_197 = arith.muli %add3A_186, %mul3A_196 : i32
      %add3A_198 = arith.addi %mul3A_2, %mul3A_197 : i32
      %dma_start3A_199 = arith.constant 0 : i32
      %dma_start3A_200 = tpu.memref_slice %arg4[%add3A_198, %dma_start3A_199] : memref<819200x128xf32, #tpu.memory_space<hbm>> -> memref<64x128xf32, #tpu.memory_space<hbm>>
      %dma_start3A_201 = arith.constant 0 : i32
      %dma_start3A_202 = tpu.memref_slice %arg4[%add3A_198, %dma_start3A_201] : memref<819200x128xf32, #tpu.memory_space<hbm>> -> memref<64x128xf32, #tpu.memory_space<hbm>>
      tpu.enqueue_dma source(%arg9 : memref<64x128xf32, #tpu.memory_space<vmem>>) target(%dma_start3A_202 : memref<64x128xf32, #tpu.memory_space<hbm>>) target_semaphore(%arg25 : memref<!tpu.dma_semaphore, #tpu.memory_space<semaphore_mem>>)
      %gt3A_203 = arith.constant 0 : i32
      %gt3A_204 = arith.cmpi sgt, %add3A_87, %gt3A_203 : i32
      %convert_element_type3A_205 = arith.extui %gt3A_204 : i1 to i32
      %cond3A_206 = arith.constant 0 : i32
      %cond3A_207 = arith.cmpi ne, %convert_element_type3A_205, %cond3A_206 : i32
      scf.if %cond3A_207 {
        %add3A_315 = arith.constant 4 : i32
        %add3A_316 = arith.addi %add3A_186, %add3A_315 : i32
        %sub3A = arith.constant 8 : i32
        %sub3A_317 = arith.subi %add3A_316, %sub3A : i32
        %mul3A_318 = arith.constant 64 : i32
        %mul3A_319 = arith.muli %sub3A_317, %mul3A_318 : i32
        %add3A_320 = arith.addi %mul3A_2, %mul3A_319 : i32
        %dma_wait3A_321 = arith.constant 0 : i32
        %dma_wait3A_322 = tpu.memref_slice %arg4[%add3A_320, %dma_wait3A_321] : memref<819200x128xf32, #tpu.memory_space<hbm>> -> memref<64x128xf32, #tpu.memory_space<hbm>>
        %dma_wait3A_323 = arith.constant 0 : i32
        %dma_wait3A_324 = tpu.memref_slice %arg4[%add3A_320, %dma_wait3A_323] : memref<819200x128xf32, #tpu.memory_space<hbm>> -> memref<64x128xf32, #tpu.memory_space<hbm>>
        tpu.wait_dma2 semaphore(%arg29 : memref<!tpu.dma_semaphore, #tpu.memory_space<semaphore_mem>>) src(%arg13 : memref<64x128xf32, #tpu.memory_space<vmem>>) dst(%dma_wait3A_324 : memref<64x128xf32, #tpu.memory_space<hbm>>)
      } else {
      }
      %add3A_208 = arith.constant 4 : i32
      %add3A_209 = arith.addi %add3A_186, %add3A_208 : i32
      %dma_start3A_210 = arith.constant 0 : i32
      %dma_start3A_211 = tpu.memref_slice %arg5[%add3A_209, %dma_start3A_210] : memref<400x64xi32, #tpu.memory_space<vmem>> -> memref<1x64xi32, #tpu.memory_space<vmem>>
      %dma_start3A_212 = tpu.memref_squeeze %dma_start3A_211 : memref<1x64xi32, #tpu.memory_space<vmem>> -> memref<64xi32, #tpu.memory_space<vmem>>
      %dma_start3A_213 = arith.constant 0 : i32
      %dma_start3A_214 = arith.constant 0 : i32
      %dma_start3A_215 = tpu.memref_slice %arg2[%dma_start3A_213, %dma_start3A_214] : memref<100000x128xf32, #tpu.memory_space<hbm>> -> memref<100000x128xf32, #tpu.memory_space<hbm>>
      tpu.enqueue_indirect_dma source(%dma_start3A_215 : memref<100000x128xf32, #tpu.memory_space<hbm>>) target(%arg13 : memref<64x128xf32, #tpu.memory_space<vmem>>) offsets(%dma_start3A_212 : memref<64xi32, #tpu.memory_space<vmem>>) semaphore(%arg21 : memref<!tpu.dma_semaphore, #tpu.memory_space<semaphore_mem>>)
      %mul3A_216 = arith.constant 8 : i32
      %mul3A_217 = arith.muli %add3A_87, %mul3A_216 : i32
      %add3A_218 = arith.constant 4 : i32
      %add3A_219 = arith.addi %mul3A_217, %add3A_218 : i32
      %dma_wait3A_220 = arith.constant 0 : i32
      %dma_wait3A_221 = tpu.memref_slice %arg5[%add3A_219, %dma_wait3A_220] : memref<400x64xi32, #tpu.memory_space<vmem>> -> memref<1x64xi32, #tpu.memory_space<vmem>>
      %dma_wait3A_222 = tpu.memref_squeeze %dma_wait3A_221 : memref<1x64xi32, #tpu.memory_space<vmem>> -> memref<64xi32, #tpu.memory_space<vmem>>
      %dma_wait3A_223 = arith.constant 0 : i32
      %dma_wait3A_224 = arith.constant 0 : i32
      %dma_wait3A_225 = tpu.memref_slice %arg2[%dma_wait3A_223, %dma_wait3A_224] : memref<100000x128xf32, #tpu.memory_space<hbm>> -> memref<100000x128xf32, #tpu.memory_space<hbm>>
      tpu.wait_indirect_dma semaphore(%arg18 : memref<!tpu.dma_semaphore, #tpu.memory_space<semaphore_mem>>) src(%dma_wait3A_225 : memref<100000x128xf32, #tpu.memory_space<hbm>>) dst(%arg10 : memref<64x128xf32, #tpu.memory_space<vmem>>)
      %parallel_loop3A_226 = arith.constant 0 : i32
      %parallel_loop3A_227 = arith.constant 64 : i32
      %parallel_loop3A_228 = arith.constant 1 : i32
      scf.for %parallel_loop3A_315 = %parallel_loop3A_226 to %parallel_loop3A_227 step %parallel_loop3A_228  : i32 {
        %parallel_loop3A_316 = arith.index_cast %parallel_loop3A_315 : i32 to index
        %parallel_loop3A_317 = arith.constant 0 : index
        %parallel_loop3A_318 = tpu.vector_load %arg10[%parallel_loop3A_316, %parallel_loop3A_317] {strides = array<i32>} : memref<64x128xf32, #tpu.memory_space<vmem>>, vector<1x16xf32>,
        %parallel_loop3A_319 = vector.shape_cast %parallel_loop3A_318 : vector<1x16xf32> to vector<16xf32>
        %parallel_loop3A_320 = arith.constant 11.3137083 : f32
        %parallel_loop3A_321 = vector.broadcast %parallel_loop3A_320 : f32 to vector<16xf32>
        %parallel_loop3A_322 = arith.mulf %parallel_loop3A_319, %parallel_loop3A_321 : vector<16xf32>
        %parallel_loop3A_323 = arith.index_cast %parallel_loop3A_315 : i32 to index
        %parallel_loop3A_324 = arith.constant 0 : index
        %parallel_loop3A_325 = tpu.vector_load %arg10[%parallel_loop3A_323, %parallel_loop3A_324] {strides = array<i32>} : memref<64x128xf32, #tpu.memory_space<vmem>>, vector<1x16xf32>,
        %parallel_loop3A_326 = vector.shape_cast %parallel_loop3A_325 : vector<1x16xf32> to vector<16xf32>
        %parallel_loop3A_327 = vector.shape_cast %parallel_loop3A_322 : vector<16xf32> to vector<1x16xf32>
        tpu.vector_store %arg10[%parallel_loop3A_323, %parallel_loop3A_324], %parallel_loop3A_327 {strides = array<i32>} : memref<64x128xf32, #tpu.memory_space<vmem>>, vector<1x16xf32>,
        %parallel_loop3A_328 = arith.index_cast %parallel_loop3A_315 : i32 to index
        %parallel_loop3A_329 = arith.constant 16 : index
        %parallel_loop3A_330 = tpu.vector_load %arg10[%parallel_loop3A_328, %parallel_loop3A_329] {strides = array<i32>} : memref<64x128xf32, #tpu.memory_space<vmem>>, vector<1x16xf32>,
        %parallel_loop3A_331 = vector.shape_cast %parallel_loop3A_330 : vector<1x16xf32> to vector<16xf32>
        %parallel_loop3A_332 = arith.constant 11.3137083 : f32
        %parallel_loop3A_333 = vector.broadcast %parallel_loop3A_332 : f32 to vector<16xf32>
        %parallel_loop3A_334 = arith.mulf %parallel_loop3A_331, %parallel_loop3A_333 : vector<16xf32>
        %parallel_loop3A_335 = arith.index_cast %parallel_loop3A_315 : i32 to index
        %parallel_loop3A_336 = arith.constant 16 : index
        %parallel_loop3A_337 = tpu.vector_load %arg10[%parallel_loop3A_335, %parallel_loop3A_336] {strides = array<i32>} : memref<64x128xf32, #tpu.memory_space<vmem>>, vector<1x16xf32>,
        %parallel_loop3A_338 = vector.shape_cast %parallel_loop3A_337 : vector<1x16xf32> to vector<16xf32>
        %parallel_loop3A_339 = vector.shape_cast %parallel_loop3A_334 : vector<16xf32> to vector<1x16xf32>
        tpu.vector_store %arg10[%parallel_loop3A_335, %parallel_loop3A_336], %parallel_loop3A_339 {strides = array<i32>} : memref<64x128xf32, #tpu.memory_space<vmem>>, vector<1x16xf32>,
        %parallel_loop3A_340 = arith.index_cast %parallel_loop3A_315 : i32 to index
        %parallel_loop3A_341 = arith.constant 32 : index
        %parallel_loop3A_342 = tpu.vector_load %arg10[%parallel_loop3A_340, %parallel_loop3A_341] {strides = array<i32>} : memref<64x128xf32, #tpu.memory_space<vmem>>, vector<1x16xf32>,
        %parallel_loop3A_343 = vector.shape_cast %parallel_loop3A_342 : vector<1x16xf32> to vector<16xf32>
        %parallel_loop3A_344 = arith.constant 11.3137083 : f32
        %parallel_loop3A_345 = vector.broadcast %parallel_loop3A_344 : f32 to vector<16xf32>
        %parallel_loop3A_346 = arith.mulf %parallel_loop3A_343, %parallel_loop3A_345 : vector<16xf32>
        %parallel_loop3A_347 = arith.index_cast %parallel_loop3A_315 : i32 to index
        %parallel_loop3A_348 = arith.constant 32 : index
        %parallel_loop3A_349 = tpu.vector_load %arg10[%parallel_loop3A_347, %parallel_loop3A_348] {strides = array<i32>} : memref<64x128xf32, #tpu.memory_space<vmem>>, vector<1x16xf32>,
        %parallel_loop3A_350 = vector.shape_cast %parallel_loop3A_349 : vector<1x16xf32> to vector<16xf32>
        %parallel_loop3A_351 = vector.shape_cast %parallel_loop3A_346 : vector<16xf32> to vector<1x16xf32>
        tpu.vector_store %arg10[%parallel_loop3A_347, %parallel_loop3A_348], %parallel_loop3A_351 {strides = array<i32>} : memref<64x128xf32, #tpu.memory_space<vmem>>, vector<1x16xf32>,
        %parallel_loop3A_352 = arith.index_cast %parallel_loop3A_315 : i32 to index
        %parallel_loop3A_353 = arith.constant 48 : index
        %parallel_loop3A_354 = tpu.vector_load %arg10[%parallel_loop3A_352, %parallel_loop3A_353] {strides = array<i32>} : memref<64x128xf32, #tpu.memory_space<vmem>>, vector<1x16xf32>,
        %parallel_loop3A_355 = vector.shape_cast %parallel_loop3A_354 : vector<1x16xf32> to vector<16xf32>
        %parallel_loop3A_356 = arith.constant 11.3137083 : f32
        %parallel_loop3A_357 = vector.broadcast %parallel_loop3A_356 : f32 to vector<16xf32>
        %parallel_loop3A_358 = arith.mulf %parallel_loop3A_355, %parallel_loop3A_357 : vector<16xf32>
        %parallel_loop3A_359 = arith.index_cast %parallel_loop3A_315 : i32 to index
        %parallel_loop3A_360 = arith.constant 48 : index
        %parallel_loop3A_361 = tpu.vector_load %arg10[%parallel_loop3A_359, %parallel_loop3A_360] {strides = array<i32>} : memref<64x128xf32, #tpu.memory_space<vmem>>, vector<1x16xf32>,
        %parallel_loop3A_362 = vector.shape_cast %parallel_loop3A_361 : vector<1x16xf32> to vector<16xf32>
        %parallel_loop3A_363 = vector.shape_cast %parallel_loop3A_358 : vector<16xf32> to vector<1x16xf32>
        tpu.vector_store %arg10[%parallel_loop3A_359, %parallel_loop3A_360], %parallel_loop3A_363 {strides = array<i32>} : memref<64x128xf32, #tpu.memory_space<vmem>>, vector<1x16xf32>,
        %parallel_loop3A_364 = arith.index_cast %parallel_loop3A_315 : i32 to index
        %parallel_loop3A_365 = arith.constant 64 : index
        %parallel_loop3A_366 = tpu.vector_load %arg10[%parallel_loop3A_364, %parallel_loop3A_365] {strides = array<i32>} : memref<64x128xf32, #tpu.memory_space<vmem>>, vector<1x16xf32>,
        %parallel_loop3A_367 = vector.shape_cast %parallel_loop3A_366 : vector<1x16xf32> to vector<16xf32>
        %parallel_loop3A_368 = arith.constant 11.3137083 : f32
        %parallel_loop3A_369 = vector.broadcast %parallel_loop3A_368 : f32 to vector<16xf32>
        %parallel_loop3A_370 = arith.mulf %parallel_loop3A_367, %parallel_loop3A_369 : vector<16xf32>
        %parallel_loop3A_371 = arith.index_cast %parallel_loop3A_315 : i32 to index
        %parallel_loop3A_372 = arith.constant 64 : index
        %parallel_loop3A_373 = tpu.vector_load %arg10[%parallel_loop3A_371, %parallel_loop3A_372] {strides = array<i32>} : memref<64x128xf32, #tpu.memory_space<vmem>>, vector<1x16xf32>,
        %parallel_loop3A_374 = vector.shape_cast %parallel_loop3A_373 : vector<1x16xf32> to vector<16xf32>
        %parallel_loop3A_375 = vector.shape_cast %parallel_loop3A_370 : vector<16xf32> to vector<1x16xf32>
        tpu.vector_store %arg10[%parallel_loop3A_371, %parallel_loop3A_372], %parallel_loop3A_375 {strides = array<i32>} : memref<64x128xf32, #tpu.memory_space<vmem>>, vector<1x16xf32>,
        %parallel_loop3A_376 = arith.index_cast %parallel_loop3A_315 : i32 to index
        %parallel_loop3A_377 = arith.constant 80 : index
        %parallel_loop3A_378 = tpu.vector_load %arg10[%parallel_loop3A_376, %parallel_loop3A_377] {strides = array<i32>} : memref<64x128xf32, #tpu.memory_space<vmem>>, vector<1x16xf32>,
        %parallel_loop3A_379 = vector.shape_cast %parallel_loop3A_378 : vector<1x16xf32> to vector<16xf32>
        %parallel_loop3A_380 = arith.constant 11.3137083 : f32
        %parallel_loop3A_381 = vector.broadcast %parallel_loop3A_380 : f32 to vector<16xf32>
        %parallel_loop3A_382 = arith.mulf %parallel_loop3A_379, %parallel_loop3A_381 : vector<16xf32>
        %parallel_loop3A_383 = arith.index_cast %parallel_loop3A_315 : i32 to index
        %parallel_loop3A_384 = arith.constant 80 : index
        %parallel_loop3A_385 = tpu.vector_load %arg10[%parallel_loop3A_383, %parallel_loop3A_384] {strides = array<i32>} : memref<64x128xf32, #tpu.memory_space<vmem>>, vector<1x16xf32>,
        %parallel_loop3A_386 = vector.shape_cast %parallel_loop3A_385 : vector<1x16xf32> to vector<16xf32>
        %parallel_loop3A_387 = vector.shape_cast %parallel_loop3A_382 : vector<16xf32> to vector<1x16xf32>
        tpu.vector_store %arg10[%parallel_loop3A_383, %parallel_loop3A_384], %parallel_loop3A_387 {strides = array<i32>} : memref<64x128xf32, #tpu.memory_space<vmem>>, vector<1x16xf32>,
        %parallel_loop3A_388 = arith.index_cast %parallel_loop3A_315 : i32 to index
        %parallel_loop3A_389 = arith.constant 96 : index
        %parallel_loop3A_390 = tpu.vector_load %arg10[%parallel_loop3A_388, %parallel_loop3A_389] {strides = array<i32>} : memref<64x128xf32, #tpu.memory_space<vmem>>, vector<1x16xf32>,
        %parallel_loop3A_391 = vector.shape_cast %parallel_loop3A_390 : vector<1x16xf32> to vector<16xf32>
        %parallel_loop3A_392 = arith.constant 11.3137083 : f32
        %parallel_loop3A_393 = vector.broadcast %parallel_loop3A_392 : f32 to vector<16xf32>
        %parallel_loop3A_394 = arith.mulf %parallel_loop3A_391, %parallel_loop3A_393 : vector<16xf32>
        %parallel_loop3A_395 = arith.index_cast %parallel_loop3A_315 : i32 to index
        %parallel_loop3A_396 = arith.constant 96 : index
        %parallel_loop3A_397 = tpu.vector_load %arg10[%parallel_loop3A_395, %parallel_loop3A_396] {strides = array<i32>} : memref<64x128xf32, #tpu.memory_space<vmem>>, vector<1x16xf32>,
        %parallel_loop3A_398 = vector.shape_cast %parallel_loop3A_397 : vector<1x16xf32> to vector<16xf32>
        %parallel_loop3A_399 = vector.shape_cast %parallel_loop3A_394 : vector<16xf32> to vector<1x16xf32>
        tpu.vector_store %arg10[%parallel_loop3A_395, %parallel_loop3A_396], %parallel_loop3A_399 {strides = array<i32>} : memref<64x128xf32, #tpu.memory_space<vmem>>, vector<1x16xf32>,
        %parallel_loop3A_400 = arith.index_cast %parallel_loop3A_315 : i32 to index
        %parallel_loop3A_401 = arith.constant 112 : index
        %parallel_loop3A_402 = tpu.vector_load %arg10[%parallel_loop3A_400, %parallel_loop3A_401] {strides = array<i32>} : memref<64x128xf32, #tpu.memory_space<vmem>>, vector<1x16xf32>,
        %parallel_loop3A_403 = vector.shape_cast %parallel_loop3A_402 : vector<1x16xf32> to vector<16xf32>
        %parallel_loop3A_404 = arith.constant 11.3137083 : f32
        %parallel_loop3A_405 = vector.broadcast %parallel_loop3A_404 : f32 to vector<16xf32>
        %parallel_loop3A_406 = arith.mulf %parallel_loop3A_403, %parallel_loop3A_405 : vector<16xf32>
        %parallel_loop3A_407 = arith.index_cast %parallel_loop3A_315 : i32 to index
        %parallel_loop3A_408 = arith.constant 112 : index
        %parallel_loop3A_409 = tpu.vector_load %arg10[%parallel_loop3A_407, %parallel_loop3A_408] {strides = array<i32>} : memref<64x128xf32, #tpu.memory_space<vmem>>, vector<1x16xf32>,
        %parallel_loop3A_410 = vector.shape_cast %parallel_loop3A_409 : vector<1x16xf32> to vector<16xf32>
        %parallel_loop3A_411 = vector.shape_cast %parallel_loop3A_406 : vector<16xf32> to vector<1x16xf32>
        tpu.vector_store %arg10[%parallel_loop3A_407, %parallel_loop3A_408], %parallel_loop3A_411 {strides = array<i32>} : memref<64x128xf32, #tpu.memory_space<vmem>>, vector<1x16xf32>,
      } {sc.loop_unroll_factor = 4 : i64, sc.parallel_access}
      %mul3A_229 = arith.constant 64 : i32
      %mul3A_230 = arith.muli %add3A_219, %mul3A_229 : i32
      %add3A_231 = arith.addi %mul3A_2, %mul3A_230 : i32
      %dma_start3A_232 = arith.constant 0 : i32
      %dma_start3A_233 = tpu.memref_slice %arg4[%add3A_231, %dma_start3A_232] : memref<819200x128xf32, #tpu.memory_space<hbm>> -> memref<64x128xf32, #tpu.memory_space<hbm>>
      %dma_start3A_234 = arith.constant 0 : i32
      %dma_start3A_235 = tpu.memref_slice %arg4[%add3A_231, %dma_start3A_234] : memref<819200x128xf32, #tpu.memory_space<hbm>> -> memref<64x128xf32, #tpu.memory_space<hbm>>
      tpu.enqueue_dma source(%arg10 : memref<64x128xf32, #tpu.memory_space<vmem>>) target(%dma_start3A_235 : memref<64x128xf32, #tpu.memory_space<hbm>>) target_semaphore(%arg26 : memref<!tpu.dma_semaphore, #tpu.memory_space<semaphore_mem>>)
      %lt3A = arith.constant 49 : i32
      %lt3A_236 = arith.cmpi slt, %add3A_87, %lt3A : i32
      %convert_element_type3A_237 = arith.extui %lt3A_236 : i1 to i32
      %cond3A_238 = arith.constant 0 : i32
      %cond3A_239 = arith.cmpi ne, %convert_element_type3A_237, %cond3A_238 : i32
      scf.if %cond3A_239 {
        %add3A_315 = arith.constant 4 : i32
        %add3A_316 = arith.addi %add3A_219, %add3A_315 : i32
        %sub3A = arith.constant 8 : i32
        %sub3A_317 = arith.subi %add3A_316, %sub3A : i32
        %mul3A_318 = arith.constant 64 : i32
        %mul3A_319 = arith.muli %sub3A_317, %mul3A_318 : i32
        %add3A_320 = arith.addi %mul3A_2, %mul3A_319 : i32
        %dma_wait3A_321 = arith.constant 0 : i32
        %dma_wait3A_322 = tpu.memref_slice %arg4[%add3A_320, %dma_wait3A_321] : memref<819200x128xf32, #tpu.memory_space<hbm>> -> memref<64x128xf32, #tpu.memory_space<hbm>>
        %dma_wait3A_323 = arith.constant 0 : i32
        %dma_wait3A_324 = tpu.memref_slice %arg4[%add3A_320, %dma_wait3A_323] : memref<819200x128xf32, #tpu.memory_space<hbm>> -> memref<64x128xf32, #tpu.memory_space<hbm>>
        tpu.wait_dma2 semaphore(%arg22 : memref<!tpu.dma_semaphore, #tpu.memory_space<semaphore_mem>>) src(%arg6 : memref<64x128xf32, #tpu.memory_space<vmem>>) dst(%dma_wait3A_324 : memref<64x128xf32, #tpu.memory_space<hbm>>)
        %add3A_325 = arith.constant 4 : i32
        %add3A_326 = arith.addi %add3A_219, %add3A_325 : i32
        %dma_start3A_327 = arith.constant 0 : i32
        %dma_start3A_328 = tpu.memref_slice %arg5[%add3A_326, %dma_start3A_327] : memref<400x64xi32, #tpu.memory_space<vmem>> -> memref<1x64xi32, #tpu.memory_space<vmem>>
        %dma_start3A_329 = tpu.memref_squeeze %dma_start3A_328 : memref<1x64xi32, #tpu.memory_space<vmem>> -> memref<64xi32, #tpu.memory_space<vmem>>
        %dma_start3A_330 = arith.constant 0 : i32
        %dma_start3A_331 = arith.constant 0 : i32
        %dma_start3A_332 = tpu.memref_slice %arg2[%dma_start3A_330, %dma_start3A_331] : memref<100000x128xf32, #tpu.memory_space<hbm>> -> memref<100000x128xf32, #tpu.memory_space<hbm>>
        tpu.enqueue_indirect_dma source(%dma_start3A_332 : memref<100000x128xf32, #tpu.memory_space<hbm>>) target(%arg6 : memref<64x128xf32, #tpu.memory_space<vmem>>) offsets(%dma_start3A_329 : memref<64xi32, #tpu.memory_space<vmem>>) semaphore(%arg14 : memref<!tpu.dma_semaphore, #tpu.memory_space<semaphore_mem>>)
      } else {
      }
      %mul3A_240 = arith.constant 8 : i32
      %mul3A_241 = arith.muli %add3A_87, %mul3A_240 : i32
      %add3A_242 = arith.constant 5 : i32
      %add3A_243 = arith.addi %mul3A_241, %add3A_242 : i32
      %dma_wait3A_244 = arith.constant 0 : i32
      %dma_wait3A_245 = tpu.memref_slice %arg5[%add3A_243, %dma_wait3A_244] : memref<400x64xi32, #tpu.memory_space<vmem>> -> memref<1x64xi32, #tpu.memory_space<vmem>>
      %dma_wait3A_246 = tpu.memref_squeeze %dma_wait3A_245 : memref<1x64xi32, #tpu.memory_space<vmem>> -> memref<64xi32, #tpu.memory_space<vmem>>
      %dma_wait3A_247 = arith.constant 0 : i32
      %dma_wait3A_248 = arith.constant 0 : i32
      %dma_wait3A_249 = tpu.memref_slice %arg2[%dma_wait3A_247, %dma_wait3A_248] : memref<100000x128xf32, #tpu.memory_space<hbm>> -> memref<100000x128xf32, #tpu.memory_space<hbm>>
      tpu.wait_indirect_dma semaphore(%arg19 : memref<!tpu.dma_semaphore, #tpu.memory_space<semaphore_mem>>) src(%dma_wait3A_249 : memref<100000x128xf32, #tpu.memory_space<hbm>>) dst(%arg11 : memref<64x128xf32, #tpu.memory_space<vmem>>)
      %parallel_loop3A_250 = arith.constant 0 : i32
      %parallel_loop3A_251 = arith.constant 64 : i32
      %parallel_loop3A_252 = arith.constant 1 : i32
      scf.for %parallel_loop3A_315 = %parallel_loop3A_250 to %parallel_loop3A_251 step %parallel_loop3A_252  : i32 {
        %parallel_loop3A_316 = arith.index_cast %parallel_loop3A_315 : i32 to index
        %parallel_loop3A_317 = arith.constant 0 : index
        %parallel_loop3A_318 = tpu.vector_load %arg11[%parallel_loop3A_316, %parallel_loop3A_317] {strides = array<i32>} : memref<64x128xf32, #tpu.memory_space<vmem>>, vector<1x16xf32>,
        %parallel_loop3A_319 = vector.shape_cast %parallel_loop3A_318 : vector<1x16xf32> to vector<16xf32>
        %parallel_loop3A_320 = arith.constant 11.3137083 : f32
        %parallel_loop3A_321 = vector.broadcast %parallel_loop3A_320 : f32 to vector<16xf32>
        %parallel_loop3A_322 = arith.mulf %parallel_loop3A_319, %parallel_loop3A_321 : vector<16xf32>
        %parallel_loop3A_323 = arith.index_cast %parallel_loop3A_315 : i32 to index
        %parallel_loop3A_324 = arith.constant 0 : index
        %parallel_loop3A_325 = tpu.vector_load %arg11[%parallel_loop3A_323, %parallel_loop3A_324] {strides = array<i32>} : memref<64x128xf32, #tpu.memory_space<vmem>>, vector<1x16xf32>,
        %parallel_loop3A_326 = vector.shape_cast %parallel_loop3A_325 : vector<1x16xf32> to vector<16xf32>
        %parallel_loop3A_327 = vector.shape_cast %parallel_loop3A_322 : vector<16xf32> to vector<1x16xf32>
        tpu.vector_store %arg11[%parallel_loop3A_323, %parallel_loop3A_324], %parallel_loop3A_327 {strides = array<i32>} : memref<64x128xf32, #tpu.memory_space<vmem>>, vector<1x16xf32>,
        %parallel_loop3A_328 = arith.index_cast %parallel_loop3A_315 : i32 to index
        %parallel_loop3A_329 = arith.constant 16 : index
        %parallel_loop3A_330 = tpu.vector_load %arg11[%parallel_loop3A_328, %parallel_loop3A_329] {strides = array<i32>} : memref<64x128xf32, #tpu.memory_space<vmem>>, vector<1x16xf32>,
        %parallel_loop3A_331 = vector.shape_cast %parallel_loop3A_330 : vector<1x16xf32> to vector<16xf32>
        %parallel_loop3A_332 = arith.constant 11.3137083 : f32
        %parallel_loop3A_333 = vector.broadcast %parallel_loop3A_332 : f32 to vector<16xf32>
        %parallel_loop3A_334 = arith.mulf %parallel_loop3A_331, %parallel_loop3A_333 : vector<16xf32>
        %parallel_loop3A_335 = arith.index_cast %parallel_loop3A_315 : i32 to index
        %parallel_loop3A_336 = arith.constant 16 : index
        %parallel_loop3A_337 = tpu.vector_load %arg11[%parallel_loop3A_335, %parallel_loop3A_336] {strides = array<i32>} : memref<64x128xf32, #tpu.memory_space<vmem>>, vector<1x16xf32>,
        %parallel_loop3A_338 = vector.shape_cast %parallel_loop3A_337 : vector<1x16xf32> to vector<16xf32>
        %parallel_loop3A_339 = vector.shape_cast %parallel_loop3A_334 : vector<16xf32> to vector<1x16xf32>
        tpu.vector_store %arg11[%parallel_loop3A_335, %parallel_loop3A_336], %parallel_loop3A_339 {strides = array<i32>} : memref<64x128xf32, #tpu.memory_space<vmem>>, vector<1x16xf32>,
        %parallel_loop3A_340 = arith.index_cast %parallel_loop3A_315 : i32 to index
        %parallel_loop3A_341 = arith.constant 32 : index
        %parallel_loop3A_342 = tpu.vector_load %arg11[%parallel_loop3A_340, %parallel_loop3A_341] {strides = array<i32>} : memref<64x128xf32, #tpu.memory_space<vmem>>, vector<1x16xf32>,
        %parallel_loop3A_343 = vector.shape_cast %parallel_loop3A_342 : vector<1x16xf32> to vector<16xf32>
        %parallel_loop3A_344 = arith.constant 11.3137083 : f32
        %parallel_loop3A_345 = vector.broadcast %parallel_loop3A_344 : f32 to vector<16xf32>
        %parallel_loop3A_346 = arith.mulf %parallel_loop3A_343, %parallel_loop3A_345 : vector<16xf32>
        %parallel_loop3A_347 = arith.index_cast %parallel_loop3A_315 : i32 to index
        %parallel_loop3A_348 = arith.constant 32 : index
        %parallel_loop3A_349 = tpu.vector_load %arg11[%parallel_loop3A_347, %parallel_loop3A_348] {strides = array<i32>} : memref<64x128xf32, #tpu.memory_space<vmem>>, vector<1x16xf32>,
        %parallel_loop3A_350 = vector.shape_cast %parallel_loop3A_349 : vector<1x16xf32> to vector<16xf32>
        %parallel_loop3A_351 = vector.shape_cast %parallel_loop3A_346 : vector<16xf32> to vector<1x16xf32>
        tpu.vector_store %arg11[%parallel_loop3A_347, %parallel_loop3A_348], %parallel_loop3A_351 {strides = array<i32>} : memref<64x128xf32, #tpu.memory_space<vmem>>, vector<1x16xf32>,
        %parallel_loop3A_352 = arith.index_cast %parallel_loop3A_315 : i32 to index
        %parallel_loop3A_353 = arith.constant 48 : index
        %parallel_loop3A_354 = tpu.vector_load %arg11[%parallel_loop3A_352, %parallel_loop3A_353] {strides = array<i32>} : memref<64x128xf32, #tpu.memory_space<vmem>>, vector<1x16xf32>,
        %parallel_loop3A_355 = vector.shape_cast %parallel_loop3A_354 : vector<1x16xf32> to vector<16xf32>
        %parallel_loop3A_356 = arith.constant 11.3137083 : f32
        %parallel_loop3A_357 = vector.broadcast %parallel_loop3A_356 : f32 to vector<16xf32>
        %parallel_loop3A_358 = arith.mulf %parallel_loop3A_355, %parallel_loop3A_357 : vector<16xf32>
        %parallel_loop3A_359 = arith.index_cast %parallel_loop3A_315 : i32 to index
        %parallel_loop3A_360 = arith.constant 48 : index
        %parallel_loop3A_361 = tpu.vector_load %arg11[%parallel_loop3A_359, %parallel_loop3A_360] {strides = array<i32>} : memref<64x128xf32, #tpu.memory_space<vmem>>, vector<1x16xf32>,
        %parallel_loop3A_362 = vector.shape_cast %parallel_loop3A_361 : vector<1x16xf32> to vector<16xf32>
        %parallel_loop3A_363 = vector.shape_cast %parallel_loop3A_358 : vector<16xf32> to vector<1x16xf32>
        tpu.vector_store %arg11[%parallel_loop3A_359, %parallel_loop3A_360], %parallel_loop3A_363 {strides = array<i32>} : memref<64x128xf32, #tpu.memory_space<vmem>>, vector<1x16xf32>,
        %parallel_loop3A_364 = arith.index_cast %parallel_loop3A_315 : i32 to index
        %parallel_loop3A_365 = arith.constant 64 : index
        %parallel_loop3A_366 = tpu.vector_load %arg11[%parallel_loop3A_364, %parallel_loop3A_365] {strides = array<i32>} : memref<64x128xf32, #tpu.memory_space<vmem>>, vector<1x16xf32>,
        %parallel_loop3A_367 = vector.shape_cast %parallel_loop3A_366 : vector<1x16xf32> to vector<16xf32>
        %parallel_loop3A_368 = arith.constant 11.3137083 : f32
        %parallel_loop3A_369 = vector.broadcast %parallel_loop3A_368 : f32 to vector<16xf32>
        %parallel_loop3A_370 = arith.mulf %parallel_loop3A_367, %parallel_loop3A_369 : vector<16xf32>
        %parallel_loop3A_371 = arith.index_cast %parallel_loop3A_315 : i32 to index
        %parallel_loop3A_372 = arith.constant 64 : index
        %parallel_loop3A_373 = tpu.vector_load %arg11[%parallel_loop3A_371, %parallel_loop3A_372] {strides = array<i32>} : memref<64x128xf32, #tpu.memory_space<vmem>>, vector<1x16xf32>,
        %parallel_loop3A_374 = vector.shape_cast %parallel_loop3A_373 : vector<1x16xf32> to vector<16xf32>
        %parallel_loop3A_375 = vector.shape_cast %parallel_loop3A_370 : vector<16xf32> to vector<1x16xf32>
        tpu.vector_store %arg11[%parallel_loop3A_371, %parallel_loop3A_372], %parallel_loop3A_375 {strides = array<i32>} : memref<64x128xf32, #tpu.memory_space<vmem>>, vector<1x16xf32>,
        %parallel_loop3A_376 = arith.index_cast %parallel_loop3A_315 : i32 to index
        %parallel_loop3A_377 = arith.constant 80 : index
        %parallel_loop3A_378 = tpu.vector_load %arg11[%parallel_loop3A_376, %parallel_loop3A_377] {strides = array<i32>} : memref<64x128xf32, #tpu.memory_space<vmem>>, vector<1x16xf32>,
        %parallel_loop3A_379 = vector.shape_cast %parallel_loop3A_378 : vector<1x16xf32> to vector<16xf32>
        %parallel_loop3A_380 = arith.constant 11.3137083 : f32
        %parallel_loop3A_381 = vector.broadcast %parallel_loop3A_380 : f32 to vector<16xf32>
        %parallel_loop3A_382 = arith.mulf %parallel_loop3A_379, %parallel_loop3A_381 : vector<16xf32>
        %parallel_loop3A_383 = arith.index_cast %parallel_loop3A_315 : i32 to index
        %parallel_loop3A_384 = arith.constant 80 : index
        %parallel_loop3A_385 = tpu.vector_load %arg11[%parallel_loop3A_383, %parallel_loop3A_384] {strides = array<i32>} : memref<64x128xf32, #tpu.memory_space<vmem>>, vector<1x16xf32>,
        %parallel_loop3A_386 = vector.shape_cast %parallel_loop3A_385 : vector<1x16xf32> to vector<16xf32>
        %parallel_loop3A_387 = vector.shape_cast %parallel_loop3A_382 : vector<16xf32> to vector<1x16xf32>
        tpu.vector_store %arg11[%parallel_loop3A_383, %parallel_loop3A_384], %parallel_loop3A_387 {strides = array<i32>} : memref<64x128xf32, #tpu.memory_space<vmem>>, vector<1x16xf32>,
        %parallel_loop3A_388 = arith.index_cast %parallel_loop3A_315 : i32 to index
        %parallel_loop3A_389 = arith.constant 96 : index
        %parallel_loop3A_390 = tpu.vector_load %arg11[%parallel_loop3A_388, %parallel_loop3A_389] {strides = array<i32>} : memref<64x128xf32, #tpu.memory_space<vmem>>, vector<1x16xf32>,
        %parallel_loop3A_391 = vector.shape_cast %parallel_loop3A_390 : vector<1x16xf32> to vector<16xf32>
        %parallel_loop3A_392 = arith.constant 11.3137083 : f32
        %parallel_loop3A_393 = vector.broadcast %parallel_loop3A_392 : f32 to vector<16xf32>
        %parallel_loop3A_394 = arith.mulf %parallel_loop3A_391, %parallel_loop3A_393 : vector<16xf32>
        %parallel_loop3A_395 = arith.index_cast %parallel_loop3A_315 : i32 to index
        %parallel_loop3A_396 = arith.constant 96 : index
        %parallel_loop3A_397 = tpu.vector_load %arg11[%parallel_loop3A_395, %parallel_loop3A_396] {strides = array<i32>} : memref<64x128xf32, #tpu.memory_space<vmem>>, vector<1x16xf32>,
        %parallel_loop3A_398 = vector.shape_cast %parallel_loop3A_397 : vector<1x16xf32> to vector<16xf32>
        %parallel_loop3A_399 = vector.shape_cast %parallel_loop3A_394 : vector<16xf32> to vector<1x16xf32>
        tpu.vector_store %arg11[%parallel_loop3A_395, %parallel_loop3A_396], %parallel_loop3A_399 {strides = array<i32>} : memref<64x128xf32, #tpu.memory_space<vmem>>, vector<1x16xf32>,
        %parallel_loop3A_400 = arith.index_cast %parallel_loop3A_315 : i32 to index
        %parallel_loop3A_401 = arith.constant 112 : index
        %parallel_loop3A_402 = tpu.vector_load %arg11[%parallel_loop3A_400, %parallel_loop3A_401] {strides = array<i32>} : memref<64x128xf32, #tpu.memory_space<vmem>>, vector<1x16xf32>,
        %parallel_loop3A_403 = vector.shape_cast %parallel_loop3A_402 : vector<1x16xf32> to vector<16xf32>
        %parallel_loop3A_404 = arith.constant 11.3137083 : f32
        %parallel_loop3A_405 = vector.broadcast %parallel_loop3A_404 : f32 to vector<16xf32>
        %parallel_loop3A_406 = arith.mulf %parallel_loop3A_403, %parallel_loop3A_405 : vector<16xf32>
        %parallel_loop3A_407 = arith.index_cast %parallel_loop3A_315 : i32 to index
        %parallel_loop3A_408 = arith.constant 112 : index
        %parallel_loop3A_409 = tpu.vector_load %arg11[%parallel_loop3A_407, %parallel_loop3A_408] {strides = array<i32>} : memref<64x128xf32, #tpu.memory_space<vmem>>, vector<1x16xf32>,
        %parallel_loop3A_410 = vector.shape_cast %parallel_loop3A_409 : vector<1x16xf32> to vector<16xf32>
        %parallel_loop3A_411 = vector.shape_cast %parallel_loop3A_406 : vector<16xf32> to vector<1x16xf32>
        tpu.vector_store %arg11[%parallel_loop3A_407, %parallel_loop3A_408], %parallel_loop3A_411 {strides = array<i32>} : memref<64x128xf32, #tpu.memory_space<vmem>>, vector<1x16xf32>,
      } {sc.loop_unroll_factor = 4 : i64, sc.parallel_access}
      %mul3A_253 = arith.constant 64 : i32
      %mul3A_254 = arith.muli %add3A_243, %mul3A_253 : i32
      %add3A_255 = arith.addi %mul3A_2, %mul3A_254 : i32
      %dma_start3A_256 = arith.constant 0 : i32
      %dma_start3A_257 = tpu.memref_slice %arg4[%add3A_255, %dma_start3A_256] : memref<819200x128xf32, #tpu.memory_space<hbm>> -> memref<64x128xf32, #tpu.memory_space<hbm>>
      %dma_start3A_258 = arith.constant 0 : i32
      %dma_start3A_259 = tpu.memref_slice %arg4[%add3A_255, %dma_start3A_258] : memref<819200x128xf32, #tpu.memory_space<hbm>> -> memref<64x128xf32, #tpu.memory_space<hbm>>
      tpu.enqueue_dma source(%arg11 : memref<64x128xf32, #tpu.memory_space<vmem>>) target(%dma_start3A_259 : memref<64x128xf32, #tpu.memory_space<hbm>>) target_semaphore(%arg27 : memref<!tpu.dma_semaphore, #tpu.memory_space<semaphore_mem>>)
      %lt3A_260 = arith.constant 49 : i32
      %lt3A_261 = arith.cmpi slt, %add3A_87, %lt3A_260 : i32
      %convert_element_type3A_262 = arith.extui %lt3A_261 : i1 to i32
      %cond3A_263 = arith.constant 0 : i32
      %cond3A_264 = arith.cmpi ne, %convert_element_type3A_262, %cond3A_263 : i32
      scf.if %cond3A_264 {
        %add3A_315 = arith.constant 4 : i32
        %add3A_316 = arith.addi %add3A_243, %add3A_315 : i32
        %sub3A = arith.constant 8 : i32
        %sub3A_317 = arith.subi %add3A_316, %sub3A : i32
        %mul3A_318 = arith.constant 64 : i32
        %mul3A_319 = arith.muli %sub3A_317, %mul3A_318 : i32
        %add3A_320 = arith.addi %mul3A_2, %mul3A_319 : i32
        %dma_wait3A_321 = arith.constant 0 : i32
        %dma_wait3A_322 = tpu.memref_slice %arg4[%add3A_320, %dma_wait3A_321] : memref<819200x128xf32, #tpu.memory_space<hbm>> -> memref<64x128xf32, #tpu.memory_space<hbm>>
        %dma_wait3A_323 = arith.constant 0 : i32
        %dma_wait3A_324 = tpu.memref_slice %arg4[%add3A_320, %dma_wait3A_323] : memref<819200x128xf32, #tpu.memory_space<hbm>> -> memref<64x128xf32, #tpu.memory_space<hbm>>
        tpu.wait_dma2 semaphore(%arg23 : memref<!tpu.dma_semaphore, #tpu.memory_space<semaphore_mem>>) src(%arg7 : memref<64x128xf32, #tpu.memory_space<vmem>>) dst(%dma_wait3A_324 : memref<64x128xf32, #tpu.memory_space<hbm>>)
        %add3A_325 = arith.constant 4 : i32
        %add3A_326 = arith.addi %add3A_243, %add3A_325 : i32
        %dma_start3A_327 = arith.constant 0 : i32
        %dma_start3A_328 = tpu.memref_slice %arg5[%add3A_326, %dma_start3A_327] : memref<400x64xi32, #tpu.memory_space<vmem>> -> memref<1x64xi32, #tpu.memory_space<vmem>>
        %dma_start3A_329 = tpu.memref_squeeze %dma_start3A_328 : memref<1x64xi32, #tpu.memory_space<vmem>> -> memref<64xi32, #tpu.memory_space<vmem>>
        %dma_start3A_330 = arith.constant 0 : i32
        %dma_start3A_331 = arith.constant 0 : i32
        %dma_start3A_332 = tpu.memref_slice %arg2[%dma_start3A_330, %dma_start3A_331] : memref<100000x128xf32, #tpu.memory_space<hbm>> -> memref<100000x128xf32, #tpu.memory_space<hbm>>
        tpu.enqueue_indirect_dma source(%dma_start3A_332 : memref<100000x128xf32, #tpu.memory_space<hbm>>) target(%arg7 : memref<64x128xf32, #tpu.memory_space<vmem>>) offsets(%dma_start3A_329 : memref<64xi32, #tpu.memory_space<vmem>>) semaphore(%arg15 : memref<!tpu.dma_semaphore, #tpu.memory_space<semaphore_mem>>)
      } else {
      }
      %mul3A_265 = arith.constant 8 : i32
      %mul3A_266 = arith.muli %add3A_87, %mul3A_265 : i32
      %add3A_267 = arith.constant 6 : i32
      %add3A_268 = arith.addi %mul3A_266, %add3A_267 : i32
      %dma_wait3A_269 = arith.constant 0 : i32
      %dma_wait3A_270 = tpu.memref_slice %arg5[%add3A_268, %dma_wait3A_269] : memref<400x64xi32, #tpu.memory_space<vmem>> -> memref<1x64xi32, #tpu.memory_space<vmem>>
      %dma_wait3A_271 = tpu.memref_squeeze %dma_wait3A_270 : memref<1x64xi32, #tpu.memory_space<vmem>> -> memref<64xi32, #tpu.memory_space<vmem>>
      %dma_wait3A_272 = arith.constant 0 : i32
      %dma_wait3A_273 = arith.constant 0 : i32
      %dma_wait3A_274 = tpu.memref_slice %arg2[%dma_wait3A_272, %dma_wait3A_273] : memref<100000x128xf32, #tpu.memory_space<hbm>> -> memref<100000x128xf32, #tpu.memory_space<hbm>>
      tpu.wait_indirect_dma semaphore(%arg20 : memref<!tpu.dma_semaphore, #tpu.memory_space<semaphore_mem>>) src(%dma_wait3A_274 : memref<100000x128xf32, #tpu.memory_space<hbm>>) dst(%arg12 : memref<64x128xf32, #tpu.memory_space<vmem>>)
      %parallel_loop3A_275 = arith.constant 0 : i32
      %parallel_loop3A_276 = arith.constant 64 : i32
      %parallel_loop3A_277 = arith.constant 1 : i32
      scf.for %parallel_loop3A_315 = %parallel_loop3A_275 to %parallel_loop3A_276 step %parallel_loop3A_277  : i32 {
        %parallel_loop3A_316 = arith.index_cast %parallel_loop3A_315 : i32 to index
        %parallel_loop3A_317 = arith.constant 0 : index
        %parallel_loop3A_318 = tpu.vector_load %arg12[%parallel_loop3A_316, %parallel_loop3A_317] {strides = array<i32>} : memref<64x128xf32, #tpu.memory_space<vmem>>, vector<1x16xf32>,
        %parallel_loop3A_319 = vector.shape_cast %parallel_loop3A_318 : vector<1x16xf32> to vector<16xf32>
        %parallel_loop3A_320 = arith.constant 11.3137083 : f32
        %parallel_loop3A_321 = vector.broadcast %parallel_loop3A_320 : f32 to vector<16xf32>
        %parallel_loop3A_322 = arith.mulf %parallel_loop3A_319, %parallel_loop3A_321 : vector<16xf32>
        %parallel_loop3A_323 = arith.index_cast %parallel_loop3A_315 : i32 to index
        %parallel_loop3A_324 = arith.constant 0 : index
        %parallel_loop3A_325 = tpu.vector_load %arg12[%parallel_loop3A_323, %parallel_loop3A_324] {strides = array<i32>} : memref<64x128xf32, #tpu.memory_space<vmem>>, vector<1x16xf32>,
        %parallel_loop3A_326 = vector.shape_cast %parallel_loop3A_325 : vector<1x16xf32> to vector<16xf32>
        %parallel_loop3A_327 = vector.shape_cast %parallel_loop3A_322 : vector<16xf32> to vector<1x16xf32>
        tpu.vector_store %arg12[%parallel_loop3A_323, %parallel_loop3A_324], %parallel_loop3A_327 {strides = array<i32>} : memref<64x128xf32, #tpu.memory_space<vmem>>, vector<1x16xf32>,
        %parallel_loop3A_328 = arith.index_cast %parallel_loop3A_315 : i32 to index
        %parallel_loop3A_329 = arith.constant 16 : index
        %parallel_loop3A_330 = tpu.vector_load %arg12[%parallel_loop3A_328, %parallel_loop3A_329] {strides = array<i32>} : memref<64x128xf32, #tpu.memory_space<vmem>>, vector<1x16xf32>,
        %parallel_loop3A_331 = vector.shape_cast %parallel_loop3A_330 : vector<1x16xf32> to vector<16xf32>
        %parallel_loop3A_332 = arith.constant 11.3137083 : f32
        %parallel_loop3A_333 = vector.broadcast %parallel_loop3A_332 : f32 to vector<16xf32>
        %parallel_loop3A_334 = arith.mulf %parallel_loop3A_331, %parallel_loop3A_333 : vector<16xf32>
        %parallel_loop3A_335 = arith.index_cast %parallel_loop3A_315 : i32 to index
        %parallel_loop3A_336 = arith.constant 16 : index
        %parallel_loop3A_337 = tpu.vector_load %arg12[%parallel_loop3A_335, %parallel_loop3A_336] {strides = array<i32>} : memref<64x128xf32, #tpu.memory_space<vmem>>, vector<1x16xf32>,
        %parallel_loop3A_338 = vector.shape_cast %parallel_loop3A_337 : vector<1x16xf32> to vector<16xf32>
        %parallel_loop3A_339 = vector.shape_cast %parallel_loop3A_334 : vector<16xf32> to vector<1x16xf32>
        tpu.vector_store %arg12[%parallel_loop3A_335, %parallel_loop3A_336], %parallel_loop3A_339 {strides = array<i32>} : memref<64x128xf32, #tpu.memory_space<vmem>>, vector<1x16xf32>,
        %parallel_loop3A_340 = arith.index_cast %parallel_loop3A_315 : i32 to index
        %parallel_loop3A_341 = arith.constant 32 : index
        %parallel_loop3A_342 = tpu.vector_load %arg12[%parallel_loop3A_340, %parallel_loop3A_341] {strides = array<i32>} : memref<64x128xf32, #tpu.memory_space<vmem>>, vector<1x16xf32>,
        %parallel_loop3A_343 = vector.shape_cast %parallel_loop3A_342 : vector<1x16xf32> to vector<16xf32>
        %parallel_loop3A_344 = arith.constant 11.3137083 : f32
        %parallel_loop3A_345 = vector.broadcast %parallel_loop3A_344 : f32 to vector<16xf32>
        %parallel_loop3A_346 = arith.mulf %parallel_loop3A_343, %parallel_loop3A_345 : vector<16xf32>
        %parallel_loop3A_347 = arith.index_cast %parallel_loop3A_315 : i32 to index
        %parallel_loop3A_348 = arith.constant 32 : index
        %parallel_loop3A_349 = tpu.vector_load %arg12[%parallel_loop3A_347, %parallel_loop3A_348] {strides = array<i32>} : memref<64x128xf32, #tpu.memory_space<vmem>>, vector<1x16xf32>,
        %parallel_loop3A_350 = vector.shape_cast %parallel_loop3A_349 : vector<1x16xf32> to vector<16xf32>
        %parallel_loop3A_351 = vector.shape_cast %parallel_loop3A_346 : vector<16xf32> to vector<1x16xf32>
        tpu.vector_store %arg12[%parallel_loop3A_347, %parallel_loop3A_348], %parallel_loop3A_351 {strides = array<i32>} : memref<64x128xf32, #tpu.memory_space<vmem>>, vector<1x16xf32>,
        %parallel_loop3A_352 = arith.index_cast %parallel_loop3A_315 : i32 to index
        %parallel_loop3A_353 = arith.constant 48 : index
        %parallel_loop3A_354 = tpu.vector_load %arg12[%parallel_loop3A_352, %parallel_loop3A_353] {strides = array<i32>} : memref<64x128xf32, #tpu.memory_space<vmem>>, vector<1x16xf32>,
        %parallel_loop3A_355 = vector.shape_cast %parallel_loop3A_354 : vector<1x16xf32> to vector<16xf32>
        %parallel_loop3A_356 = arith.constant 11.3137083 : f32
        %parallel_loop3A_357 = vector.broadcast %parallel_loop3A_356 : f32 to vector<16xf32>
        %parallel_loop3A_358 = arith.mulf %parallel_loop3A_355, %parallel_loop3A_357 : vector<16xf32>
        %parallel_loop3A_359 = arith.index_cast %parallel_loop3A_315 : i32 to index
        %parallel_loop3A_360 = arith.constant 48 : index
        %parallel_loop3A_361 = tpu.vector_load %arg12[%parallel_loop3A_359, %parallel_loop3A_360] {strides = array<i32>} : memref<64x128xf32, #tpu.memory_space<vmem>>, vector<1x16xf32>,
        %parallel_loop3A_362 = vector.shape_cast %parallel_loop3A_361 : vector<1x16xf32> to vector<16xf32>
        %parallel_loop3A_363 = vector.shape_cast %parallel_loop3A_358 : vector<16xf32> to vector<1x16xf32>
        tpu.vector_store %arg12[%parallel_loop3A_359, %parallel_loop3A_360], %parallel_loop3A_363 {strides = array<i32>} : memref<64x128xf32, #tpu.memory_space<vmem>>, vector<1x16xf32>,
        %parallel_loop3A_364 = arith.index_cast %parallel_loop3A_315 : i32 to index
        %parallel_loop3A_365 = arith.constant 64 : index
        %parallel_loop3A_366 = tpu.vector_load %arg12[%parallel_loop3A_364, %parallel_loop3A_365] {strides = array<i32>} : memref<64x128xf32, #tpu.memory_space<vmem>>, vector<1x16xf32>,
        %parallel_loop3A_367 = vector.shape_cast %parallel_loop3A_366 : vector<1x16xf32> to vector<16xf32>
        %parallel_loop3A_368 = arith.constant 11.3137083 : f32
        %parallel_loop3A_369 = vector.broadcast %parallel_loop3A_368 : f32 to vector<16xf32>
        %parallel_loop3A_370 = arith.mulf %parallel_loop3A_367, %parallel_loop3A_369 : vector<16xf32>
        %parallel_loop3A_371 = arith.index_cast %parallel_loop3A_315 : i32 to index
        %parallel_loop3A_372 = arith.constant 64 : index
        %parallel_loop3A_373 = tpu.vector_load %arg12[%parallel_loop3A_371, %parallel_loop3A_372] {strides = array<i32>} : memref<64x128xf32, #tpu.memory_space<vmem>>, vector<1x16xf32>,
        %parallel_loop3A_374 = vector.shape_cast %parallel_loop3A_373 : vector<1x16xf32> to vector<16xf32>
        %parallel_loop3A_375 = vector.shape_cast %parallel_loop3A_370 : vector<16xf32> to vector<1x16xf32>
        tpu.vector_store %arg12[%parallel_loop3A_371, %parallel_loop3A_372], %parallel_loop3A_375 {strides = array<i32>} : memref<64x128xf32, #tpu.memory_space<vmem>>, vector<1x16xf32>,
        %parallel_loop3A_376 = arith.index_cast %parallel_loop3A_315 : i32 to index
        %parallel_loop3A_377 = arith.constant 80 : index
        %parallel_loop3A_378 = tpu.vector_load %arg12[%parallel_loop3A_376, %parallel_loop3A_377] {strides = array<i32>} : memref<64x128xf32, #tpu.memory_space<vmem>>, vector<1x16xf32>,
        %parallel_loop3A_379 = vector.shape_cast %parallel_loop3A_378 : vector<1x16xf32> to vector<16xf32>
        %parallel_loop3A_380 = arith.constant 11.3137083 : f32
        %parallel_loop3A_381 = vector.broadcast %parallel_loop3A_380 : f32 to vector<16xf32>
        %parallel_loop3A_382 = arith.mulf %parallel_loop3A_379, %parallel_loop3A_381 : vector<16xf32>
        %parallel_loop3A_383 = arith.index_cast %parallel_loop3A_315 : i32 to index
        %parallel_loop3A_384 = arith.constant 80 : index
        %parallel_loop3A_385 = tpu.vector_load %arg12[%parallel_loop3A_383, %parallel_loop3A_384] {strides = array<i32>} : memref<64x128xf32, #tpu.memory_space<vmem>>, vector<1x16xf32>,
        %parallel_loop3A_386 = vector.shape_cast %parallel_loop3A_385 : vector<1x16xf32> to vector<16xf32>
        %parallel_loop3A_387 = vector.shape_cast %parallel_loop3A_382 : vector<16xf32> to vector<1x16xf32>
        tpu.vector_store %arg12[%parallel_loop3A_383, %parallel_loop3A_384], %parallel_loop3A_387 {strides = array<i32>} : memref<64x128xf32, #tpu.memory_space<vmem>>, vector<1x16xf32>,
        %parallel_loop3A_388 = arith.index_cast %parallel_loop3A_315 : i32 to index
        %parallel_loop3A_389 = arith.constant 96 : index
        %parallel_loop3A_390 = tpu.vector_load %arg12[%parallel_loop3A_388, %parallel_loop3A_389] {strides = array<i32>} : memref<64x128xf32, #tpu.memory_space<vmem>>, vector<1x16xf32>,
        %parallel_loop3A_391 = vector.shape_cast %parallel_loop3A_390 : vector<1x16xf32> to vector<16xf32>
        %parallel_loop3A_392 = arith.constant 11.3137083 : f32
        %parallel_loop3A_393 = vector.broadcast %parallel_loop3A_392 : f32 to vector<16xf32>
        %parallel_loop3A_394 = arith.mulf %parallel_loop3A_391, %parallel_loop3A_393 : vector<16xf32>
        %parallel_loop3A_395 = arith.index_cast %parallel_loop3A_315 : i32 to index
        %parallel_loop3A_396 = arith.constant 96 : index
        %parallel_loop3A_397 = tpu.vector_load %arg12[%parallel_loop3A_395, %parallel_loop3A_396] {strides = array<i32>} : memref<64x128xf32, #tpu.memory_space<vmem>>, vector<1x16xf32>,
        %parallel_loop3A_398 = vector.shape_cast %parallel_loop3A_397 : vector<1x16xf32> to vector<16xf32>
        %parallel_loop3A_399 = vector.shape_cast %parallel_loop3A_394 : vector<16xf32> to vector<1x16xf32>
        tpu.vector_store %arg12[%parallel_loop3A_395, %parallel_loop3A_396], %parallel_loop3A_399 {strides = array<i32>} : memref<64x128xf32, #tpu.memory_space<vmem>>, vector<1x16xf32>,
        %parallel_loop3A_400 = arith.index_cast %parallel_loop3A_315 : i32 to index
        %parallel_loop3A_401 = arith.constant 112 : index
        %parallel_loop3A_402 = tpu.vector_load %arg12[%parallel_loop3A_400, %parallel_loop3A_401] {strides = array<i32>} : memref<64x128xf32, #tpu.memory_space<vmem>>, vector<1x16xf32>,
        %parallel_loop3A_403 = vector.shape_cast %parallel_loop3A_402 : vector<1x16xf32> to vector<16xf32>
        %parallel_loop3A_404 = arith.constant 11.3137083 : f32
        %parallel_loop3A_405 = vector.broadcast %parallel_loop3A_404 : f32 to vector<16xf32>
        %parallel_loop3A_406 = arith.mulf %parallel_loop3A_403, %parallel_loop3A_405 : vector<16xf32>
        %parallel_loop3A_407 = arith.index_cast %parallel_loop3A_315 : i32 to index
        %parallel_loop3A_408 = arith.constant 112 : index
        %parallel_loop3A_409 = tpu.vector_load %arg12[%parallel_loop3A_407, %parallel_loop3A_408] {strides = array<i32>} : memref<64x128xf32, #tpu.memory_space<vmem>>, vector<1x16xf32>,
        %parallel_loop3A_410 = vector.shape_cast %parallel_loop3A_409 : vector<1x16xf32> to vector<16xf32>
        %parallel_loop3A_411 = vector.shape_cast %parallel_loop3A_406 : vector<16xf32> to vector<1x16xf32>
        tpu.vector_store %arg12[%parallel_loop3A_407, %parallel_loop3A_408], %parallel_loop3A_411 {strides = array<i32>} : memref<64x128xf32, #tpu.memory_space<vmem>>, vector<1x16xf32>,
      } {sc.loop_unroll_factor = 4 : i64, sc.parallel_access}
      %mul3A_278 = arith.constant 64 : i32
      %mul3A_279 = arith.muli %add3A_268, %mul3A_278 : i32
      %add3A_280 = arith.addi %mul3A_2, %mul3A_279 : i32
      %dma_start3A_281 = arith.constant 0 : i32
      %dma_start3A_282 = tpu.memref_slice %arg4[%add3A_280, %dma_start3A_281] : memref<819200x128xf32, #tpu.memory_space<hbm>> -> memref<64x128xf32, #tpu.memory_space<hbm>>
      %dma_start3A_283 = arith.constant 0 : i32
      %dma_start3A_284 = tpu.memref_slice %arg4[%add3A_280, %dma_start3A_283] : memref<819200x128xf32, #tpu.memory_space<hbm>> -> memref<64x128xf32, #tpu.memory_space<hbm>>
      tpu.enqueue_dma source(%arg12 : memref<64x128xf32, #tpu.memory_space<vmem>>) target(%dma_start3A_284 : memref<64x128xf32, #tpu.memory_space<hbm>>) target_semaphore(%arg28 : memref<!tpu.dma_semaphore, #tpu.memory_space<semaphore_mem>>)
      %lt3A_285 = arith.constant 49 : i32
      %lt3A_286 = arith.cmpi slt, %add3A_87, %lt3A_285 : i32
      %convert_element_type3A_287 = arith.extui %lt3A_286 : i1 to i32
      %cond3A_288 = arith.constant 0 : i32
      %cond3A_289 = arith.cmpi ne, %convert_element_type3A_287, %cond3A_288 : i32
      scf.if %cond3A_289 {
        %add3A_315 = arith.constant 4 : i32
        %add3A_316 = arith.addi %add3A_268, %add3A_315 : i32
        %sub3A = arith.constant 8 : i32
        %sub3A_317 = arith.subi %add3A_316, %sub3A : i32
        %mul3A_318 = arith.constant 64 : i32
        %mul3A_319 = arith.muli %sub3A_317, %mul3A_318 : i32
        %add3A_320 = arith.addi %mul3A_2, %mul3A_319 : i32
        %dma_wait3A_321 = arith.constant 0 : i32
        %dma_wait3A_322 = tpu.memref_slice %arg4[%add3A_320, %dma_wait3A_321] : memref<819200x128xf32, #tpu.memory_space<hbm>> -> memref<64x128xf32, #tpu.memory_space<hbm>>
        %dma_wait3A_323 = arith.constant 0 : i32
        %dma_wait3A_324 = tpu.memref_slice %arg4[%add3A_320, %dma_wait3A_323] : memref<819200x128xf32, #tpu.memory_space<hbm>> -> memref<64x128xf32, #tpu.memory_space<hbm>>
        tpu.wait_dma2 semaphore(%arg24 : memref<!tpu.dma_semaphore, #tpu.memory_space<semaphore_mem>>) src(%arg8 : memref<64x128xf32, #tpu.memory_space<vmem>>) dst(%dma_wait3A_324 : memref<64x128xf32, #tpu.memory_space<hbm>>)
        %add3A_325 = arith.constant 4 : i32
        %add3A_326 = arith.addi %add3A_268, %add3A_325 : i32
        %dma_start3A_327 = arith.constant 0 : i32
        %dma_start3A_328 = tpu.memref_slice %arg5[%add3A_326, %dma_start3A_327] : memref<400x64xi32, #tpu.memory_space<vmem>> -> memref<1x64xi32, #tpu.memory_space<vmem>>
        %dma_start3A_329 = tpu.memref_squeeze %dma_start3A_328 : memref<1x64xi32, #tpu.memory_space<vmem>> -> memref<64xi32, #tpu.memory_space<vmem>>
        %dma_start3A_330 = arith.constant 0 : i32
        %dma_start3A_331 = arith.constant 0 : i32
        %dma_start3A_332 = tpu.memref_slice %arg2[%dma_start3A_330, %dma_start3A_331] : memref<100000x128xf32, #tpu.memory_space<hbm>> -> memref<100000x128xf32, #tpu.memory_space<hbm>>
        tpu.enqueue_indirect_dma source(%dma_start3A_332 : memref<100000x128xf32, #tpu.memory_space<hbm>>) target(%arg8 : memref<64x128xf32, #tpu.memory_space<vmem>>) offsets(%dma_start3A_329 : memref<64xi32, #tpu.memory_space<vmem>>) semaphore(%arg16 : memref<!tpu.dma_semaphore, #tpu.memory_space<semaphore_mem>>)
      } else {
      }
      %mul3A_290 = arith.constant 8 : i32
      %mul3A_291 = arith.muli %add3A_87, %mul3A_290 : i32
      %add3A_292 = arith.constant 7 : i32
      %add3A_293 = arith.addi %mul3A_291, %add3A_292 : i32
      %dma_wait3A_294 = arith.constant 0 : i32
      %dma_wait3A_295 = tpu.memref_slice %arg5[%add3A_293, %dma_wait3A_294] : memref<400x64xi32, #tpu.memory_space<vmem>> -> memref<1x64xi32, #tpu.memory_space<vmem>>
      %dma_wait3A_296 = tpu.memref_squeeze %dma_wait3A_295 : memref<1x64xi32, #tpu.memory_space<vmem>> -> memref<64xi32, #tpu.memory_space<vmem>>
      %dma_wait3A_297 = arith.constant 0 : i32
      %dma_wait3A_298 = arith.constant 0 : i32
      %dma_wait3A_299 = tpu.memref_slice %arg2[%dma_wait3A_297, %dma_wait3A_298] : memref<100000x128xf32, #tpu.memory_space<hbm>> -> memref<100000x128xf32, #tpu.memory_space<hbm>>
      tpu.wait_indirect_dma semaphore(%arg21 : memref<!tpu.dma_semaphore, #tpu.memory_space<semaphore_mem>>) src(%dma_wait3A_299 : memref<100000x128xf32, #tpu.memory_space<hbm>>) dst(%arg13 : memref<64x128xf32, #tpu.memory_space<vmem>>)
      %parallel_loop3A_300 = arith.constant 0 : i32
      %parallel_loop3A_301 = arith.constant 64 : i32
      %parallel_loop3A_302 = arith.constant 1 : i32
      scf.for %parallel_loop3A_315 = %parallel_loop3A_300 to %parallel_loop3A_301 step %parallel_loop3A_302  : i32 {
        %parallel_loop3A_316 = arith.index_cast %parallel_loop3A_315 : i32 to index
        %parallel_loop3A_317 = arith.constant 0 : index
        %parallel_loop3A_318 = tpu.vector_load %arg13[%parallel_loop3A_316, %parallel_loop3A_317] {strides = array<i32>} : memref<64x128xf32, #tpu.memory_space<vmem>>, vector<1x16xf32>,
        %parallel_loop3A_319 = vector.shape_cast %parallel_loop3A_318 : vector<1x16xf32> to vector<16xf32>
        %parallel_loop3A_320 = arith.constant 11.3137083 : f32
        %parallel_loop3A_321 = vector.broadcast %parallel_loop3A_320 : f32 to vector<16xf32>
        %parallel_loop3A_322 = arith.mulf %parallel_loop3A_319, %parallel_loop3A_321 : vector<16xf32>
        %parallel_loop3A_323 = arith.index_cast %parallel_loop3A_315 : i32 to index
        %parallel_loop3A_324 = arith.constant 0 : index
        %parallel_loop3A_325 = tpu.vector_load %arg13[%parallel_loop3A_323, %parallel_loop3A_324] {strides = array<i32>} : memref<64x128xf32, #tpu.memory_space<vmem>>, vector<1x16xf32>,
        %parallel_loop3A_326 = vector.shape_cast %parallel_loop3A_325 : vector<1x16xf32> to vector<16xf32>
        %parallel_loop3A_327 = vector.shape_cast %parallel_loop3A_322 : vector<16xf32> to vector<1x16xf32>
        tpu.vector_store %arg13[%parallel_loop3A_323, %parallel_loop3A_324], %parallel_loop3A_327 {strides = array<i32>} : memref<64x128xf32, #tpu.memory_space<vmem>>, vector<1x16xf32>,
        %parallel_loop3A_328 = arith.index_cast %parallel_loop3A_315 : i32 to index
        %parallel_loop3A_329 = arith.constant 16 : index
        %parallel_loop3A_330 = tpu.vector_load %arg13[%parallel_loop3A_328, %parallel_loop3A_329] {strides = array<i32>} : memref<64x128xf32, #tpu.memory_space<vmem>>, vector<1x16xf32>,
        %parallel_loop3A_331 = vector.shape_cast %parallel_loop3A_330 : vector<1x16xf32> to vector<16xf32>
        %parallel_loop3A_332 = arith.constant 11.3137083 : f32
        %parallel_loop3A_333 = vector.broadcast %parallel_loop3A_332 : f32 to vector<16xf32>
        %parallel_loop3A_334 = arith.mulf %parallel_loop3A_331, %parallel_loop3A_333 : vector<16xf32>
        %parallel_loop3A_335 = arith.index_cast %parallel_loop3A_315 : i32 to index
        %parallel_loop3A_336 = arith.constant 16 : index
        %parallel_loop3A_337 = tpu.vector_load %arg13[%parallel_loop3A_335, %parallel_loop3A_336] {strides = array<i32>} : memref<64x128xf32, #tpu.memory_space<vmem>>, vector<1x16xf32>,
        %parallel_loop3A_338 = vector.shape_cast %parallel_loop3A_337 : vector<1x16xf32> to vector<16xf32>
        %parallel_loop3A_339 = vector.shape_cast %parallel_loop3A_334 : vector<16xf32> to vector<1x16xf32>
        tpu.vector_store %arg13[%parallel_loop3A_335, %parallel_loop3A_336], %parallel_loop3A_339 {strides = array<i32>} : memref<64x128xf32, #tpu.memory_space<vmem>>, vector<1x16xf32>,
        %parallel_loop3A_340 = arith.index_cast %parallel_loop3A_315 : i32 to index
        %parallel_loop3A_341 = arith.constant 32 : index
        %parallel_loop3A_342 = tpu.vector_load %arg13[%parallel_loop3A_340, %parallel_loop3A_341] {strides = array<i32>} : memref<64x128xf32, #tpu.memory_space<vmem>>, vector<1x16xf32>,
        %parallel_loop3A_343 = vector.shape_cast %parallel_loop3A_342 : vector<1x16xf32> to vector<16xf32>
        %parallel_loop3A_344 = arith.constant 11.3137083 : f32
        %parallel_loop3A_345 = vector.broadcast %parallel_loop3A_344 : f32 to vector<16xf32>
        %parallel_loop3A_346 = arith.mulf %parallel_loop3A_343, %parallel_loop3A_345 : vector<16xf32>
        %parallel_loop3A_347 = arith.index_cast %parallel_loop3A_315 : i32 to index
        %parallel_loop3A_348 = arith.constant 32 : index
        %parallel_loop3A_349 = tpu.vector_load %arg13[%parallel_loop3A_347, %parallel_loop3A_348] {strides = array<i32>} : memref<64x128xf32, #tpu.memory_space<vmem>>, vector<1x16xf32>,
        %parallel_loop3A_350 = vector.shape_cast %parallel_loop3A_349 : vector<1x16xf32> to vector<16xf32>
        %parallel_loop3A_351 = vector.shape_cast %parallel_loop3A_346 : vector<16xf32> to vector<1x16xf32>
        tpu.vector_store %arg13[%parallel_loop3A_347, %parallel_loop3A_348], %parallel_loop3A_351 {strides = array<i32>} : memref<64x128xf32, #tpu.memory_space<vmem>>, vector<1x16xf32>,
        %parallel_loop3A_352 = arith.index_cast %parallel_loop3A_315 : i32 to index
        %parallel_loop3A_353 = arith.constant 48 : index
        %parallel_loop3A_354 = tpu.vector_load %arg13[%parallel_loop3A_352, %parallel_loop3A_353] {strides = array<i32>} : memref<64x128xf32, #tpu.memory_space<vmem>>, vector<1x16xf32>,
        %parallel_loop3A_355 = vector.shape_cast %parallel_loop3A_354 : vector<1x16xf32> to vector<16xf32>
        %parallel_loop3A_356 = arith.constant 11.3137083 : f32
        %parallel_loop3A_357 = vector.broadcast %parallel_loop3A_356 : f32 to vector<16xf32>
        %parallel_loop3A_358 = arith.mulf %parallel_loop3A_355, %parallel_loop3A_357 : vector<16xf32>
        %parallel_loop3A_359 = arith.index_cast %parallel_loop3A_315 : i32 to index
        %parallel_loop3A_360 = arith.constant 48 : index
        %parallel_loop3A_361 = tpu.vector_load %arg13[%parallel_loop3A_359, %parallel_loop3A_360] {strides = array<i32>} : memref<64x128xf32, #tpu.memory_space<vmem>>, vector<1x16xf32>,
        %parallel_loop3A_362 = vector.shape_cast %parallel_loop3A_361 : vector<1x16xf32> to vector<16xf32>
        %parallel_loop3A_363 = vector.shape_cast %parallel_loop3A_358 : vector<16xf32> to vector<1x16xf32>
        tpu.vector_store %arg13[%parallel_loop3A_359, %parallel_loop3A_360], %parallel_loop3A_363 {strides = array<i32>} : memref<64x128xf32, #tpu.memory_space<vmem>>, vector<1x16xf32>,
        %parallel_loop3A_364 = arith.index_cast %parallel_loop3A_315 : i32 to index
        %parallel_loop3A_365 = arith.constant 64 : index
        %parallel_loop3A_366 = tpu.vector_load %arg13[%parallel_loop3A_364, %parallel_loop3A_365] {strides = array<i32>} : memref<64x128xf32, #tpu.memory_space<vmem>>, vector<1x16xf32>,
        %parallel_loop3A_367 = vector.shape_cast %parallel_loop3A_366 : vector<1x16xf32> to vector<16xf32>
        %parallel_loop3A_368 = arith.constant 11.3137083 : f32
        %parallel_loop3A_369 = vector.broadcast %parallel_loop3A_368 : f32 to vector<16xf32>
        %parallel_loop3A_370 = arith.mulf %parallel_loop3A_367, %parallel_loop3A_369 : vector<16xf32>
        %parallel_loop3A_371 = arith.index_cast %parallel_loop3A_315 : i32 to index
        %parallel_loop3A_372 = arith.constant 64 : index
        %parallel_loop3A_373 = tpu.vector_load %arg13[%parallel_loop3A_371, %parallel_loop3A_372] {strides = array<i32>} : memref<64x128xf32, #tpu.memory_space<vmem>>, vector<1x16xf32>,
        %parallel_loop3A_374 = vector.shape_cast %parallel_loop3A_373 : vector<1x16xf32> to vector<16xf32>
        %parallel_loop3A_375 = vector.shape_cast %parallel_loop3A_370 : vector<16xf32> to vector<1x16xf32>
        tpu.vector_store %arg13[%parallel_loop3A_371, %parallel_loop3A_372], %parallel_loop3A_375 {strides = array<i32>} : memref<64x128xf32, #tpu.memory_space<vmem>>, vector<1x16xf32>,
        %parallel_loop3A_376 = arith.index_cast %parallel_loop3A_315 : i32 to index
        %parallel_loop3A_377 = arith.constant 80 : index
        %parallel_loop3A_378 = tpu.vector_load %arg13[%parallel_loop3A_376, %parallel_loop3A_377] {strides = array<i32>} : memref<64x128xf32, #tpu.memory_space<vmem>>, vector<1x16xf32>,
        %parallel_loop3A_379 = vector.shape_cast %parallel_loop3A_378 : vector<1x16xf32> to vector<16xf32>
        %parallel_loop3A_380 = arith.constant 11.3137083 : f32
        %parallel_loop3A_381 = vector.broadcast %parallel_loop3A_380 : f32 to vector<16xf32>
        %parallel_loop3A_382 = arith.mulf %parallel_loop3A_379, %parallel_loop3A_381 : vector<16xf32>
        %parallel_loop3A_383 = arith.index_cast %parallel_loop3A_315 : i32 to index
        %parallel_loop3A_384 = arith.constant 80 : index
        %parallel_loop3A_385 = tpu.vector_load %arg13[%parallel_loop3A_383, %parallel_loop3A_384] {strides = array<i32>} : memref<64x128xf32, #tpu.memory_space<vmem>>, vector<1x16xf32>,
        %parallel_loop3A_386 = vector.shape_cast %parallel_loop3A_385 : vector<1x16xf32> to vector<16xf32>
        %parallel_loop3A_387 = vector.shape_cast %parallel_loop3A_382 : vector<16xf32> to vector<1x16xf32>
        tpu.vector_store %arg13[%parallel_loop3A_383, %parallel_loop3A_384], %parallel_loop3A_387 {strides = array<i32>} : memref<64x128xf32, #tpu.memory_space<vmem>>, vector<1x16xf32>,
        %parallel_loop3A_388 = arith.index_cast %parallel_loop3A_315 : i32 to index
        %parallel_loop3A_389 = arith.constant 96 : index
        %parallel_loop3A_390 = tpu.vector_load %arg13[%parallel_loop3A_388, %parallel_loop3A_389] {strides = array<i32>} : memref<64x128xf32, #tpu.memory_space<vmem>>, vector<1x16xf32>,
        %parallel_loop3A_391 = vector.shape_cast %parallel_loop3A_390 : vector<1x16xf32> to vector<16xf32>
        %parallel_loop3A_392 = arith.constant 11.3137083 : f32
        %parallel_loop3A_393 = vector.broadcast %parallel_loop3A_392 : f32 to vector<16xf32>
        %parallel_loop3A_394 = arith.mulf %parallel_loop3A_391, %parallel_loop3A_393 : vector<16xf32>
        %parallel_loop3A_395 = arith.index_cast %parallel_loop3A_315 : i32 to index
        %parallel_loop3A_396 = arith.constant 96 : index
        %parallel_loop3A_397 = tpu.vector_load %arg13[%parallel_loop3A_395, %parallel_loop3A_396] {strides = array<i32>} : memref<64x128xf32, #tpu.memory_space<vmem>>, vector<1x16xf32>,
        %parallel_loop3A_398 = vector.shape_cast %parallel_loop3A_397 : vector<1x16xf32> to vector<16xf32>
        %parallel_loop3A_399 = vector.shape_cast %parallel_loop3A_394 : vector<16xf32> to vector<1x16xf32>
        tpu.vector_store %arg13[%parallel_loop3A_395, %parallel_loop3A_396], %parallel_loop3A_399 {strides = array<i32>} : memref<64x128xf32, #tpu.memory_space<vmem>>, vector<1x16xf32>,
        %parallel_loop3A_400 = arith.index_cast %parallel_loop3A_315 : i32 to index
        %parallel_loop3A_401 = arith.constant 112 : index
        %parallel_loop3A_402 = tpu.vector_load %arg13[%parallel_loop3A_400, %parallel_loop3A_401] {strides = array<i32>} : memref<64x128xf32, #tpu.memory_space<vmem>>, vector<1x16xf32>,
        %parallel_loop3A_403 = vector.shape_cast %parallel_loop3A_402 : vector<1x16xf32> to vector<16xf32>
        %parallel_loop3A_404 = arith.constant 11.3137083 : f32
        %parallel_loop3A_405 = vector.broadcast %parallel_loop3A_404 : f32 to vector<16xf32>
        %parallel_loop3A_406 = arith.mulf %parallel_loop3A_403, %parallel_loop3A_405 : vector<16xf32>
        %parallel_loop3A_407 = arith.index_cast %parallel_loop3A_315 : i32 to index
        %parallel_loop3A_408 = arith.constant 112 : index
        %parallel_loop3A_409 = tpu.vector_load %arg13[%parallel_loop3A_407, %parallel_loop3A_408] {strides = array<i32>} : memref<64x128xf32, #tpu.memory_space<vmem>>, vector<1x16xf32>,
        %parallel_loop3A_410 = vector.shape_cast %parallel_loop3A_409 : vector<1x16xf32> to vector<16xf32>
        %parallel_loop3A_411 = vector.shape_cast %parallel_loop3A_406 : vector<16xf32> to vector<1x16xf32>
        tpu.vector_store %arg13[%parallel_loop3A_407, %parallel_loop3A_408], %parallel_loop3A_411 {strides = array<i32>} : memref<64x128xf32, #tpu.memory_space<vmem>>, vector<1x16xf32>,
      } {sc.loop_unroll_factor = 4 : i64, sc.parallel_access}
      %mul3A_303 = arith.constant 64 : i32
      %mul3A_304 = arith.muli %add3A_293, %mul3A_303 : i32
      %add3A_305 = arith.addi %mul3A_2, %mul3A_304 : i32
      %dma_start3A_306 = arith.constant 0 : i32
      %dma_start3A_307 = tpu.memref_slice %arg4[%add3A_305, %dma_start3A_306] : memref<819200x128xf32, #tpu.memory_space<hbm>> -> memref<64x128xf32, #tpu.memory_space<hbm>>
      %dma_start3A_308 = arith.constant 0 : i32
      %dma_start3A_309 = tpu.memref_slice %arg4[%add3A_305, %dma_start3A_308] : memref<819200x128xf32, #tpu.memory_space<hbm>> -> memref<64x128xf32, #tpu.memory_space<hbm>>
      tpu.enqueue_dma source(%arg13 : memref<64x128xf32, #tpu.memory_space<vmem>>) target(%dma_start3A_309 : memref<64x128xf32, #tpu.memory_space<hbm>>) target_semaphore(%arg29 : memref<!tpu.dma_semaphore, #tpu.memory_space<semaphore_mem>>)
      %lt3A_310 = arith.constant 49 : i32
      %lt3A_311 = arith.cmpi slt, %add3A_87, %lt3A_310 : i32
      %convert_element_type3A_312 = arith.extui %lt3A_311 : i1 to i32
      %cond3A_313 = arith.constant 0 : i32
      %cond3A_314 = arith.cmpi ne, %convert_element_type3A_312, %cond3A_313 : i32
      scf.if %cond3A_314 {
        %add3A_315 = arith.constant 4 : i32
        %add3A_316 = arith.addi %add3A_293, %add3A_315 : i32
        %sub3A = arith.constant 8 : i32
        %sub3A_317 = arith.subi %add3A_316, %sub3A : i32
        %mul3A_318 = arith.constant 64 : i32
        %mul3A_319 = arith.muli %sub3A_317, %mul3A_318 : i32
        %add3A_320 = arith.addi %mul3A_2, %mul3A_319 : i32
        %dma_wait3A_321 = arith.constant 0 : i32
        %dma_wait3A_322 = tpu.memref_slice %arg4[%add3A_320, %dma_wait3A_321] : memref<819200x128xf32, #tpu.memory_space<hbm>> -> memref<64x128xf32, #tpu.memory_space<hbm>>
        %dma_wait3A_323 = arith.constant 0 : i32
        %dma_wait3A_324 = tpu.memref_slice %arg4[%add3A_320, %dma_wait3A_323] : memref<819200x128xf32, #tpu.memory_space<hbm>> -> memref<64x128xf32, #tpu.memory_space<hbm>>
        tpu.wait_dma2 semaphore(%arg25 : memref<!tpu.dma_semaphore, #tpu.memory_space<semaphore_mem>>) src(%arg9 : memref<64x128xf32, #tpu.memory_space<vmem>>) dst(%dma_wait3A_324 : memref<64x128xf32, #tpu.memory_space<hbm>>)
        %add3A_325 = arith.constant 4 : i32
        %add3A_326 = arith.addi %add3A_293, %add3A_325 : i32
        %dma_start3A_327 = arith.constant 0 : i32
        %dma_start3A_328 = tpu.memref_slice %arg5[%add3A_326, %dma_start3A_327] : memref<400x64xi32, #tpu.memory_space<vmem>> -> memref<1x64xi32, #tpu.memory_space<vmem>>
        %dma_start3A_329 = tpu.memref_squeeze %dma_start3A_328 : memref<1x64xi32, #tpu.memory_space<vmem>> -> memref<64xi32, #tpu.memory_space<vmem>>
        %dma_start3A_330 = arith.constant 0 : i32
        %dma_start3A_331 = arith.constant 0 : i32
        %dma_start3A_332 = tpu.memref_slice %arg2[%dma_start3A_330, %dma_start3A_331] : memref<100000x128xf32, #tpu.memory_space<hbm>> -> memref<100000x128xf32, #tpu.memory_space<hbm>>
        tpu.enqueue_indirect_dma source(%dma_start3A_332 : memref<100000x128xf32, #tpu.memory_space<hbm>>) target(%arg9 : memref<64x128xf32, #tpu.memory_space<vmem>>) offsets(%dma_start3A_329 : memref<64xi32, #tpu.memory_space<vmem>>) semaphore(%arg17 : memref<!tpu.dma_semaphore, #tpu.memory_space<semaphore_mem>>)
      } else {
      }
    }
    %scan3A_35 = arith.constant 50 : i32
    %add3A_36 = arith.constant 25088 : i32
    %add3A_37 = arith.addi %mul3A_2, %add3A_36 : i32
    %dma_wait3A = arith.constant 0 : i32
    %dma_wait3A_38 = tpu.memref_slice %arg4[%add3A_37, %dma_wait3A] : memref<819200x128xf32, #tpu.memory_space<hbm>> -> memref<64x128xf32, #tpu.memory_space<hbm>>
    %dma_wait3A_39 = arith.constant 0 : i32
    %dma_wait3A_40 = tpu.memref_slice %arg4[%add3A_37, %dma_wait3A_39] : memref<819200x128xf32, #tpu.memory_space<hbm>> -> memref<64x128xf32, #tpu.memory_space<hbm>>
    tpu.wait_dma2 semaphore(%arg22 : memref<!tpu.dma_semaphore, #tpu.memory_space<semaphore_mem>>) src(%arg6 : memref<64x128xf32, #tpu.memory_space<vmem>>) dst(%dma_wait3A_40 : memref<64x128xf32, #tpu.memory_space<hbm>>)
    %add3A_41 = arith.constant 25152 : i32
    %add3A_42 = arith.addi %mul3A_2, %add3A_41 : i32
    %dma_wait3A_43 = arith.constant 0 : i32
    %dma_wait3A_44 = tpu.memref_slice %arg4[%add3A_42, %dma_wait3A_43] : memref<819200x128xf32, #tpu.memory_space<hbm>> -> memref<64x128xf32, #tpu.memory_space<hbm>>
    %dma_wait3A_45 = arith.constant 0 : i32
    %dma_wait3A_46 = tpu.memref_slice %arg4[%add3A_42, %dma_wait3A_45] : memref<819200x128xf32, #tpu.memory_space<hbm>> -> memref<64x128xf32, #tpu.memory_space<hbm>>
    tpu.wait_dma2 semaphore(%arg23 : memref<!tpu.dma_semaphore, #tpu.memory_space<semaphore_mem>>) src(%arg7 : memref<64x128xf32, #tpu.memory_space<vmem>>) dst(%dma_wait3A_46 : memref<64x128xf32, #tpu.memory_space<hbm>>)
    %add3A_47 = arith.constant 25216 : i32
    %add3A_48 = arith.addi %mul3A_2, %add3A_47 : i32
    %dma_wait3A_49 = arith.constant 0 : i32
    %dma_wait3A_50 = tpu.memref_slice %arg4[%add3A_48, %dma_wait3A_49] : memref<819200x128xf32, #tpu.memory_space<hbm>> -> memref<64x128xf32, #tpu.memory_space<hbm>>
    %dma_wait3A_51 = arith.constant 0 : i32
    %dma_wait3A_52 = tpu.memref_slice %arg4[%add3A_48, %dma_wait3A_51] : memref<819200x128xf32, #tpu.memory_space<hbm>> -> memref<64x128xf32, #tpu.memory_space<hbm>>
    tpu.wait_dma2 semaphore(%arg24 : memref<!tpu.dma_semaphore, #tpu.memory_space<semaphore_mem>>) src(%arg8 : memref<64x128xf32, #tpu.memory_space<vmem>>) dst(%dma_wait3A_52 : memref<64x128xf32, #tpu.memory_space<hbm>>)
    %add3A_53 = arith.constant 25280 : i32
    %add3A_54 = arith.addi %mul3A_2, %add3A_53 : i32
    %dma_wait3A_55 = arith.constant 0 : i32
    %dma_wait3A_56 = tpu.memref_slice %arg4[%add3A_54, %dma_wait3A_55] : memref<819200x128xf32, #tpu.memory_space<hbm>> -> memref<64x128xf32, #tpu.memory_space<hbm>>
    %dma_wait3A_57 = arith.constant 0 : i32
    %dma_wait3A_58 = tpu.memref_slice %arg4[%add3A_54, %dma_wait3A_57] : memref<819200x128xf32, #tpu.memory_space<hbm>> -> memref<64x128xf32, #tpu.memory_space<hbm>>
    tpu.wait_dma2 semaphore(%arg25 : memref<!tpu.dma_semaphore, #tpu.memory_space<semaphore_mem>>) src(%arg9 : memref<64x128xf32, #tpu.memory_space<vmem>>) dst(%dma_wait3A_58 : memref<64x128xf32, #tpu.memory_space<hbm>>)
    %add3A_59 = arith.constant 25344 : i32
    %add3A_60 = arith.addi %mul3A_2, %add3A_59 : i32
    %dma_wait3A_61 = arith.constant 0 : i32
    %dma_wait3A_62 = tpu.memref_slice %arg4[%add3A_60, %dma_wait3A_61] : memref<819200x128xf32, #tpu.memory_space<hbm>> -> memref<64x128xf32, #tpu.memory_space<hbm>>
    %dma_wait3A_63 = arith.constant 0 : i32
    %dma_wait3A_64 = tpu.memref_slice %arg4[%add3A_60, %dma_wait3A_63] : memref<819200x128xf32, #tpu.memory_space<hbm>> -> memref<64x128xf32, #tpu.memory_space<hbm>>
    tpu.wait_dma2 semaphore(%arg26 : memref<!tpu.dma_semaphore, #tpu.memory_space<semaphore_mem>>) src(%arg10 : memref<64x128xf32, #tpu.memory_space<vmem>>) dst(%dma_wait3A_64 : memref<64x128xf32, #tpu.memory_space<hbm>>)
    %add3A_65 = arith.constant 25408 : i32
    %add3A_66 = arith.addi %mul3A_2, %add3A_65 : i32
    %dma_wait3A_67 = arith.constant 0 : i32
    %dma_wait3A_68 = tpu.memref_slice %arg4[%add3A_66, %dma_wait3A_67] : memref<819200x128xf32, #tpu.memory_space<hbm>> -> memref<64x128xf32, #tpu.memory_space<hbm>>
    %dma_wait3A_69 = arith.constant 0 : i32
    %dma_wait3A_70 = tpu.memref_slice %arg4[%add3A_66, %dma_wait3A_69] : memref<819200x128xf32, #tpu.memory_space<hbm>> -> memref<64x128xf32, #tpu.memory_space<hbm>>
    tpu.wait_dma2 semaphore(%arg27 : memref<!tpu.dma_semaphore, #tpu.memory_space<semaphore_mem>>) src(%arg11 : memref<64x128xf32, #tpu.memory_space<vmem>>) dst(%dma_wait3A_70 : memref<64x128xf32, #tpu.memory_space<hbm>>)
    %add3A_71 = arith.constant 25472 : i32
    %add3A_72 = arith.addi %mul3A_2, %add3A_71 : i32
    %dma_wait3A_73 = arith.constant 0 : i32
    %dma_wait3A_74 = tpu.memref_slice %arg4[%add3A_72, %dma_wait3A_73] : memref<819200x128xf32, #tpu.memory_space<hbm>> -> memref<64x128xf32, #tpu.memory_space<hbm>>
    %dma_wait3A_75 = arith.constant 0 : i32
    %dma_wait3A_76 = tpu.memref_slice %arg4[%add3A_72, %dma_wait3A_75] : memref<819200x128xf32, #tpu.memory_space<hbm>> -> memref<64x128xf32, #tpu.memory_space<hbm>>
    tpu.wait_dma2 semaphore(%arg28 : memref<!tpu.dma_semaphore, #tpu.memory_space<semaphore_mem>>) src(%arg12 : memref<64x128xf32, #tpu.memory_space<vmem>>) dst(%dma_wait3A_76 : memref<64x128xf32, #tpu.memory_space<hbm>>)
    %add3A_77 = arith.constant 25536 : i32
    %add3A_78 = arith.addi %mul3A_2, %add3A_77 : i32
    %dma_wait3A_79 = arith.constant 0 : i32
    %dma_wait3A_80 = tpu.memref_slice %arg4[%add3A_78, %dma_wait3A_79] : memref<819200x128xf32, #tpu.memory_space<hbm>> -> memref<64x128xf32, #tpu.memory_space<hbm>>
    %dma_wait3A_81 = arith.constant 0 : i32
    %dma_wait3A_82 = tpu.memref_slice %arg4[%add3A_78, %dma_wait3A_81] : memref<819200x128xf32, #tpu.memory_space<hbm>> -> memref<64x128xf32, #tpu.memory_space<hbm>>
    tpu.wait_dma2 semaphore(%arg29 : memref<!tpu.dma_semaphore, #tpu.memory_space<semaphore_mem>>) src(%arg13 : memref<64x128xf32, #tpu.memory_space<vmem>>) dst(%dma_wait3A_82 : memref<64x128xf32, #tpu.memory_space<hbm>>)
    return
  }
}

</mosaic_0001>

<sc_bundles>
// kernel: kernel.3.cloned.1.call-start
scs
__scs_entry_jumppad:
0x0: {  	(pc) =	sbr.rel $0x88, $3  }
0x1: {  	(tag) =	ssettag $0x0;
	lr =	simm.s32 $0x1  }
0x2: {  	[smem:$0x3F9F] =	sst lr;
	_ =	strace $0xD0000000  }
0x3: {  	_ = 	snop  }
0x4: {  	_ = 	snop  }
0x5: {  	_ = 	snop  }
0x6: {  	_ = 	snop  }
0x7: {  	_ = 	snop  }
__scs_overlays_trampoline_lowered:
0x8: {  	[smem:$0x3FAE] =	sst s0  }
0x9: {  	[smem:$0x3FAF] =	sst s1  }
0xa: {  	[smem:$0x3FB0] =	sst s2  }
0xb: {  	[smem:$0x3FB1] =	sst s3  }
0xc: {  	[smem:$0x3FB2] =	sst s4  }
0xd: {  	[smem:$0x3FB3] =	sst s5  }
0xe: {  	[smem:$0x3FB4] =	sst s6  }
0xf: {  	[smem:$0x3FB5] =	sst s7  }
0x10: {  	[smem:$0x3FB6] =	sst s8  }
0x11: {  	[smem:$0x3FB7] =	sst s9;
	s0 =	simm.s32 @!p0 $0x0  }
0x12: {  	s1 =	sld [smem:$0x3F9D];
	s0 =	simm.s32 @p0 $0x1  }
0x13: {  	[smem:$0x3FB8] =	sst s0;
	s0 =	simm.s32 @!p1 $0x0  }
0x14: {  	s2 =	sld [smem:$0x3F9C];
	s0 =	simm.s32 @p1 $0x1  }
0x15: {  	[smem:$0x3FB9] =	sst s0;
	s0 =	simm.s32 @!p2 $0x0  }
0x16: {  	s3 =	sld [smem:$0x3FDB];
	s0 =	simm.s32 @p2 $0x1  }
0x17: {  	s4 =	simm.s32 $0x1BF5;
	[smem:$0x3FBB] =	sst s0  }
0x18: {  	s0 =	sld [smem:$0x3F9E];
	_ =	swait.ge [sflag:s4], $0x0  }
0x19: {  	s7 =	sld [smem:$0x3F9F]  }
0x1a: {  	s8 =	sadd.s32 $0xFFFFE003, lr  }
0x1b: {  	s9 =	sadd.s32 $0xFFFFFEF7, lr;
	s5 =	simm.s32 $0xFFFFFFFF;
	p2 =	slt.u32 s8, $0xFFFFF086  }
0x1c: {  	p1 =	slt.u32 s9, $0xF7A;
	s5 =	simm.s32 @!p2 $0x0  }
0x1d: {  	s5 =	simm.s32 @p1 $0x1;
	p0 =	seq.s32 s7, s2  }
0x1e: {  	s7 =	smul.u32 @!p0 $0xF7A, s2;
	p2 =	seq.s32 @!p0 s5, $0x0  }
0x1f: {  	s9 =	smul.u32 $0xF7A, s1;
	s8 =	simm.s32 @!p0 $0x1BF5;
	p2 =	por !p2, p0  }
0x20: {  	[sflag:s8] =	ssyncset.s32 @!p0 $0xFFFFF086;
	s6 =	sadd.s32 @!p0 s3, s7;
	s7 =	simm.s32 @!p0 $0x108  }
0x21: {  	s3 =	sadd.s32 s3, s9;
	s6 =	sadd.s32 @!p0 $0x88, s6;
	s7 =	simm.s32 @p2 $0x1082  }
0x22: {  	[simem:s7], [sflag:s8] =	dma.local @!p0 [hbm:s6], $0xF7A  }
0x23: {  	s9 =	sor.u32 $0xD0000000, s2;
	s6 =	simm.s32 $0x108;
	_ =	swait.ge @!p0 [sflag:s8], $0x0  }
0x24: {  	s3 =	sadd.s32 $0x88, s3;
	s6 =	simm.s32 @!p1 $0x1082;
	[sflag:s4] =	ssyncset.s32 $0xFFFFF086  }
0x25: {  	[simem:s6], [sflag:s4] =	dma.local [hbm:s3], $0xF7A  }
0x26: {  	[smem:$0x3F9F] =	sst s1;
	(tag) =	ssettag s2;
	_ =	strace s9  }
0x27: {  	s1 =	sld [smem:$0x3FAF]  }
0x28: {  	s2 =	sld [smem:$0x3FB0]  }
0x29: {  	s4 =	sld [smem:$0x3FB2]  }
0x2a: {  	p0 =	seq.s32 s5, $0x0;
	s5 =	sld [smem:$0x3FB3]  }
0x2b: {  	s6 =	sld [smem:$0x3FB4]  }
0x2c: {  	s7 =	sld [smem:$0x3FB5]  }
0x2d: {  	s3 =	simm.s32 $0x108;
	s8 =	sld [smem:$0x3FB6]  }
0x2e: {  	s3 =	simm.s32 @!p0 $0x1082;
	s9 =	sld [smem:$0x3FB7]  }
0x2f: {  	lr =	sadd.s32 s0, s3;
	s0 =	sld [smem:$0x3FAE]  }
0x30: {  	s3 =	sld [smem:$0x3FB1]  }
0x31: {  	[smem:$0x3FBA] =	sst s10  }
0x32: {  	s10 =	sld [smem:$0x3FB8];
	_ =	sdelay $0x3  }
0x33: {  	p0 =	seq.s32 s10, $0x1;
	s10 =	sld [smem:$0x3FBA];
	_ =	sdelay $0x3  }
0x34: {  	[smem:$0x3FBA] =	sst s10  }
0x35: {  	s10 =	sld [smem:$0x3FB9];
	_ =	sdelay $0x3  }
0x36: {  	p1 =	seq.s32 s10, $0x1;
	s10 =	sld [smem:$0x3FBA];
	_ =	sdelay $0x3  }
0x37: {  	[smem:$0x3FBA] =	sst s10  }
0x38: {  	s10 =	sld [smem:$0x3FBB]  }
0x39: {  	_ = 	snop;
	(pc) =	sbr.ind lr, $3  }
0x3a: {  	_ = 	snop  }
0x3b: {  	_ = 	snop  }
0x3c: {  	p2 =	seq.s32 s10, $0x1;
	s10 =	sld [smem:$0x3FBA]  }
0x3d: {  	_ =	shalt  }
0x3e: {  	_ =	shalt  }
0x3f: {  	_ =	shalt  }
0x40: {  	_ =	shalt  }
0x41: {  	_ =	shalt  }
0x42: {  	_ =	shalt  }
0x43: {  	_ =	shalt  }
0x44: {  	_ =	shalt  }
0x45: {  	_ =	shalt  }
0x46: {  	_ =	shalt  }
0x47: {  	_ =	shalt  }
0x48: {  	_ =	shalt  }
0x49: {  	_ =	shalt  }
0x4a: {  	_ =	shalt  }
0x4b: {  	_ =	shalt  }
0x4c: {  	_ =	shalt  }
0x4d: {  	_ =	shalt  }
0x4e: {  	_ =	shalt  }
0x4f: {  	_ =	shalt  }
0x50: {  	_ =	shalt  }
0x51: {  	_ =	shalt  }
0x52: {  	_ =	shalt  }
0x53: {  	_ =	shalt  }
0x54: {  	_ =	shalt  }
0x55: {  	_ =	shalt  }
0x56: {  	_ =	shalt  }
0x57: {  	_ =	shalt  }
0x58: {  	_ =	shalt  }
0x59: {  	_ =	shalt  }
0x5a: {  	_ =	shalt  }
0x5b: {  	_ =	shalt  }
0x5c: {  	_ =	shalt  }
0x5d: {  	_ =	shalt  }
0x5e: {  	_ =	shalt  }
0x5f: {  	_ =	shalt  }
0x60: {  	_ =	shalt  }
0x61: {  	_ =	shalt  }
0x62: {  	_ =	shalt  }
0x63: {  	_ =	shalt  }
0x64: {  	_ =	shalt  }
0x65: {  	_ =	shalt  }
0x66: {  	_ =	shalt  }
0x67: {  	_ =	shalt  }
0x68: {  	_ =	shalt  }
0x69: {  	_ =	shalt  }
0x6a: {  	_ =	shalt  }
0x6b: {  	_ =	shalt  }
0x6c: {  	_ =	shalt  }
0x6d: {  	_ =	shalt  }
0x6e: {  	_ =	shalt  }
0x6f: {  	_ =	shalt  }
0x70: {  	_ =	shalt  }
0x71: {  	_ =	shalt  }
0x72: {  	_ =	shalt  }
0x73: {  	_ =	shalt  }
0x74: {  	_ =	shalt  }
0x75: {  	_ =	shalt  }
0x76: {  	_ =	shalt  }
0x77: {  	_ =	shalt  }
0x78: {  	_ =	shalt  }
0x79: {  	_ =	shalt  }
0x7a: {  	_ =	shalt  }
0x7b: {  	_ =	shalt  }
0x7c: {  	_ =	shalt  }
0x7d: {  	_ =	shalt  }
0x7e: {  	_ =	shalt  }
0x7f: {  	_ =	shalt  }
0x80: {  	_ =	shalt  }
0x81: {  	_ =	shalt  }
0x82: {  	_ =	shalt  }
0x83: {  	_ =	shalt  }
0x84: {  	_ =	shalt  }
0x85: {  	_ =	shalt  }
0x86: {  	_ =	shalt  }
0x87: {  	_ =	shalt  }
.Lfunc_end0:
.L_simem_size_0:
called_computation_lowered:
.L_overlay_start_0:
0x88: {  	s2 =	sld [smem:$0x3FD9]  }
0x89: {  	s3 =	sld [smem:$0x3FFE];
	_ =	sdelay $0x1  }
0x8a: {  	s1 =	srdreg.scid  }
0x8b: {  	s0 =	sand.u32 $0x1, s1  }
0x8c: {  	s17 =	sshll.u32 s0, $0xA;
	s2 =	sadd.s32 s3, s2  }
0x8d: {  	s2 =	sadd.s32 s2, s17  }
0x8e: {  	[smem:$0x3FC6] =	sst s2  }
0x8f: {  	_ = 	snop  }
0x90: {  	s2 =	sld [smem:$0x3FC8]  }
0x91: {  	s18 =	sld [smem:$0x3FD0];
	(tm) =	ssettm $0x1  }
0x92: {  	s4 =	sld [smem:$0x3FFB];
	_ =	sdelay $0x3  }
0x93: {  	_ =	strace s4  }
0x94: {  	s4 =	sld [smem:$0x3FFC];
	_ =	sdelay $0x3  }
0x95: {  	_ =	strace s4  }
0x96: {  	s4 =	sld [smem:$0x3FFD];
	_ =	sdelay $0x3  }
0x97: {  	_ =	strace s4  }
0x98: {  	_ =	strace $0x8FFFFFFF  }
0x99: {  	s19 =	sld [smem:$0x3FDB];
	_ =	sdelay $0x1  }
0x9a: {  	s5 =	simm.s32 $_scs_section_size  }
0x9b: {  	s6 =	simm.s32 $_size__tile_overlayer_lowered;
	s7 =	simm.s32 $_tile_overlayer_lowered  }
0x9c: {  	s22 =	simm.s32 $0x1BFF;
	s21 =	sshll.u32 s7, $0x1;
	s4 =	sadd.s32 s5, s19  }
0x9d: {  	s8 =	simm.s32 $0x0;
	s20 =	sshll.u32 s6, $0x1;
	s6 =	sadd.s32 s21, s4  }
0x9e: {  	[timem:s8], [sflag:s22] =	dma.local [hbm:s6], s20  }
0x9f: {  	_ =	swait.ge [sflag:s22], s20  }
0xa0: {  	s5 =	ssub.s32 $0x0, s20;
	[sflag:s22] =	ssyncset.done $0x0  }
0xa1: {  	[sflag:s22] =	ssyncadd.s32 s5;
	_ =	sdelay $0x1  }
0xa2: {  	s23 =	simm.s32 $0x1B8B  }
0xa3: {  	_ =	swait.ge [sflag:s23], $0x1  }
0xa4: {  	[sflag:s23] =	ssyncset.done $0x0  }
0xa5: {  	s25 =	simm.s32 $0x1B8E;
	s24 =	sld [smem:$0x3FFE];
	[sflag:s23] =	ssyncadd.s32 $0xFFFFFFFF  }
0xa6: {  	s26 =	simm.s32 $execute0_lowered;
	[smem:$0x3FD2] =	sst s25  }
0xa7: {  	s6 =	sshll.u32 s26, $0x1;
	_ =	strace $0x80000046;
	[dreg:$0x1] =	wrdreg $0xFFFFFFFF  }
0xa8: {  	s28 =	simm.s32 $_size_execute0_lowered;
	s4 =	sadd.s32 s4, s6;
	[dreg:$0x0] =	wrdreg $0x0  }
0xa9: {  	s6 =	sshll.u32 s28, $0x1;
	[dreg:$0x2] =	wrdreg s4  }
0xaa: {  	[dreg:$0x3] =	wrdreg s6  }
0xab: {  	[dreg:$0x4] =	wrdreg $0xC0  }
0xac: {  	_ =	task [dreg:s8], $0x5FFFF  }
0xad: {  	[dreg:$0x1] =	wrdreg $0xFFFFFFFF  }
0xae: {  	[dreg:$0x0] =	wrdreg $0x60  }
0xaf: {  	[dreg:$0x2] =	wrdreg s2  }
0xb0: {  	[dreg:$0x3] =	wrdreg s24  }
0xb1: {  	[dreg:$0x4] =	wrdreg s18  }
0xb2: {  	[dreg:$0x5] =	wrdreg $0x9  }
0xb3: {  	_ =	task.clear_ibuf [dreg:s8], $0x6FFFF;
	_ =	strace $0x90000046  }
0xb4: {  	s29 =	simm.s32 $0x9;
	_ =	strace $0x80000048  }
0xb5: {  	_ =	swait.ge [sflag:s29], $0x1  }
0xb6: {  	[sflag:s29] =	ssyncadd.s32 $0xFFFFFFFF  }
0xb7: {  	_ =	strace $0x90000048  }
0xb8: {  	_ =	sfence  }
0xb9: {  	s30 =	sld [smem:$0x0];
	_ =	sdelay $0x2  }
0xba: {  	s31 =	sshll.u32 s1, $0xD;
	s1 =	sshrl.u32 s1, $0x2  }
0xbb: {  	s3 =	sand.u32 $0x4000, s31;
	s1 =	sadd.s32 s1, s30  }
0xbc: {  	s0 =	sor.u32 s3, s0;
	s1 =	sshll.u32 s1, $0x11  }
0xbd: {  	s0 =	sor.u32 s1, s0  }
0xbe: {  	s0 =	sadd.s32 $0x8F2B, s0  }
0xbf: {  	[sflag:s0] =	ssyncadd.remote.s32 $0x1  }
0xc0: {  	_ =	sfence.sel $0xFFFF  }
0xc1: {  	[dreg:$0x0] =	wrdreg $0xFFFFFFFF;
	(pc) =	sbr.abs _section_cstart, $3  }
0xc2: {  	[dreg:$0x1] =	wrdreg $0xFFFFFFFF  }
0xc3: {  	_ =	task.clear_ibuf [dreg:s8], $0x2FFFF;
	_ =	strace $0x9FFFFFFF  }
0xc4: {  	(tm) =	ssettm $0x7FFFFFFF  }
0xc5: {  	_ =	shalt  }
tec
execute0_lowered:
.L_overlay_start_1:
0x0: {  	(tag) =	ssettag $0x1  }
0x1: {  	s1 =	rddreg [dreg:$0x0]  }
0x2: {  	s0 =	rddreg [dreg:$0x1];
	s2 =	srdreg.scid  }
0x3: {  	s4 =	stileid.u32;
	s3 =	rddreg [dreg:$0x2];
	s12 =	simm.s32 $0x40  }
0x4: {  	s19 =	simm.s32 $0x12800;
	s20 =	simm.s32 $0x1;
	s21 =	simm.s32 $0x14800  }
0x5: {  	s22 =	simm.s32 $0x2;
	s23 =	simm.s32 $0x16800;
	s24 =	simm.s32 $0x3  }
0x6: {  	s25 =	simm.s32 $0x18800;
	s28 =	simm.s32 $0x1A800;
	s29 =	simm.s32 $0x5  }
0x7: {  	s30 =	simm.s32 $0x6;
	s2 =	sand.u32 $0x1, s2;
	s4 =	sshll.u32 s4, $0x1  }
0x8: {  	s31 =	simm.s32 $0x7;
	s18 =	simm.s32 $0xC;
	s5 =	sor.u32 s2, s4  }
0x9: {  	s10 =	simm.s32 $0x0;
	s4 =	simm.s32 $0x0;
	s6 =	smul.u32 $0x1900, s5  }
0xa: {  	s2 =	ssub.s32 $0x2, s2;
	[smem:$0x7FF] =	sst s4;
	s9 =	smul.u32 $0x6400, s5  }
.Ltmp0:
0xb: {  	s7 =	sshrl.u32 s2, $0x1;
	_ =	strace $0x80000047;
	(pc) =	sbr.rel .LBB2_1-.Ltmp0, $4  }
0xc: {  	s2 =	ssub.s32 s2, s7;
	s0 =	sadd.s32 s6, s0;
	s6 =	smul.u32 $0x320000, s5  }
0xd: {  	s7 =	sor.u32 $0x40, s9;
	s8 =	sor.u32 $0x80, s9;
	s26 =	smax.u32 s2, $0x1  }
0xe: {  	s9 =	sor.u32 $0xC0, s9;
	s0 =	sadd.s32 $0x400, s0;
	[dreg:$0x5] =	wrdreg s26  }
0xf: {  	s2 =	simm.s32 $0x8;
	s26 =	simm.s32 $0x4;
	[dreg:$0x4] =	wrdreg s0  }
.LBB2_20:
0x10: {  	s0 =	simm.s32 $0x9  }
0x11: {  	_ =	swait.ge [sflag:s0], $0x2000  }
0x12: {  	[sflag:s0] =	ssyncset.done $0x0  }
0x13: {  	s11 =	simm.s32 $0xA;
	[sflag:s0] =	ssyncadd.s32 $0xFFFFE000  }
0x14: {  	_ =	swait.ge [sflag:s11], $0x2000  }
0x15: {  	[sflag:s11] =	ssyncset.done $0x0  }
0x16: {  	s13 =	simm.s32 $0xB;
	[sflag:s11] =	ssyncadd.s32 $0xFFFFE000  }
0x17: {  	_ =	swait.ge [sflag:s13], $0x2000  }
0x18: {  	[sflag:s13] =	ssyncset.done $0x0  }
0x19: {  	[sflag:s13] =	ssyncadd.s32 $0xFFFFE000  }
0x1a: {  	_ =	swait.ge [sflag:s18], $0x2000  }
0x1b: {  	[sflag:s18] =	ssyncset.done $0x0  }
0x1c: {  	s14 =	simm.s32 $0xD;
	[sflag:s18] =	ssyncadd.s32 $0xFFFFE000  }
0x1d: {  	_ =	swait.ge [sflag:s14], $0x2000  }
0x1e: {  	[sflag:s14] =	ssyncset.done $0x0  }
0x1f: {  	s15 =	simm.s32 $0xE;
	[sflag:s14] =	ssyncadd.s32 $0xFFFFE000  }
0x20: {  	_ =	swait.ge [sflag:s15], $0x2000  }
0x21: {  	[sflag:s15] =	ssyncset.done $0x0  }
0x22: {  	s16 =	simm.s32 $0xF;
	[sflag:s15] =	ssyncadd.s32 $0xFFFFE000  }
0x23: {  	_ =	swait.ge [sflag:s16], $0x2000  }
0x24: {  	[sflag:s16] =	ssyncset.done $0x0  }
0x25: {  	s5 =	simm.s32 $0x10;
	[sflag:s16] =	ssyncadd.s32 $0xFFFFE000  }
0x26: {  	_ =	swait.ge [sflag:s5], $0x2000  }
0x27: {  	s10 =	rddreg [dreg:$0x6]  }
0x28: {  	s17 =	rddreg [dreg:$0x5];
	s10 =	sadd.s32 $0x1, s10  }
0x29: {  	p0 =	sne.s32 s10, s17  }
.Ltmp1:
0x2a: {  	_ = 	snop;
	(pc) =	sbr.rel @!p0 .LBB2_21-.Ltmp1, $3  }
0x2b: {  	_ =	sdelay $0x1  }
0x2c: {  	[sflag:s5] =	ssyncset.done $0x0  }
0x2d: {  	[sflag:s5] =	ssyncadd.s32 $0xFFFFE000  }
.LBB2_1:
0x2e: {  	[dreg:$0x6] =	wrdreg s10  }
0x2f: {  	s0 =	rddreg [dreg:$0x4];
	s11 =	simm.s32 $0x11  }
0x30: {  	[tilespmem:s4], [sflag:$0x11] =	stream.linear.gather [hbm4b:s0+s4], $0xC800, $0x38;
	[tilespmem:$0x1C800] =	vst v63  }
0x31: {  	_ =	swait.ge [sflag:s11], $0xC800  }
0x32: {  	[sflag:s11] =	ssyncset.done $0x0  }
0x33: {  	s13 =	simm.s32 $0xC800;
	[sflag:s11] =	ssyncadd.s32 $0xFFFF3800  }
0x34: {  	[tilespmem:s13], [sflag:$0x1] =	stream.indirect.gather [hbm4b:s1+s12], $0x80, s4, s12, $0xb8;
	[tilespmem:$0x1C800] =	vst v63  }
0x35: {  	s14 =	simm.s32 $0x80;
	s5 =	simm.s32 $0xE800  }
0x36: {  	[tilespmem:s5], [sflag:$0x2] =	stream.indirect.gather [hbm4b:s1+s12], $0x80, s14, s12, $0xb8;
	[tilespmem:$0x1C800] =	vst v63  }
0x37: {  	s15 =	simm.s32 $0x100;
	s16 =	simm.s32 $0x10800  }
0x38: {  	[tilespmem:s16], [sflag:$0x3] =	stream.indirect.gather [hbm4b:s1+s12], $0x80, s15, s12, $0xb8;
	[tilespmem:$0x1C800] =	vst v63  }
0x39: {  	s17 =	simm.s32 $0x180;
	s16 =	simm.s32 $0x0  }
0x3a: {  	[tilespmem:s19], [sflag:$0x4] =	stream.indirect.gather [hbm4b:s1+s12], $0x80, s17, s12, $0xb8;
	[tilespmem:$0x1C800] =	vst v63  }
.LBB2_2:
0x3b: {  	_ =	swait.ge [sflag:s20], $0x2000  }
0x3c: {  	[sflag:s20] =	ssyncset.done $0x0  }
0x3d: {  	s0 =	simm.s32 $0xC900;
	[sflag:s20] =	ssyncadd.s32 $0xFFFFE000  }
0x3e: {  	v0 =	vld [tilespmem:s0+$0xF0]  }
0x3f: {  	v1 =	vld [tilespmem:s0+$0xFFFFFF10]  }
0x40: {  	v2 =	vld [tilespmem:s0+$0xFFFFFF20]  }
0x41: {  	v3 =	vld [tilespmem:s0+$0xFFFFFF30]  }
0x42: {  	v6 =	vld [tilespmem:s0+$0xFFFFFF60]  }
0x43: {  	v4 =	vld [tilespmem:s0+$0xFFFFFF40]  }
0x44: {  	v5 =	vld [tilespmem:s0+$0xFFFFFF50];
	v0 =	vmul.f32 $1.131370830e+01, v0  }
0x45: {  	v8 =	vld [tilespmem:s0+$0xFFFFFF80];
	v1 =	vmul.f32 $1.131370830e+01, v1  }
0x46: {  	v7 =	vld [tilespmem:s0+$0xFFFFFF70];
	v2 =	vmul.f32 $1.131370830e+01, v2;
	[tilespmem:s0+$0xF0] =	vst v0  }
0x47: {  	v6 =	vmul.f32 $1.131370830e+01, v6;
	v0 =	vld [tilespmem:s0+$0xFFFFFF90];
	[tilespmem:s0+$0xFFFFFF10] =	vst v1  }
0x48: {  	v1 =	vmul.f32 $1.131370830e+01, v3;
	v3 =	vld [tilespmem:s0+$0xFFFFFFA0];
	[tilespmem:s0+$0xFFFFFF20] =	vst v2;
	v2 =	vmul.f32 $1.131370830e+01, v4  }
0x49: {  	[tilespmem:s0+$0xFFFFFF60] =	vst v6;
	v6 =	vld [tilespmem:s0+$0xFFFFFFF0]  }
0x4a: {  	v4 =	vld [tilespmem:s0+$0xFFFFFFB0];
	[tilespmem:s0+$0xFFFFFF40] =	vst v2;
	v2 =	vmul.f32 $1.131370830e+01, v8  }
0x4b: {  	[tilespmem:s0+$0xFFFFFF30] =	vst v1;
	v1 =	vmul.f32 $1.131370830e+01, v5;
	v5 =	vld [tilespmem:s0+$0xFFFFFFC0]  }
0x4c: {  	v8 =	vld [tilespmem:s0+$0xFFFFFFD0];
	[tilespmem:s0+$0xFFFFFF80] =	vst v2;
	v2 =	vmul.f32 $1.131370830e+01, v7  }
0x4d: {  	[tilespmem:s0+$0xFFFFFF50] =	vst v1;
	v1 =	vld [tilespmem:s0+$0xFFFFFFE0];
	v0 =	vmul.f32 $1.131370830e+01, v0  }
0x4e: {  	v7 =	vld [tilespmem:s0+$0x30];
	v6 =	vmul.f32 $1.131370830e+01, v6;
	[tilespmem:s0+$0xFFFFFF70] =	vst v2  }
0x4f: {  	v2 =	vmul.f32 $1.131370830e+01, v3;
	v3 =	vld [tilespmem:s0+$0x0];
	[tilespmem:s0+$0xFFFFFF90] =	vst v0  }
0x50: {  	v0 =	vmul.f32 $1.131370830e+01, v4;
	v4 =	vld [tilespmem:s0+$0x10];
	[tilespmem:s0+$0xFFFFFFF0] =	vst v6  }
0x51: {  	[tilespmem:s0+$0xFFFFFFA0] =	vst v2;
	v2 =	vmul.f32 $1.131370830e+01, v5;
	v5 =	vld [tilespmem:s0+$0x20]  }
0x52: {  	v6 =	vld [tilespmem:s0+$0x80];
	[tilespmem:s0+$0xFFFFFFB0] =	vst v0;
	v0 =	vmul.f32 $1.131370830e+01, v8  }
0x53: {  	v1 =	vmul.f32 $1.131370830e+01, v1;
	[tilespmem:s0+$0xFFFFFFC0] =	vst v2;
	v2 =	vld [tilespmem:s0+$0x40]  }
0x54: {  	[tilespmem:s0+$0xFFFFFFD0] =	vst v0;
	v0 =	vmul.f32 $1.131370830e+01, v3  }
0x55: {  	v3 =	vld [tilespmem:s0+$0x50];
	[tilespmem:s0+$0xFFFFFFE0] =	vst v1;
	v4 =	vmul.f32 $1.131370830e+01, v4  }
0x56: {  	v1 =	vld [tilespmem:s0+$0x60];
	[tilespmem:s0+$0x0] =	vst v0;
	v0 =	vmul.f32 $1.131370830e+01, v5  }
0x57: {  	v6 =	vmul.f32 $1.131370830e+01, v6;
	v5 =	vld [tilespmem:s0+$0x70];
	[tilespmem:s0+$0x10] =	vst v4  }
0x58: {  	v4 =	vmul.f32 $1.131370830e+01, v7;
	v7 =	vld [tilespmem:s0+$0x90];
	[tilespmem:s0+$0x20] =	vst v0;
	v0 =	vmul.f32 $1.131370830e+01, v2  }
0x59: {  	v8 =	vld [tilespmem:s0+$0xA0];
	[tilespmem:s0+$0x80] =	vst v6  }
0x5a: {  	v2 =	vmul.f32 $1.131370830e+01, v3;
	[tilespmem:s0+$0x40] =	vst v0;
	v0 =	vld [tilespmem:s0+$0xB0]  }
0x5b: {  	[tilespmem:s0+$0x30] =	vst v4;
	v3 =	vmul.f32 $1.131370830e+01, v1;
	v1 =	vld [tilespmem:s0+$0xC0]  }
0x5c: {  	[tilespmem:s0+$0x50] =	vst v2;
	v4 =	vmul.f32 $1.131370830e+01, v5;
	v2 =	vld [tilespmem:s0+$0xD0]  }
0x5d: {  	[tilespmem:s0+$0x60] =	vst v3;
	v3 =	vld [tilespmem:s0+$0xE0];
	v5 =	vmul.f32 $1.131370830e+01, v7  }
0x5e: {  	s5 =	simm.s32 $0x0;
	s10 =	simm.s32 $0xCB00;
	v6 =	vmul.f32 $1.131370830e+01, v8;
	[tilespmem:s0+$0x70] =	vst v4;
	v4 =	vld [tilespmem:s0+$0xFFFFFF00]  }
.LBB2_3:
0x5f: {  	v7 =	vld [tilespmem:s10+$0xF0];
	s5 =	sadd.s32 $0x4, s5;
	[tilespmem:s0+$0x90] =	vst v5;
	v0 =	vmul.f32 $1.131370830e+01, v0  }
0x60: {  	v5 =	vld [tilespmem:s10+$0xFFFFFF10];
	p0 =	slt.u32 s5, $0x3C;
	[tilespmem:s0+$0xA0] =	vst v6;
	v1 =	vmul.f32 $1.131370830e+01, v1  }
0x61: {  	v6 =	vld [tilespmem:s10+$0xFFFFFF20];
	[tilespmem:s0+$0xB0] =	vst v0;
	v0 =	vmul.f32 $1.131370830e+01, v2  }
0x62: {  	v2 =	vld [tilespmem:s10+$0xFFFFFF30];
	[tilespmem:s0+$0xC0] =	vst v1;
	v1 =	vmul.f32 $1.131370830e+01, v3  }
0x63: {  	v3 =	vld [tilespmem:s10+$0xFFFFFF40];
	v4 =	vmul.f32 $1.131370830e+01, v4;
	[tilespmem:s0+$0xD0] =	vst v0  }
0x64: {  	v0 =	vld [tilespmem:s10+$0xFFFFFF50];
	v7 =	vmul.f32 $1.131370830e+01, v7;
	[tilespmem:s0+$0xE0] =	vst v1  }
0x65: {  	v1 =	vmul.f32 $1.131370830e+01, v5;
	v5 =	vld [tilespmem:s10+$0xFFFFFF60];
	[tilespmem:s0+$0xFFFFFF00] =	vst v4;
	s0 =	smov.u32 s10  }
0x66: {  	v4 =	vmul.f32 $1.131370830e+01, v6;
	v6 =	vld [tilespmem:s10+$0xFFFFFF70];
	[tilespmem:s10+$0xF0] =	vst v7  }
0x67: {  	[tilespmem:s10+$0xFFFFFF10] =	vst v1;
	v1 =	vmul.f32 $1.131370830e+01, v2;
	v2 =	vld [tilespmem:s10+$0xFFFFFF80]  }
0x68: {  	[tilespmem:s10+$0xFFFFFF20] =	vst v4;
	v3 =	vmul.f32 $1.131370830e+01, v3;
	v4 =	vld [tilespmem:s10+$0xFFFFFF90]  }
0x69: {  	[tilespmem:s10+$0xFFFFFF30] =	vst v1;
	v0 =	vmul.f32 $1.131370830e+01, v0;
	v1 =	vld [tilespmem:s10+$0xFFFFFFA0]  }
0x6a: {  	[tilespmem:s10+$0xFFFFFF40] =	vst v3;
	v3 =	vmul.f32 $1.131370830e+01, v5;
	v5 =	vld [tilespmem:s10+$0xFFFFFFB0]  }
0x6b: {  	[tilespmem:s10+$0xFFFFFF50] =	vst v0;
	v0 =	vmul.f32 $1.131370830e+01, v6;
	v6 =	vld [tilespmem:s10+$0xFFFFFFC0]  }
0x6c: {  	[tilespmem:s10+$0xFFFFFF60] =	vst v3;
	v2 =	vmul.f32 $1.131370830e+01, v2;
	v3 =	vld [tilespmem:s10+$0xFFFFFFD0]  }
0x6d: {  	[tilespmem:s10+$0xFFFFFF70] =	vst v0;
	v0 =	vmul.f32 $1.131370830e+01, v4;
	v4 =	vld [tilespmem:s10+$0xFFFFFFE0]  }
0x6e: {  	[tilespmem:s10+$0xFFFFFF80] =	vst v2;
	v1 =	vmul.f32 $1.131370830e+01, v1;
	v2 =	vld [tilespmem:s10+$0xFFFFFFF0]  }
0x6f: {  	[tilespmem:s10+$0xFFFFFF90] =	vst v0;
	v0 =	vmul.f32 $1.131370830e+01, v5;
	v5 =	vld [tilespmem:s10+$0x0]  }
0x70: {  	[tilespmem:s10+$0xFFFFFFA0] =	vst v1;
	v1 =	vmul.f32 $1.131370830e+01, v6;
	v6 =	vld [tilespmem:s10+$0x10]  }
0x71: {  	[tilespmem:s10+$0xFFFFFFB0] =	vst v0;
	v0 =	vmul.f32 $1.131370830e+01, v3;
	v3 =	vld [tilespmem:s10+$0x20]  }
0x72: {  	[tilespmem:s10+$0xFFFFFFC0] =	vst v1;
	v1 =	vmul.f32 $1.131370830e+01, v4;
	v4 =	vld [tilespmem:s10+$0x30]  }
0x73: {  	[tilespmem:s10+$0xFFFFFFD0] =	vst v0;
	v0 =	vmul.f32 $1.131370830e+01, v2;
	v2 =	vld [tilespmem:s10+$0x40]  }
0x74: {  	[tilespmem:s10+$0xFFFFFFE0] =	vst v1;
	v1 =	vmul.f32 $1.131370830e+01, v5;
	v5 =	vld [tilespmem:s10+$0x50]  }
0x75: {  	[tilespmem:s10+$0xFFFFFFF0] =	vst v0;
	v0 =	vmul.f32 $1.131370830e+01, v6;
	v6 =	vld [tilespmem:s10+$0x60]  }
0x76: {  	[tilespmem:s10+$0x0] =	vst v1;
	v1 =	vmul.f32 $1.131370830e+01, v3;
	v3 =	vld [tilespmem:s10+$0x70]  }
0x77: {  	[tilespmem:s10+$0x10] =	vst v0;
	v0 =	vmul.f32 $1.131370830e+01, v4;
	v4 =	vld [tilespmem:s10+$0x80]  }
0x78: {  	[tilespmem:s10+$0x20] =	vst v1;
	v1 =	vmul.f32 $1.131370830e+01, v2;
	v7 =	vld [tilespmem:s10+$0x90]  }
0x79: {  	[tilespmem:s10+$0x30] =	vst v0;
	v2 =	vmul.f32 $1.131370830e+01, v5;
	v8 =	vld [tilespmem:s10+$0xA0]  }
.Ltmp2:
0x7a: {  	[tilespmem:s10+$0x40] =	vst v1;
	v5 =	vmul.f32 $1.131370830e+01, v6;
	v0 =	vld [tilespmem:s10+$0xB0];
	(pc) =	sbr.rel @p0 .LBB2_3-.Ltmp2, $4  }
0x7b: {  	[tilespmem:s10+$0x50] =	vst v2;
	v3 =	vmul.f32 $1.131370830e+01, v3;
	v1 =	vld [tilespmem:s10+$0xC0]  }
0x7c: {  	[tilespmem:s10+$0x60] =	vst v5;
	v6 =	vmul.f32 $1.131370830e+01, v4;
	v2 =	vld [tilespmem:s10+$0xD0]  }
0x7d: {  	[tilespmem:s10+$0x70] =	vst v3;
	v5 =	vmul.f32 $1.131370830e+01, v7;
	v3 =	vld [tilespmem:s10+$0xE0]  }
0x7e: {  	s10 =	sadd.s32 $0x200, s10;
	v4 =	vld [tilespmem:s0+$0xFFFFFF00];
	[tilespmem:s0+$0x80] =	vst v6;
	v6 =	vmul.f32 $1.131370830e+01, v8  }
0x7f: {  	[tilespmem:s0+$0x90] =	vst v5;
	v0 =	vmul.f32 $1.131370830e+01, v0  }
0x80: {  	[tilespmem:s0+$0xA0] =	vst v6;
	v1 =	vmul.f32 $1.131370830e+01, v1  }
0x81: {  	[tilespmem:s0+$0xB0] =	vst v0;
	v0 =	vmul.f32 $1.131370830e+01, v2  }
0x82: {  	s5 =	sshll.u32 s16, $0x10;
	[tilespmem:s0+$0xC0] =	vst v1;
	v1 =	vmul.f32 $1.131370830e+01, v3  }
0x83: {  	s5 =	sadd.s32 s6, s5;
	v2 =	vmul.f32 $1.131370830e+01, v4;
	[tilespmem:s0+$0xD0] =	vst v0  }
0x84: {  	s15 =	simm.s32 $0xC800;
	p0 =	seq.s32 s16, $0x0;
	s5 =	sshrl.u32 s5, $0x3;
	[tilespmem:s0+$0xE0] =	vst v1  }
0x85: {  	s10 =	simm.s32 @!p0 $0xD;
	s14 =	sadd.s32 s3, s5;
	s5 =	sshll.u32 s16, $0x3;
	[tilespmem:s0+$0xFFFFFF00] =	vst v2  }
0x86: {  	[hbm4b:s14+s4] =	stream.linear.scatter [tilespmem:s15], [sflag:$0x9], $0x2000, $0x38;
	[tilespmem:$0x1C800] =	vst v63  }
0x87: {  	s0 =	sor.u32 $0x4, s5;
	_ =	swait.ge @!p0 [sflag:s10], $0x2000  }
0x88: {  	s11 =	sshll.u32 s0, $0x7;
	[sflag:s10] =	ssyncset.done @!p0 $0x0  }
0x89: {  	s17 =	sand.u32 $0x3FFFFF80, s11;
	[sflag:s10] =	ssyncadd.s32 @!p0 $0xFFFFE000  }
0x8a: {  	[tilespmem:s21], [sflag:$0x5] =	stream.indirect.gather [hbm4b:s1+s12], $0x80, s17, s12, $0xb8;
	[tilespmem:$0x1C800] =	vst v63  }
0x8b: {  	_ =	swait.ge [sflag:s22], $0x2000  }
0x8c: {  	[sflag:s22] =	ssyncset.done $0x0  }
0x8d: {  	s10 =	simm.s32 $0xE900;
	[sflag:s22] =	ssyncadd.s32 $0xFFFFE000  }
0x8e: {  	v0 =	vld [tilespmem:s10+$0xF0]  }
0x8f: {  	v1 =	vld [tilespmem:s10+$0xFFFFFF10]  }
0x90: {  	v2 =	vld [tilespmem:s10+$0xFFFFFF20]  }
0x91: {  	v3 =	vld [tilespmem:s10+$0xFFFFFF30]  }
0x92: {  	v6 =	vld [tilespmem:s10+$0xFFFFFF60]  }
0x93: {  	v4 =	vld [tilespmem:s10+$0xFFFFFF40]  }
0x94: {  	v5 =	vld [tilespmem:s10+$0xFFFFFF50];
	v0 =	vmul.f32 $1.131370830e+01, v0  }
0x95: {  	v8 =	vld [tilespmem:s10+$0xFFFFFF80];
	v1 =	vmul.f32 $1.131370830e+01, v1  }
0x96: {  	v7 =	vld [tilespmem:s10+$0xFFFFFF70];
	v2 =	vmul.f32 $1.131370830e+01, v2;
	[tilespmem:s10+$0xF0] =	vst v0  }
0x97: {  	v6 =	vmul.f32 $1.131370830e+01, v6;
	v0 =	vld [tilespmem:s10+$0xFFFFFF90];
	[tilespmem:s10+$0xFFFFFF10] =	vst v1  }
0x98: {  	v1 =	vmul.f32 $1.131370830e+01, v3;
	v3 =	vld [tilespmem:s10+$0xFFFFFFA0];
	[tilespmem:s10+$0xFFFFFF20] =	vst v2;
	v2 =	vmul.f32 $1.131370830e+01, v4  }
0x99: {  	[tilespmem:s10+$0xFFFFFF60] =	vst v6;
	v6 =	vld [tilespmem:s10+$0xFFFFFFF0]  }
0x9a: {  	v4 =	vld [tilespmem:s10+$0xFFFFFFB0];
	[tilespmem:s10+$0xFFFFFF40] =	vst v2;
	v2 =	vmul.f32 $1.131370830e+01, v8  }
0x9b: {  	[tilespmem:s10+$0xFFFFFF30] =	vst v1;
	v1 =	vmul.f32 $1.131370830e+01, v5;
	v5 =	vld [tilespmem:s10+$0xFFFFFFC0]  }
0x9c: {  	v8 =	vld [tilespmem:s10+$0xFFFFFFD0];
	[tilespmem:s10+$0xFFFFFF80] =	vst v2;
	v2 =	vmul.f32 $1.131370830e+01, v7  }
0x9d: {  	[tilespmem:s10+$0xFFFFFF50] =	vst v1;
	v1 =	vld [tilespmem:s10+$0xFFFFFFE0];
	v0 =	vmul.f32 $1.131370830e+01, v0  }
0x9e: {  	v7 =	vld [tilespmem:s10+$0x30];
	v6 =	vmul.f32 $1.131370830e+01, v6;
	[tilespmem:s10+$0xFFFFFF70] =	vst v2  }
0x9f: {  	v2 =	vmul.f32 $1.131370830e+01, v3;
	v3 =	vld [tilespmem:s10+$0x0];
	[tilespmem:s10+$0xFFFFFF90] =	vst v0  }
0xa0: {  	v0 =	vmul.f32 $1.131370830e+01, v4;
	v4 =	vld [tilespmem:s10+$0x10];
	[tilespmem:s10+$0xFFFFFFF0] =	vst v6  }
0xa1: {  	[tilespmem:s10+$0xFFFFFFA0] =	vst v2;
	v2 =	vmul.f32 $1.131370830e+01, v5;
	v5 =	vld [tilespmem:s10+$0x20]  }
0xa2: {  	v6 =	vld [tilespmem:s10+$0x80];
	[tilespmem:s10+$0xFFFFFFB0] =	vst v0;
	v0 =	vmul.f32 $1.131370830e+01, v8  }
0xa3: {  	v1 =	vmul.f32 $1.131370830e+01, v1;
	[tilespmem:s10+$0xFFFFFFC0] =	vst v2;
	v2 =	vld [tilespmem:s10+$0x40]  }
0xa4: {  	[tilespmem:s10+$0xFFFFFFD0] =	vst v0;
	v0 =	vmul.f32 $1.131370830e+01, v3  }
0xa5: {  	v3 =	vld [tilespmem:s10+$0x50];
	[tilespmem:s10+$0xFFFFFFE0] =	vst v1;
	v4 =	vmul.f32 $1.131370830e+01, v4  }
0xa6: {  	v1 =	vld [tilespmem:s10+$0x60];
	[tilespmem:s10+$0x0] =	vst v0;
	v0 =	vmul.f32 $1.131370830e+01, v5  }
0xa7: {  	v6 =	vmul.f32 $1.131370830e+01, v6;
	v5 =	vld [tilespmem:s10+$0x70];
	[tilespmem:s10+$0x10] =	vst v4  }
0xa8: {  	v4 =	vmul.f32 $1.131370830e+01, v7;
	v7 =	vld [tilespmem:s10+$0x90];
	[tilespmem:s10+$0x20] =	vst v0;
	v0 =	vmul.f32 $1.131370830e+01, v2  }
0xa9: {  	v8 =	vld [tilespmem:s10+$0xA0];
	[tilespmem:s10+$0x80] =	vst v6  }
0xaa: {  	v2 =	vmul.f32 $1.131370830e+01, v3;
	[tilespmem:s10+$0x40] =	vst v0;
	v0 =	vld [tilespmem:s10+$0xB0]  }
0xab: {  	[tilespmem:s10+$0x30] =	vst v4;
	v3 =	vmul.f32 $1.131370830e+01, v1;
	v1 =	vld [tilespmem:s10+$0xC0]  }
0xac: {  	[tilespmem:s10+$0x50] =	vst v2;
	v4 =	vmul.f32 $1.131370830e+01, v5;
	v2 =	vld [tilespmem:s10+$0xD0]  }
0xad: {  	[tilespmem:s10+$0x60] =	vst v3;
	v3 =	vld [tilespmem:s10+$0xE0];
	v5 =	vmul.f32 $1.131370830e+01, v7  }
0xae: {  	s13 =	simm.s32 $0xEB00;
	s11 =	simm.s32 $0x0;
	v6 =	vmul.f32 $1.131370830e+01, v8;
	[tilespmem:s10+$0x70] =	vst v4;
	v4 =	vld [tilespmem:s10+$0xFFFFFF00]  }
.LBB2_5:
0xaf: {  	v7 =	vld [tilespmem:s13+$0xF0];
	s11 =	sadd.s32 $0x4, s11;
	[tilespmem:s10+$0x90] =	vst v5;
	v0 =	vmul.f32 $1.131370830e+01, v0  }
0xb0: {  	v5 =	vld [tilespmem:s13+$0xFFFFFF10];
	p1 =	slt.u32 s11, $0x3C;
	[tilespmem:s10+$0xA0] =	vst v6;
	v1 =	vmul.f32 $1.131370830e+01, v1  }
0xb1: {  	v6 =	vld [tilespmem:s13+$0xFFFFFF20];
	[tilespmem:s10+$0xB0] =	vst v0;
	v0 =	vmul.f32 $1.131370830e+01, v2  }
0xb2: {  	v2 =	vld [tilespmem:s13+$0xFFFFFF30];
	[tilespmem:s10+$0xC0] =	vst v1;
	v1 =	vmul.f32 $1.131370830e+01, v3  }
0xb3: {  	v3 =	vld [tilespmem:s13+$0xFFFFFF40];
	v4 =	vmul.f32 $1.131370830e+01, v4;
	[tilespmem:s10+$0xD0] =	vst v0  }
0xb4: {  	v0 =	vld [tilespmem:s13+$0xFFFFFF50];
	v7 =	vmul.f32 $1.131370830e+01, v7;
	[tilespmem:s10+$0xE0] =	vst v1  }
0xb5: {  	v1 =	vmul.f32 $1.131370830e+01, v5;
	v5 =	vld [tilespmem:s13+$0xFFFFFF60];
	[tilespmem:s10+$0xFFFFFF00] =	vst v4;
	s10 =	smov.u32 s13  }
0xb6: {  	v4 =	vmul.f32 $1.131370830e+01, v6;
	v6 =	vld [tilespmem:s13+$0xFFFFFF70];
	[tilespmem:s13+$0xF0] =	vst v7  }
0xb7: {  	[tilespmem:s13+$0xFFFFFF10] =	vst v1;
	v1 =	vmul.f32 $1.131370830e+01, v2;
	v2 =	vld [tilespmem:s13+$0xFFFFFF80]  }
0xb8: {  	[tilespmem:s13+$0xFFFFFF20] =	vst v4;
	v3 =	vmul.f32 $1.131370830e+01, v3;
	v4 =	vld [tilespmem:s13+$0xFFFFFF90]  }
0xb9: {  	[tilespmem:s13+$0xFFFFFF30] =	vst v1;
	v0 =	vmul.f32 $1.131370830e+01, v0;
	v1 =	vld [tilespmem:s13+$0xFFFFFFA0]  }
0xba: {  	[tilespmem:s13+$0xFFFFFF40] =	vst v3;
	v3 =	vmul.f32 $1.131370830e+01, v5;
	v5 =	vld [tilespmem:s13+$0xFFFFFFB0]  }
0xbb: {  	[tilespmem:s13+$0xFFFFFF50] =	vst v0;
	v0 =	vmul.f32 $1.131370830e+01, v6;
	v6 =	vld [tilespmem:s13+$0xFFFFFFC0]  }
0xbc: {  	[tilespmem:s13+$0xFFFFFF60] =	vst v3;
	v2 =	vmul.f32 $1.131370830e+01, v2;
	v3 =	vld [tilespmem:s13+$0xFFFFFFD0]  }
0xbd: {  	[tilespmem:s13+$0xFFFFFF70] =	vst v0;
	v0 =	vmul.f32 $1.131370830e+01, v4;
	v4 =	vld [tilespmem:s13+$0xFFFFFFE0]  }
0xbe: {  	[tilespmem:s13+$0xFFFFFF80] =	vst v2;
	v1 =	vmul.f32 $1.131370830e+01, v1;
	v2 =	vld [tilespmem:s13+$0xFFFFFFF0]  }
0xbf: {  	[tilespmem:s13+$0xFFFFFF90] =	vst v0;
	v0 =	vmul.f32 $1.131370830e+01, v5;
	v5 =	vld [tilespmem:s13+$0x0]  }
0xc0: {  	[tilespmem:s13+$0xFFFFFFA0] =	vst v1;
	v1 =	vmul.f32 $1.131370830e+01, v6;
	v6 =	vld [tilespmem:s13+$0x10]  }
0xc1: {  	[tilespmem:s13+$0xFFFFFFB0] =	vst v0;
	v0 =	vmul.f32 $1.131370830e+01, v3;
	v3 =	vld [tilespmem:s13+$0x20]  }
0xc2: {  	[tilespmem:s13+$0xFFFFFFC0] =	vst v1;
	v1 =	vmul.f32 $1.131370830e+01, v4;
	v4 =	vld [tilespmem:s13+$0x30]  }
0xc3: {  	[tilespmem:s13+$0xFFFFFFD0] =	vst v0;
	v0 =	vmul.f32 $1.131370830e+01, v2;
	v2 =	vld [tilespmem:s13+$0x40]  }
0xc4: {  	[tilespmem:s13+$0xFFFFFFE0] =	vst v1;
	v1 =	vmul.f32 $1.131370830e+01, v5;
	v5 =	vld [tilespmem:s13+$0x50]  }
0xc5: {  	[tilespmem:s13+$0xFFFFFFF0] =	vst v0;
	v0 =	vmul.f32 $1.131370830e+01, v6;
	v6 =	vld [tilespmem:s13+$0x60]  }
0xc6: {  	[tilespmem:s13+$0x0] =	vst v1;
	v1 =	vmul.f32 $1.131370830e+01, v3;
	v3 =	vld [tilespmem:s13+$0x70]  }
0xc7: {  	[tilespmem:s13+$0x10] =	vst v0;
	v0 =	vmul.f32 $1.131370830e+01, v4;
	v4 =	vld [tilespmem:s13+$0x80]  }
0xc8: {  	[tilespmem:s13+$0x20] =	vst v1;
	v1 =	vmul.f32 $1.131370830e+01, v2;
	v7 =	vld [tilespmem:s13+$0x90]  }
0xc9: {  	[tilespmem:s13+$0x30] =	vst v0;
	v2 =	vmul.f32 $1.131370830e+01, v5;
	v8 =	vld [tilespmem:s13+$0xA0]  }
.Ltmp3:
0xca: {  	[tilespmem:s13+$0x40] =	vst v1;
	v5 =	vmul.f32 $1.131370830e+01, v6;
	v0 =	vld [tilespmem:s13+$0xB0];
	(pc) =	sbr.rel @p1 .LBB2_5-.Ltmp3, $4  }
0xcb: {  	[tilespmem:s13+$0x50] =	vst v2;
	v3 =	vmul.f32 $1.131370830e+01, v3;
	v1 =	vld [tilespmem:s13+$0xC0]  }
0xcc: {  	[tilespmem:s13+$0x60] =	vst v5;
	v6 =	vmul.f32 $1.131370830e+01, v4;
	v2 =	vld [tilespmem:s13+$0xD0]  }
0xcd: {  	[tilespmem:s13+$0x70] =	vst v3;
	v5 =	vmul.f32 $1.131370830e+01, v7;
	v3 =	vld [tilespmem:s13+$0xE0]  }
0xce: {  	s13 =	sadd.s32 $0x200, s13;
	v4 =	vld [tilespmem:s10+$0xFFFFFF00];
	[tilespmem:s10+$0x80] =	vst v6;
	v6 =	vmul.f32 $1.131370830e+01, v8  }
0xcf: {  	[tilespmem:s10+$0x90] =	vst v5;
	v0 =	vmul.f32 $1.131370830e+01, v0  }
0xd0: {  	[tilespmem:s10+$0xA0] =	vst v6;
	v1 =	vmul.f32 $1.131370830e+01, v1  }
0xd1: {  	[tilespmem:s10+$0xB0] =	vst v0;
	v0 =	vmul.f32 $1.131370830e+01, v2  }
0xd2: {  	s14 =	sshll.u32 s16, $0x9;
	[tilespmem:s10+$0xC0] =	vst v1;
	v1 =	vmul.f32 $1.131370830e+01, v3  }
0xd3: {  	s11 =	sadd.s32 s14, s7;
	v2 =	vmul.f32 $1.131370830e+01, v4;
	[tilespmem:s10+$0xD0] =	vst v0  }
0xd4: {  	s11 =	sshll.u32 s11, $0x4;
	[tilespmem:s10+$0xE0] =	vst v1  }
0xd5: {  	s15 =	simm.s32 $0xE800;
	s13 =	sadd.s32 s3, s11;
	[tilespmem:s10+$0xFFFFFF00] =	vst v2;
	s10 =	simm.s32 @!p0 $0xE  }
0xd6: {  	[hbm4b:s13+s4] =	stream.linear.scatter [tilespmem:s15], [sflag:$0xA], $0x2000, $0x38;
	[tilespmem:$0x1C800] =	vst v63  }
0xd7: {  	s11 =	sor.u32 $0x5, s5;
	_ =	swait.ge @!p0 [sflag:s10], $0x2000  }
0xd8: {  	s13 =	sshll.u32 s11, $0x7;
	[sflag:s10] =	ssyncset.done @!p0 $0x0  }
0xd9: {  	s17 =	sand.u32 $0x3FFFFF80, s13;
	[sflag:s10] =	ssyncadd.s32 @!p0 $0xFFFFE000  }
0xda: {  	[tilespmem:s23], [sflag:$0x6] =	stream.indirect.gather [hbm4b:s1+s12], $0x80, s17, s12, $0xb8;
	[tilespmem:$0x1C800] =	vst v63  }
0xdb: {  	_ =	swait.ge [sflag:s24], $0x2000  }
0xdc: {  	[sflag:s24] =	ssyncset.done $0x0  }
0xdd: {  	s10 =	simm.s32 $0x10900;
	[sflag:s24] =	ssyncadd.s32 $0xFFFFE000  }
0xde: {  	v0 =	vld [tilespmem:s10+$0xF0]  }
0xdf: {  	v1 =	vld [tilespmem:s10+$0xFFFFFF10]  }
0xe0: {  	v2 =	vld [tilespmem:s10+$0xFFFFFF20]  }
0xe1: {  	v3 =	vld [tilespmem:s10+$0xFFFFFF30]  }
0xe2: {  	v6 =	vld [tilespmem:s10+$0xFFFFFF60]  }
0xe3: {  	v4 =	vld [tilespmem:s10+$0xFFFFFF40]  }
0xe4: {  	v5 =	vld [tilespmem:s10+$0xFFFFFF50];
	v0 =	vmul.f32 $1.131370830e+01, v0  }
0xe5: {  	v8 =	vld [tilespmem:s10+$0xFFFFFF80];
	v1 =	vmul.f32 $1.131370830e+01, v1  }
0xe6: {  	v7 =	vld [tilespmem:s10+$0xFFFFFF70];
	v2 =	vmul.f32 $1.131370830e+01, v2;
	[tilespmem:s10+$0xF0] =	vst v0  }
0xe7: {  	v6 =	vmul.f32 $1.131370830e+01, v6;
	v0 =	vld [tilespmem:s10+$0xFFFFFF90];
	[tilespmem:s10+$0xFFFFFF10] =	vst v1  }
0xe8: {  	v1 =	vmul.f32 $1.131370830e+01, v3;
	v3 =	vld [tilespmem:s10+$0xFFFFFFA0];
	[tilespmem:s10+$0xFFFFFF20] =	vst v2;
	v2 =	vmul.f32 $1.131370830e+01, v4  }
0xe9: {  	[tilespmem:s10+$0xFFFFFF60] =	vst v6;
	v6 =	vld [tilespmem:s10+$0xFFFFFFF0]  }
0xea: {  	v4 =	vld [tilespmem:s10+$0xFFFFFFB0];
	[tilespmem:s10+$0xFFFFFF40] =	vst v2;
	v2 =	vmul.f32 $1.131370830e+01, v8  }
0xeb: {  	[tilespmem:s10+$0xFFFFFF30] =	vst v1;
	v1 =	vmul.f32 $1.131370830e+01, v5;
	v5 =	vld [tilespmem:s10+$0xFFFFFFC0]  }
0xec: {  	v8 =	vld [tilespmem:s10+$0xFFFFFFD0];
	[tilespmem:s10+$0xFFFFFF80] =	vst v2;
	v2 =	vmul.f32 $1.131370830e+01, v7  }
0xed: {  	[tilespmem:s10+$0xFFFFFF50] =	vst v1;
	v1 =	vld [tilespmem:s10+$0xFFFFFFE0];
	v0 =	vmul.f32 $1.131370830e+01, v0  }
0xee: {  	v7 =	vld [tilespmem:s10+$0x30];
	v6 =	vmul.f32 $1.131370830e+01, v6;
	[tilespmem:s10+$0xFFFFFF70] =	vst v2  }
0xef: {  	v2 =	vmul.f32 $1.131370830e+01, v3;
	v3 =	vld [tilespmem:s10+$0x0];
	[tilespmem:s10+$0xFFFFFF90] =	vst v0  }
0xf0: {  	v0 =	vmul.f32 $1.131370830e+01, v4;
	v4 =	vld [tilespmem:s10+$0x10];
	[tilespmem:s10+$0xFFFFFFF0] =	vst v6  }
0xf1: {  	[tilespmem:s10+$0xFFFFFFA0] =	vst v2;
	v2 =	vmul.f32 $1.131370830e+01, v5;
	v5 =	vld [tilespmem:s10+$0x20]  }
0xf2: {  	v6 =	vld [tilespmem:s10+$0x80];
	[tilespmem:s10+$0xFFFFFFB0] =	vst v0;
	v0 =	vmul.f32 $1.131370830e+01, v8  }
0xf3: {  	v1 =	vmul.f32 $1.131370830e+01, v1;
	[tilespmem:s10+$0xFFFFFFC0] =	vst v2;
	v2 =	vld [tilespmem:s10+$0x40]  }
0xf4: {  	[tilespmem:s10+$0xFFFFFFD0] =	vst v0;
	v0 =	vmul.f32 $1.131370830e+01, v3  }
0xf5: {  	v3 =	vld [tilespmem:s10+$0x50];
	[tilespmem:s10+$0xFFFFFFE0] =	vst v1;
	v4 =	vmul.f32 $1.131370830e+01, v4  }
0xf6: {  	v1 =	vld [tilespmem:s10+$0x60];
	[tilespmem:s10+$0x0] =	vst v0;
	v0 =	vmul.f32 $1.131370830e+01, v5  }
0xf7: {  	v6 =	vmul.f32 $1.131370830e+01, v6;
	v5 =	vld [tilespmem:s10+$0x70];
	[tilespmem:s10+$0x10] =	vst v4  }
0xf8: {  	v4 =	vmul.f32 $1.131370830e+01, v7;
	v7 =	vld [tilespmem:s10+$0x90];
	[tilespmem:s10+$0x20] =	vst v0;
	v0 =	vmul.f32 $1.131370830e+01, v2  }
0xf9: {  	v8 =	vld [tilespmem:s10+$0xA0];
	[tilespmem:s10+$0x80] =	vst v6  }
0xfa: {  	v2 =	vmul.f32 $1.131370830e+01, v3;
	[tilespmem:s10+$0x40] =	vst v0;
	v0 =	vld [tilespmem:s10+$0xB0]  }
0xfb: {  	[tilespmem:s10+$0x30] =	vst v4;
	v3 =	vmul.f32 $1.131370830e+01, v1;
	v1 =	vld [tilespmem:s10+$0xC0]  }
0xfc: {  	[tilespmem:s10+$0x50] =	vst v2;
	v4 =	vmul.f32 $1.131370830e+01, v5;
	v2 =	vld [tilespmem:s10+$0xD0]  }
0xfd: {  	[tilespmem:s10+$0x60] =	vst v3;
	v3 =	vld [tilespmem:s10+$0xE0];
	v5 =	vmul.f32 $1.131370830e+01, v7  }
0xfe: {  	s15 =	simm.s32 $0x10B00;
	s13 =	simm.s32 $0x0;
	v6 =	vmul.f32 $1.131370830e+01, v8;
	[tilespmem:s10+$0x70] =	vst v4;
	v4 =	vld [tilespmem:s10+$0xFFFFFF00]  }
.LBB2_7:
0xff: {  	v7 =	vld [tilespmem:s15+$0xF0];
	s13 =	sadd.s32 $0x4, s13;
	[tilespmem:s10+$0x90] =	vst v5;
	v0 =	vmul.f32 $1.131370830e+01, v0  }
0x100: {  	v5 =	vld [tilespmem:s15+$0xFFFFFF10];
	p1 =	slt.u32 s13, $0x3C;
	[tilespmem:s10+$0xA0] =	vst v6;
	v1 =	vmul.f32 $1.131370830e+01, v1  }
0x101: {  	v6 =	vld [tilespmem:s15+$0xFFFFFF20];
	[tilespmem:s10+$0xB0] =	vst v0;
	v0 =	vmul.f32 $1.131370830e+01, v2  }
0x102: {  	v2 =	vld [tilespmem:s15+$0xFFFFFF30];
	[tilespmem:s10+$0xC0] =	vst v1;
	v1 =	vmul.f32 $1.131370830e+01, v3  }
0x103: {  	v3 =	vld [tilespmem:s15+$0xFFFFFF40];
	v4 =	vmul.f32 $1.131370830e+01, v4;
	[tilespmem:s10+$0xD0] =	vst v0  }
0x104: {  	v0 =	vld [tilespmem:s15+$0xFFFFFF50];
	v7 =	vmul.f32 $1.131370830e+01, v7;
	[tilespmem:s10+$0xE0] =	vst v1  }
0x105: {  	v1 =	vmul.f32 $1.131370830e+01, v5;
	v5 =	vld [tilespmem:s15+$0xFFFFFF60];
	[tilespmem:s10+$0xFFFFFF00] =	vst v4;
	s10 =	smov.u32 s15  }
0x106: {  	v4 =	vmul.f32 $1.131370830e+01, v6;
	v6 =	vld [tilespmem:s15+$0xFFFFFF70];
	[tilespmem:s15+$0xF0] =	vst v7  }
0x107: {  	[tilespmem:s15+$0xFFFFFF10] =	vst v1;
	v1 =	vmul.f32 $1.131370830e+01, v2;
	v2 =	vld [tilespmem:s15+$0xFFFFFF80]  }
0x108: {  	[tilespmem:s15+$0xFFFFFF20] =	vst v4;
	v3 =	vmul.f32 $1.131370830e+01, v3;
	v4 =	vld [tilespmem:s15+$0xFFFFFF90]  }
0x109: {  	[tilespmem:s15+$0xFFFFFF30] =	vst v1;
	v0 =	vmul.f32 $1.131370830e+01, v0;
	v1 =	vld [tilespmem:s15+$0xFFFFFFA0]  }
0x10a: {  	[tilespmem:s15+$0xFFFFFF40] =	vst v3;
	v3 =	vmul.f32 $1.131370830e+01, v5;
	v5 =	vld [tilespmem:s15+$0xFFFFFFB0]  }
0x10b: {  	[tilespmem:s15+$0xFFFFFF50] =	vst v0;
	v0 =	vmul.f32 $1.131370830e+01, v6;
	v6 =	vld [tilespmem:s15+$0xFFFFFFC0]  }
0x10c: {  	[tilespmem:s15+$0xFFFFFF60] =	vst v3;
	v2 =	vmul.f32 $1.131370830e+01, v2;
	v3 =	vld [tilespmem:s15+$0xFFFFFFD0]  }
0x10d: {  	[tilespmem:s15+$0xFFFFFF70] =	vst v0;
	v0 =	vmul.f32 $1.131370830e+01, v4;
	v4 =	vld [tilespmem:s15+$0xFFFFFFE0]  }
0x10e: {  	[tilespmem:s15+$0xFFFFFF80] =	vst v2;
	v1 =	vmul.f32 $1.131370830e+01, v1;
	v2 =	vld [tilespmem:s15+$0xFFFFFFF0]  }
0x10f: {  	[tilespmem:s15+$0xFFFFFF90] =	vst v0;
	v0 =	vmul.f32 $1.131370830e+01, v5;
	v5 =	vld [tilespmem:s15+$0x0]  }
0x110: {  	[tilespmem:s15+$0xFFFFFFA0] =	vst v1;
	v1 =	vmul.f32 $1.131370830e+01, v6;
	v6 =	vld [tilespmem:s15+$0x10]  }
0x111: {  	[tilespmem:s15+$0xFFFFFFB0] =	vst v0;
	v0 =	vmul.f32 $1.131370830e+01, v3;
	v3 =	vld [tilespmem:s15+$0x20]  }
0x112: {  	[tilespmem:s15+$0xFFFFFFC0] =	vst v1;
	v1 =	vmul.f32 $1.131370830e+01, v4;
	v4 =	vld [tilespmem:s15+$0x30]  }
0x113: {  	[tilespmem:s15+$0xFFFFFFD0] =	vst v0;
	v0 =	vmul.f32 $1.131370830e+01, v2;
	v2 =	vld [tilespmem:s15+$0x40]  }
0x114: {  	[tilespmem:s15+$0xFFFFFFE0] =	vst v1;
	v1 =	vmul.f32 $1.131370830e+01, v5;
	v5 =	vld [tilespmem:s15+$0x50]  }
0x115: {  	[tilespmem:s15+$0xFFFFFFF0] =	vst v0;
	v0 =	vmul.f32 $1.131370830e+01, v6;
	v6 =	vld [tilespmem:s15+$0x60]  }
0x116: {  	[tilespmem:s15+$0x0] =	vst v1;
	v1 =	vmul.f32 $1.131370830e+01, v3;
	v3 =	vld [tilespmem:s15+$0x70]  }
0x117: {  	[tilespmem:s15+$0x10] =	vst v0;
	v0 =	vmul.f32 $1.131370830e+01, v4;
	v4 =	vld [tilespmem:s15+$0x80]  }
0x118: {  	[tilespmem:s15+$0x20] =	vst v1;
	v1 =	vmul.f32 $1.131370830e+01, v2;
	v7 =	vld [tilespmem:s15+$0x90]  }
0x119: {  	[tilespmem:s15+$0x30] =	vst v0;
	v2 =	vmul.f32 $1.131370830e+01, v5;
	v8 =	vld [tilespmem:s15+$0xA0]  }
.Ltmp4:
0x11a: {  	[tilespmem:s15+$0x40] =	vst v1;
	v5 =	vmul.f32 $1.131370830e+01, v6;
	v0 =	vld [tilespmem:s15+$0xB0];
	(pc) =	sbr.rel @p1 .LBB2_7-.Ltmp4, $4  }
0x11b: {  	[tilespmem:s15+$0x50] =	vst v2;
	v3 =	vmul.f32 $1.131370830e+01, v3;
	v1 =	vld [tilespmem:s15+$0xC0]  }
0x11c: {  	[tilespmem:s15+$0x60] =	vst v5;
	v6 =	vmul.f32 $1.131370830e+01, v4;
	v2 =	vld [tilespmem:s15+$0xD0]  }
0x11d: {  	[tilespmem:s15+$0x70] =	vst v3;
	v5 =	vmul.f32 $1.131370830e+01, v7;
	v3 =	vld [tilespmem:s15+$0xE0]  }
0x11e: {  	s15 =	sadd.s32 $0x200, s15;
	v4 =	vld [tilespmem:s10+$0xFFFFFF00];
	[tilespmem:s10+$0x80] =	vst v6;
	v6 =	vmul.f32 $1.131370830e+01, v8  }
0x11f: {  	[tilespmem:s10+$0x90] =	vst v5;
	v0 =	vmul.f32 $1.131370830e+01, v0  }
0x120: {  	[tilespmem:s10+$0xA0] =	vst v6;
	v1 =	vmul.f32 $1.131370830e+01, v1  }
0x121: {  	[tilespmem:s10+$0xB0] =	vst v0;
	v0 =	vmul.f32 $1.131370830e+01, v2  }
0x122: {  	[tilespmem:s10+$0xC0] =	vst v1;
	v1 =	vmul.f32 $1.131370830e+01, v3  }
0x123: {  	s13 =	sadd.s32 s14, s8;
	v2 =	vmul.f32 $1.131370830e+01, v4;
	[tilespmem:s10+$0xD0] =	vst v0  }
0x124: {  	s13 =	sshll.u32 s13, $0x4;
	[tilespmem:s10+$0xE0] =	vst v1  }
0x125: {  	s15 =	simm.s32 $0x10800;
	s13 =	sadd.s32 s3, s13;
	[tilespmem:s10+$0xFFFFFF00] =	vst v2  }
0x126: {  	[hbm4b:s13+s4] =	stream.linear.scatter [tilespmem:s15], [sflag:$0xB], $0x2000, $0x38;
	[tilespmem:$0x1C800] =	vst v63  }
0x127: {  	s13 =	simm.s32 @!p0 $0xF  }
0x128: {  	s10 =	sor.u32 $0x6, s5;
	_ =	swait.ge @!p0 [sflag:s13], $0x2000  }
0x129: {  	s15 =	sshll.u32 s10, $0x7;
	[sflag:s13] =	ssyncset.done @!p0 $0x0  }
0x12a: {  	s17 =	sand.u32 $0x3FFFFF80, s15;
	[sflag:s13] =	ssyncadd.s32 @!p0 $0xFFFFE000  }
0x12b: {  	[tilespmem:s25], [sflag:$0x7] =	stream.indirect.gather [hbm4b:s1+s12], $0x80, s17, s12, $0xb8;
	[tilespmem:$0x1C800] =	vst v63  }
0x12c: {  	_ =	swait.ge [sflag:s26], $0x2000  }
0x12d: {  	[sflag:s26] =	ssyncset.done $0x0  }
0x12e: {  	s13 =	simm.s32 $0x12900;
	[sflag:s26] =	ssyncadd.s32 $0xFFFFE000  }
0x12f: {  	v0 =	vld [tilespmem:s13+$0xF0]  }
0x130: {  	v1 =	vld [tilespmem:s13+$0xFFFFFF10]  }
0x131: {  	v2 =	vld [tilespmem:s13+$0xFFFFFF20]  }
0x132: {  	v3 =	vld [tilespmem:s13+$0xFFFFFF30]  }
0x133: {  	v6 =	vld [tilespmem:s13+$0xFFFFFF60]  }
0x134: {  	v4 =	vld [tilespmem:s13+$0xFFFFFF40]  }
0x135: {  	v5 =	vld [tilespmem:s13+$0xFFFFFF50];
	v0 =	vmul.f32 $1.131370830e+01, v0  }
0x136: {  	v8 =	vld [tilespmem:s13+$0xFFFFFF80];
	v1 =	vmul.f32 $1.131370830e+01, v1  }
0x137: {  	v7 =	vld [tilespmem:s13+$0xFFFFFF70];
	v2 =	vmul.f32 $1.131370830e+01, v2;
	[tilespmem:s13+$0xF0] =	vst v0  }
0x138: {  	v6 =	vmul.f32 $1.131370830e+01, v6;
	v0 =	vld [tilespmem:s13+$0xFFFFFF90];
	[tilespmem:s13+$0xFFFFFF10] =	vst v1  }
0x139: {  	v1 =	vmul.f32 $1.131370830e+01, v3;
	v3 =	vld [tilespmem:s13+$0xFFFFFFA0];
	[tilespmem:s13+$0xFFFFFF20] =	vst v2;
	v2 =	vmul.f32 $1.131370830e+01, v4  }
0x13a: {  	[tilespmem:s13+$0xFFFFFF60] =	vst v6;
	v6 =	vld [tilespmem:s13+$0xFFFFFFF0]  }
0x13b: {  	v4 =	vld [tilespmem:s13+$0xFFFFFFB0];
	[tilespmem:s13+$0xFFFFFF40] =	vst v2;
	v2 =	vmul.f32 $1.131370830e+01, v8  }
0x13c: {  	[tilespmem:s13+$0xFFFFFF30] =	vst v1;
	v1 =	vmul.f32 $1.131370830e+01, v5;
	v5 =	vld [tilespmem:s13+$0xFFFFFFC0]  }
0x13d: {  	v8 =	vld [tilespmem:s13+$0xFFFFFFD0];
	[tilespmem:s13+$0xFFFFFF80] =	vst v2;
	v2 =	vmul.f32 $1.131370830e+01, v7  }
0x13e: {  	[tilespmem:s13+$0xFFFFFF50] =	vst v1;
	v1 =	vld [tilespmem:s13+$0xFFFFFFE0];
	v0 =	vmul.f32 $1.131370830e+01, v0  }
0x13f: {  	v7 =	vld [tilespmem:s13+$0x30];
	v6 =	vmul.f32 $1.131370830e+01, v6;
	[tilespmem:s13+$0xFFFFFF70] =	vst v2  }
0x140: {  	v2 =	vmul.f32 $1.131370830e+01, v3;
	v3 =	vld [tilespmem:s13+$0x0];
	[tilespmem:s13+$0xFFFFFF90] =	vst v0  }
0x141: {  	v0 =	vmul.f32 $1.131370830e+01, v4;
	v4 =	vld [tilespmem:s13+$0x10];
	[tilespmem:s13+$0xFFFFFFF0] =	vst v6  }
0x142: {  	[tilespmem:s13+$0xFFFFFFA0] =	vst v2;
	v2 =	vmul.f32 $1.131370830e+01, v5;
	v5 =	vld [tilespmem:s13+$0x20]  }
0x143: {  	v6 =	vld [tilespmem:s13+$0x80];
	[tilespmem:s13+$0xFFFFFFB0] =	vst v0;
	v0 =	vmul.f32 $1.131370830e+01, v8  }
0x144: {  	v1 =	vmul.f32 $1.131370830e+01, v1;
	[tilespmem:s13+$0xFFFFFFC0] =	vst v2;
	v2 =	vld [tilespmem:s13+$0x40]  }
0x145: {  	[tilespmem:s13+$0xFFFFFFD0] =	vst v0;
	v0 =	vmul.f32 $1.131370830e+01, v3  }
0x146: {  	v3 =	vld [tilespmem:s13+$0x50];
	[tilespmem:s13+$0xFFFFFFE0] =	vst v1;
	v4 =	vmul.f32 $1.131370830e+01, v4  }
0x147: {  	v1 =	vld [tilespmem:s13+$0x60];
	[tilespmem:s13+$0x0] =	vst v0;
	v0 =	vmul.f32 $1.131370830e+01, v5  }
0x148: {  	v6 =	vmul.f32 $1.131370830e+01, v6;
	v5 =	vld [tilespmem:s13+$0x70];
	[tilespmem:s13+$0x10] =	vst v4  }
0x149: {  	v4 =	vmul.f32 $1.131370830e+01, v7;
	v7 =	vld [tilespmem:s13+$0x90];
	[tilespmem:s13+$0x20] =	vst v0;
	v0 =	vmul.f32 $1.131370830e+01, v2  }
0x14a: {  	v8 =	vld [tilespmem:s13+$0xA0];
	[tilespmem:s13+$0x80] =	vst v6  }
0x14b: {  	v2 =	vmul.f32 $1.131370830e+01, v3;
	[tilespmem:s13+$0x40] =	vst v0;
	v0 =	vld [tilespmem:s13+$0xB0]  }
0x14c: {  	[tilespmem:s13+$0x30] =	vst v4;
	v3 =	vmul.f32 $1.131370830e+01, v1;
	v1 =	vld [tilespmem:s13+$0xC0]  }
0x14d: {  	[tilespmem:s13+$0x50] =	vst v2;
	v4 =	vmul.f32 $1.131370830e+01, v5;
	v2 =	vld [tilespmem:s13+$0xD0]  }
0x14e: {  	[tilespmem:s13+$0x60] =	vst v3;
	v3 =	vld [tilespmem:s13+$0xE0];
	v5 =	vmul.f32 $1.131370830e+01, v7  }
0x14f: {  	s15 =	simm.s32 $0x0;
	s17 =	simm.s32 $0x12B00;
	v6 =	vmul.f32 $1.131370830e+01, v8;
	[tilespmem:s13+$0x70] =	vst v4;
	v4 =	vld [tilespmem:s13+$0xFFFFFF00]  }
.LBB2_9:
0x150: {  	v7 =	vld [tilespmem:s17+$0xF0];
	s15 =	sadd.s32 $0x4, s15;
	[tilespmem:s13+$0x90] =	vst v5;
	v0 =	vmul.f32 $1.131370830e+01, v0  }
0x151: {  	v5 =	vld [tilespmem:s17+$0xFFFFFF10];
	p1 =	slt.u32 s15, $0x3C;
	[tilespmem:s13+$0xA0] =	vst v6;
	v1 =	vmul.f32 $1.131370830e+01, v1  }
0x152: {  	v6 =	vld [tilespmem:s17+$0xFFFFFF20];
	[tilespmem:s13+$0xB0] =	vst v0;
	v0 =	vmul.f32 $1.131370830e+01, v2  }
0x153: {  	v2 =	vld [tilespmem:s17+$0xFFFFFF30];
	[tilespmem:s13+$0xC0] =	vst v1;
	v1 =	vmul.f32 $1.131370830e+01, v3  }
0x154: {  	v3 =	vld [tilespmem:s17+$0xFFFFFF40];
	v4 =	vmul.f32 $1.131370830e+01, v4;
	[tilespmem:s13+$0xD0] =	vst v0  }
0x155: {  	v0 =	vld [tilespmem:s17+$0xFFFFFF50];
	v7 =	vmul.f32 $1.131370830e+01, v7;
	[tilespmem:s13+$0xE0] =	vst v1  }
0x156: {  	v1 =	vmul.f32 $1.131370830e+01, v5;
	v5 =	vld [tilespmem:s17+$0xFFFFFF60];
	[tilespmem:s13+$0xFFFFFF00] =	vst v4;
	s13 =	smov.u32 s17  }
0x157: {  	v4 =	vmul.f32 $1.131370830e+01, v6;
	v6 =	vld [tilespmem:s17+$0xFFFFFF70];
	[tilespmem:s17+$0xF0] =	vst v7  }
0x158: {  	[tilespmem:s17+$0xFFFFFF10] =	vst v1;
	v1 =	vmul.f32 $1.131370830e+01, v2;
	v2 =	vld [tilespmem:s17+$0xFFFFFF80]  }
0x159: {  	[tilespmem:s17+$0xFFFFFF20] =	vst v4;
	v3 =	vmul.f32 $1.131370830e+01, v3;
	v4 =	vld [tilespmem:s17+$0xFFFFFF90]  }
0x15a: {  	[tilespmem:s17+$0xFFFFFF30] =	vst v1;
	v0 =	vmul.f32 $1.131370830e+01, v0;
	v1 =	vld [tilespmem:s17+$0xFFFFFFA0]  }
0x15b: {  	[tilespmem:s17+$0xFFFFFF40] =	vst v3;
	v3 =	vmul.f32 $1.131370830e+01, v5;
	v5 =	vld [tilespmem:s17+$0xFFFFFFB0]  }
0x15c: {  	[tilespmem:s17+$0xFFFFFF50] =	vst v0;
	v0 =	vmul.f32 $1.131370830e+01, v6;
	v6 =	vld [tilespmem:s17+$0xFFFFFFC0]  }
0x15d: {  	[tilespmem:s17+$0xFFFFFF60] =	vst v3;
	v2 =	vmul.f32 $1.131370830e+01, v2;
	v3 =	vld [tilespmem:s17+$0xFFFFFFD0]  }
0x15e: {  	[tilespmem:s17+$0xFFFFFF70] =	vst v0;
	v0 =	vmul.f32 $1.131370830e+01, v4;
	v4 =	vld [tilespmem:s17+$0xFFFFFFE0]  }
0x15f: {  	[tilespmem:s17+$0xFFFFFF80] =	vst v2;
	v1 =	vmul.f32 $1.131370830e+01, v1;
	v2 =	vld [tilespmem:s17+$0xFFFFFFF0]  }
0x160: {  	[tilespmem:s17+$0xFFFFFF90] =	vst v0;
	v0 =	vmul.f32 $1.131370830e+01, v5;
	v5 =	vld [tilespmem:s17+$0x0]  }
0x161: {  	[tilespmem:s17+$0xFFFFFFA0] =	vst v1;
	v1 =	vmul.f32 $1.131370830e+01, v6;
	v6 =	vld [tilespmem:s17+$0x10]  }
0x162: {  	[tilespmem:s17+$0xFFFFFFB0] =	vst v0;
	v0 =	vmul.f32 $1.131370830e+01, v3;
	v3 =	vld [tilespmem:s17+$0x20]  }
0x163: {  	[tilespmem:s17+$0xFFFFFFC0] =	vst v1;
	v1 =	vmul.f32 $1.131370830e+01, v4;
	v4 =	vld [tilespmem:s17+$0x30]  }
0x164: {  	[tilespmem:s17+$0xFFFFFFD0] =	vst v0;
	v0 =	vmul.f32 $1.131370830e+01, v2;
	v2 =	vld [tilespmem:s17+$0x40]  }
0x165: {  	[tilespmem:s17+$0xFFFFFFE0] =	vst v1;
	v1 =	vmul.f32 $1.131370830e+01, v5;
	v5 =	vld [tilespmem:s17+$0x50]  }
0x166: {  	[tilespmem:s17+$0xFFFFFFF0] =	vst v0;
	v0 =	vmul.f32 $1.131370830e+01, v6;
	v6 =	vld [tilespmem:s17+$0x60]  }
0x167: {  	[tilespmem:s17+$0x0] =	vst v1;
	v1 =	vmul.f32 $1.131370830e+01, v3;
	v3 =	vld [tilespmem:s17+$0x70]  }
0x168: {  	[tilespmem:s17+$0x10] =	vst v0;
	v0 =	vmul.f32 $1.131370830e+01, v4;
	v4 =	vld [tilespmem:s17+$0x80]  }
0x169: {  	[tilespmem:s17+$0x20] =	vst v1;
	v1 =	vmul.f32 $1.131370830e+01, v2;
	v7 =	vld [tilespmem:s17+$0x90]  }
0x16a: {  	[tilespmem:s17+$0x30] =	vst v0;
	v2 =	vmul.f32 $1.131370830e+01, v5;
	v8 =	vld [tilespmem:s17+$0xA0]  }
.Ltmp5:
0x16b: {  	[tilespmem:s17+$0x40] =	vst v1;
	v5 =	vmul.f32 $1.131370830e+01, v6;
	v0 =	vld [tilespmem:s17+$0xB0];
	(pc) =	sbr.rel @p1 .LBB2_9-.Ltmp5, $4  }
0x16c: {  	[tilespmem:s17+$0x50] =	vst v2;
	v3 =	vmul.f32 $1.131370830e+01, v3;
	v1 =	vld [tilespmem:s17+$0xC0]  }
0x16d: {  	[tilespmem:s17+$0x60] =	vst v5;
	v6 =	vmul.f32 $1.131370830e+01, v4;
	v2 =	vld [tilespmem:s17+$0xD0]  }
0x16e: {  	[tilespmem:s17+$0x70] =	vst v3;
	v5 =	vmul.f32 $1.131370830e+01, v7;
	v3 =	vld [tilespmem:s17+$0xE0]  }
0x16f: {  	s17 =	sadd.s32 $0x200, s17;
	v4 =	vld [tilespmem:s13+$0xFFFFFF00];
	[tilespmem:s13+$0x80] =	vst v6;
	v6 =	vmul.f32 $1.131370830e+01, v8  }
0x170: {  	[tilespmem:s13+$0x90] =	vst v5;
	v0 =	vmul.f32 $1.131370830e+01, v0  }
0x171: {  	[tilespmem:s13+$0xA0] =	vst v6;
	v1 =	vmul.f32 $1.131370830e+01, v1  }
0x172: {  	[tilespmem:s13+$0xB0] =	vst v0;
	v0 =	vmul.f32 $1.131370830e+01, v2  }
0x173: {  	[tilespmem:s13+$0xC0] =	vst v1;
	v1 =	vmul.f32 $1.131370830e+01, v3  }
0x174: {  	s14 =	sadd.s32 s14, s9;
	v2 =	vmul.f32 $1.131370830e+01, v4;
	[tilespmem:s13+$0xD0] =	vst v0  }
0x175: {  	s14 =	sshll.u32 s14, $0x4;
	[tilespmem:s13+$0xE0] =	vst v1  }
0x176: {  	s14 =	sadd.s32 s3, s14;
	[tilespmem:s13+$0xFFFFFF00] =	vst v2;
	s13 =	simm.s32 @!p0 $0x10  }
0x177: {  	[hbm4b:s14+s4] =	stream.linear.scatter [tilespmem:s19], [sflag:$0xC], $0x2000, $0x38;
	[tilespmem:$0x1C800] =	vst v63  }
0x178: {  	s5 =	sor.u32 $0x7, s5;
	_ =	swait.ge @!p0 [sflag:s13], $0x2000  }
0x179: {  	s15 =	sshll.u32 s5, $0x7;
	[sflag:s13] =	ssyncset.done @!p0 $0x0  }
0x17a: {  	s17 =	sand.u32 $0x3FFFFF80, s15;
	[sflag:s13] =	ssyncadd.s32 @!p0 $0xFFFFE000  }
0x17b: {  	[tilespmem:s28], [sflag:$0x8] =	stream.indirect.gather [hbm4b:s1+s12], $0x80, s17, s12, $0xb8;
	[tilespmem:$0x1C800] =	vst v63  }
0x17c: {  	_ =	swait.ge [sflag:s29], $0x2000  }
0x17d: {  	[sflag:s29] =	ssyncset.done $0x0  }
0x17e: {  	s14 =	simm.s32 $0x14900;
	[sflag:s29] =	ssyncadd.s32 $0xFFFFE000  }
0x17f: {  	v0 =	vld [tilespmem:s14+$0xF0]  }
0x180: {  	v1 =	vld [tilespmem:s14+$0xFFFFFF10]  }
0x181: {  	v2 =	vld [tilespmem:s14+$0xFFFFFF20]  }
0x182: {  	v3 =	vld [tilespmem:s14+$0xFFFFFF30]  }
0x183: {  	v6 =	vld [tilespmem:s14+$0xFFFFFF60]  }
0x184: {  	v4 =	vld [tilespmem:s14+$0xFFFFFF40]  }
0x185: {  	v5 =	vld [tilespmem:s14+$0xFFFFFF50];
	v0 =	vmul.f32 $1.131370830e+01, v0  }
0x186: {  	v8 =	vld [tilespmem:s14+$0xFFFFFF80];
	v1 =	vmul.f32 $1.131370830e+01, v1  }
0x187: {  	v7 =	vld [tilespmem:s14+$0xFFFFFF70];
	v2 =	vmul.f32 $1.131370830e+01, v2;
	[tilespmem:s14+$0xF0] =	vst v0  }
0x188: {  	v6 =	vmul.f32 $1.131370830e+01, v6;
	v0 =	vld [tilespmem:s14+$0xFFFFFF90];
	[tilespmem:s14+$0xFFFFFF10] =	vst v1  }
0x189: {  	v1 =	vmul.f32 $1.131370830e+01, v3;
	v3 =	vld [tilespmem:s14+$0xFFFFFFA0];
	[tilespmem:s14+$0xFFFFFF20] =	vst v2;
	v2 =	vmul.f32 $1.131370830e+01, v4  }
0x18a: {  	[tilespmem:s14+$0xFFFFFF60] =	vst v6;
	v6 =	vld [tilespmem:s14+$0xFFFFFFF0]  }
0x18b: {  	v4 =	vld [tilespmem:s14+$0xFFFFFFB0];
	[tilespmem:s14+$0xFFFFFF40] =	vst v2;
	v2 =	vmul.f32 $1.131370830e+01, v8  }
0x18c: {  	[tilespmem:s14+$0xFFFFFF30] =	vst v1;
	v1 =	vmul.f32 $1.131370830e+01, v5;
	v5 =	vld [tilespmem:s14+$0xFFFFFFC0]  }
0x18d: {  	v8 =	vld [tilespmem:s14+$0xFFFFFFD0];
	[tilespmem:s14+$0xFFFFFF80] =	vst v2;
	v2 =	vmul.f32 $1.131370830e+01, v7  }
0x18e: {  	[tilespmem:s14+$0xFFFFFF50] =	vst v1;
	v1 =	vld [tilespmem:s14+$0xFFFFFFE0];
	v0 =	vmul.f32 $1.131370830e+01, v0  }
0x18f: {  	v7 =	vld [tilespmem:s14+$0x30];
	v6 =	vmul.f32 $1.131370830e+01, v6;
	[tilespmem:s14+$0xFFFFFF70] =	vst v2  }
0x190: {  	v2 =	vmul.f32 $1.131370830e+01, v3;
	v3 =	vld [tilespmem:s14+$0x0];
	[tilespmem:s14+$0xFFFFFF90] =	vst v0  }
0x191: {  	v0 =	vmul.f32 $1.131370830e+01, v4;
	v4 =	vld [tilespmem:s14+$0x10];
	[tilespmem:s14+$0xFFFFFFF0] =	vst v6  }
0x192: {  	[tilespmem:s14+$0xFFFFFFA0] =	vst v2;
	v2 =	vmul.f32 $1.131370830e+01, v5;
	v5 =	vld [tilespmem:s14+$0x20]  }
0x193: {  	v6 =	vld [tilespmem:s14+$0x80];
	[tilespmem:s14+$0xFFFFFFB0] =	vst v0;
	v0 =	vmul.f32 $1.131370830e+01, v8  }
0x194: {  	v1 =	vmul.f32 $1.131370830e+01, v1;
	[tilespmem:s14+$0xFFFFFFC0] =	vst v2;
	v2 =	vld [tilespmem:s14+$0x40]  }
0x195: {  	[tilespmem:s14+$0xFFFFFFD0] =	vst v0;
	v0 =	vmul.f32 $1.131370830e+01, v3  }
0x196: {  	v3 =	vld [tilespmem:s14+$0x50];
	[tilespmem:s14+$0xFFFFFFE0] =	vst v1;
	v4 =	vmul.f32 $1.131370830e+01, v4  }
0x197: {  	v1 =	vld [tilespmem:s14+$0x60];
	[tilespmem:s14+$0x0] =	vst v0;
	v0 =	vmul.f32 $1.131370830e+01, v5  }
0x198: {  	v6 =	vmul.f32 $1.131370830e+01, v6;
	v5 =	vld [tilespmem:s14+$0x70];
	[tilespmem:s14+$0x10] =	vst v4  }
0x199: {  	v4 =	vmul.f32 $1.131370830e+01, v7;
	v7 =	vld [tilespmem:s14+$0x90];
	[tilespmem:s14+$0x20] =	vst v0;
	v0 =	vmul.f32 $1.131370830e+01, v2  }
0x19a: {  	v8 =	vld [tilespmem:s14+$0xA0];
	[tilespmem:s14+$0x80] =	vst v6  }
0x19b: {  	v2 =	vmul.f32 $1.131370830e+01, v3;
	[tilespmem:s14+$0x40] =	vst v0;
	v0 =	vld [tilespmem:s14+$0xB0]  }
0x19c: {  	[tilespmem:s14+$0x30] =	vst v4;
	v3 =	vmul.f32 $1.131370830e+01, v1;
	v1 =	vld [tilespmem:s14+$0xC0]  }
0x19d: {  	[tilespmem:s14+$0x50] =	vst v2;
	v4 =	vmul.f32 $1.131370830e+01, v5;
	v2 =	vld [tilespmem:s14+$0xD0]  }
0x19e: {  	[tilespmem:s14+$0x60] =	vst v3;
	v3 =	vld [tilespmem:s14+$0xE0];
	v5 =	vmul.f32 $1.131370830e+01, v7  }
0x19f: {  	s15 =	simm.s32 $0x14B00;
	s13 =	simm.s32 $0x0;
	v6 =	vmul.f32 $1.131370830e+01, v8;
	[tilespmem:s14+$0x70] =	vst v4;
	v4 =	vld [tilespmem:s14+$0xFFFFFF00]  }
.LBB2_11:
0x1a0: {  	v7 =	vld [tilespmem:s15+$0xF0];
	s13 =	sadd.s32 $0x4, s13;
	[tilespmem:s14+$0x90] =	vst v5;
	v0 =	vmul.f32 $1.131370830e+01, v0  }
0x1a1: {  	v5 =	vld [tilespmem:s15+$0xFFFFFF10];
	p0 =	slt.u32 s13, $0x3C;
	[tilespmem:s14+$0xA0] =	vst v6;
	v1 =	vmul.f32 $1.131370830e+01, v1  }
0x1a2: {  	v6 =	vld [tilespmem:s15+$0xFFFFFF20];
	[tilespmem:s14+$0xB0] =	vst v0;
	v0 =	vmul.f32 $1.131370830e+01, v2  }
0x1a3: {  	v2 =	vld [tilespmem:s15+$0xFFFFFF30];
	[tilespmem:s14+$0xC0] =	vst v1;
	v1 =	vmul.f32 $1.131370830e+01, v3  }
0x1a4: {  	v3 =	vld [tilespmem:s15+$0xFFFFFF40];
	v4 =	vmul.f32 $1.131370830e+01, v4;
	[tilespmem:s14+$0xD0] =	vst v0  }
0x1a5: {  	v0 =	vld [tilespmem:s15+$0xFFFFFF50];
	v7 =	vmul.f32 $1.131370830e+01, v7;
	[tilespmem:s14+$0xE0] =	vst v1  }
0x1a6: {  	v1 =	vmul.f32 $1.131370830e+01, v5;
	v5 =	vld [tilespmem:s15+$0xFFFFFF60];
	[tilespmem:s14+$0xFFFFFF00] =	vst v4;
	s14 =	smov.u32 s15  }
0x1a7: {  	v4 =	vmul.f32 $1.131370830e+01, v6;
	v6 =	vld [tilespmem:s15+$0xFFFFFF70];
	[tilespmem:s15+$0xF0] =	vst v7  }
0x1a8: {  	[tilespmem:s15+$0xFFFFFF10] =	vst v1;
	v1 =	vmul.f32 $1.131370830e+01, v2;
	v2 =	vld [tilespmem:s15+$0xFFFFFF80]  }
0x1a9: {  	[tilespmem:s15+$0xFFFFFF20] =	vst v4;
	v3 =	vmul.f32 $1.131370830e+01, v3;
	v4 =	vld [tilespmem:s15+$0xFFFFFF90]  }
0x1aa: {  	[tilespmem:s15+$0xFFFFFF30] =	vst v1;
	v0 =	vmul.f32 $1.131370830e+01, v0;
	v1 =	vld [tilespmem:s15+$0xFFFFFFA0]  }
0x1ab: {  	[tilespmem:s15+$0xFFFFFF40] =	vst v3;
	v3 =	vmul.f32 $1.131370830e+01, v5;
	v5 =	vld [tilespmem:s15+$0xFFFFFFB0]  }
0x1ac: {  	[tilespmem:s15+$0xFFFFFF50] =	vst v0;
	v0 =	vmul.f32 $1.131370830e+01, v6;
	v6 =	vld [tilespmem:s15+$0xFFFFFFC0]  }
0x1ad: {  	[tilespmem:s15+$0xFFFFFF60] =	vst v3;
	v2 =	vmul.f32 $1.131370830e+01, v2;
	v3 =	vld [tilespmem:s15+$0xFFFFFFD0]  }
0x1ae: {  	[tilespmem:s15+$0xFFFFFF70] =	vst v0;
	v0 =	vmul.f32 $1.131370830e+01, v4;
	v4 =	vld [tilespmem:s15+$0xFFFFFFE0]  }
0x1af: {  	[tilespmem:s15+$0xFFFFFF80] =	vst v2;
	v1 =	vmul.f32 $1.131370830e+01, v1;
	v2 =	vld [tilespmem:s15+$0xFFFFFFF0]  }
0x1b0: {  	[tilespmem:s15+$0xFFFFFF90] =	vst v0;
	v0 =	vmul.f32 $1.131370830e+01, v5;
	v5 =	vld [tilespmem:s15+$0x0]  }
0x1b1: {  	[tilespmem:s15+$0xFFFFFFA0] =	vst v1;
	v1 =	vmul.f32 $1.131370830e+01, v6;
	v6 =	vld [tilespmem:s15+$0x10]  }
0x1b2: {  	[tilespmem:s15+$0xFFFFFFB0] =	vst v0;
	v0 =	vmul.f32 $1.131370830e+01, v3;
	v3 =	vld [tilespmem:s15+$0x20]  }
0x1b3: {  	[tilespmem:s15+$0xFFFFFFC0] =	vst v1;
	v1 =	vmul.f32 $1.131370830e+01, v4;
	v4 =	vld [tilespmem:s15+$0x30]  }
0x1b4: {  	[tilespmem:s15+$0xFFFFFFD0] =	vst v0;
	v0 =	vmul.f32 $1.131370830e+01, v2;
	v2 =	vld [tilespmem:s15+$0x40]  }
0x1b5: {  	[tilespmem:s15+$0xFFFFFFE0] =	vst v1;
	v1 =	vmul.f32 $1.131370830e+01, v5;
	v5 =	vld [tilespmem:s15+$0x50]  }
0x1b6: {  	[tilespmem:s15+$0xFFFFFFF0] =	vst v0;
	v0 =	vmul.f32 $1.131370830e+01, v6;
	v6 =	vld [tilespmem:s15+$0x60]  }
0x1b7: {  	[tilespmem:s15+$0x0] =	vst v1;
	v1 =	vmul.f32 $1.131370830e+01, v3;
	v3 =	vld [tilespmem:s15+$0x70]  }
0x1b8: {  	[tilespmem:s15+$0x10] =	vst v0;
	v0 =	vmul.f32 $1.131370830e+01, v4;
	v4 =	vld [tilespmem:s15+$0x80]  }
0x1b9: {  	[tilespmem:s15+$0x20] =	vst v1;
	v1 =	vmul.f32 $1.131370830e+01, v2;
	v7 =	vld [tilespmem:s15+$0x90]  }
0x1ba: {  	[tilespmem:s15+$0x30] =	vst v0;
	v2 =	vmul.f32 $1.131370830e+01, v5;
	v8 =	vld [tilespmem:s15+$0xA0]  }
.Ltmp6:
0x1bb: {  	[tilespmem:s15+$0x40] =	vst v1;
	v5 =	vmul.f32 $1.131370830e+01, v6;
	v0 =	vld [tilespmem:s15+$0xB0];
	(pc) =	sbr.rel @p0 .LBB2_11-.Ltmp6, $4  }
0x1bc: {  	[tilespmem:s15+$0x50] =	vst v2;
	v3 =	vmul.f32 $1.131370830e+01, v3;
	v1 =	vld [tilespmem:s15+$0xC0]  }
0x1bd: {  	[tilespmem:s15+$0x60] =	vst v5;
	v6 =	vmul.f32 $1.131370830e+01, v4;
	v2 =	vld [tilespmem:s15+$0xD0]  }
0x1be: {  	[tilespmem:s15+$0x70] =	vst v3;
	v5 =	vmul.f32 $1.131370830e+01, v7;
	v3 =	vld [tilespmem:s15+$0xE0]  }
0x1bf: {  	s15 =	sadd.s32 $0x200, s15;
	v4 =	vld [tilespmem:s14+$0xFFFFFF00];
	[tilespmem:s14+$0x80] =	vst v6;
	v6 =	vmul.f32 $1.131370830e+01, v8  }
0x1c0: {  	[tilespmem:s14+$0x90] =	vst v5;
	v0 =	vmul.f32 $1.131370830e+01, v0  }
0x1c1: {  	[tilespmem:s14+$0xA0] =	vst v6;
	v1 =	vmul.f32 $1.131370830e+01, v1  }
0x1c2: {  	[tilespmem:s14+$0xB0] =	vst v0;
	v0 =	vmul.f32 $1.131370830e+01, v2  }
0x1c3: {  	s0 =	sshll.u32 s0, $0xD;
	[tilespmem:s14+$0xC0] =	vst v1;
	v1 =	vmul.f32 $1.131370830e+01, v3  }
0x1c4: {  	s0 =	sadd.s32 s6, s0;
	v2 =	vmul.f32 $1.131370830e+01, v4;
	[tilespmem:s14+$0xD0] =	vst v0  }
0x1c5: {  	s0 =	sshrl.u32 s0, $0x3;
	[tilespmem:s14+$0xE0] =	vst v1  }
0x1c6: {  	p0 =	seq.s32 s16, $0x31;
	s0 =	sadd.s32 s3, s0;
	[tilespmem:s14+$0xFFFFFF00] =	vst v2  }
0x1c7: {  	[hbm4b:s0+s4] =	stream.linear.scatter [tilespmem:s21], [sflag:$0xD], $0x2000, $0x38;
	[tilespmem:$0x1C800] =	vst v63  }
0x1c8: {  	s0 =	simm.s32 @!p0 $0x9  }
0x1c9: {  	_ =	swait.ge @!p0 [sflag:s0], $0x2000  }
0x1ca: {  	s13 =	sshll.u32 @!p0 s16, $0xA;
	[sflag:s0] =	ssyncset.done @!p0 $0x0  }
0x1cb: {  	[sflag:s0] =	ssyncadd.s32 @!p0 $0xFFFFE000;
	s0 =	sand.u32 @!p0 $0x3FFFFC00, s13  }
0x1cc: {  	s15 =	simm.s32 @!p0 $0xC800;
	s14 =	simm.s32 @!p0 $0x40;
	s13 =	sadd.s32 @!p0 $0x400, s0  }
0x1cd: {  	[tilespmem:s15], [sflag:$0x1] =	stream.indirect.gather @!p0 [hbm4b:s1+s14], $0x80, s13, s14, $0xb8;
	[tilespmem:$0x1C800] =	vst v63  }
0x1ce: {  	_ =	swait.ge [sflag:s30], $0x2000  }
0x1cf: {  	[sflag:s30] =	ssyncset.done $0x0  }
0x1d0: {  	s14 =	simm.s32 $0x16900;
	[sflag:s30] =	ssyncadd.s32 $0xFFFFE000  }
0x1d1: {  	v0 =	vld [tilespmem:s14+$0xF0]  }
0x1d2: {  	v1 =	vld [tilespmem:s14+$0xFFFFFF10]  }
0x1d3: {  	v2 =	vld [tilespmem:s14+$0xFFFFFF20]  }
0x1d4: {  	v3 =	vld [tilespmem:s14+$0xFFFFFF30]  }
0x1d5: {  	v6 =	vld [tilespmem:s14+$0xFFFFFF60]  }
0x1d6: {  	v4 =	vld [tilespmem:s14+$0xFFFFFF40]  }
0x1d7: {  	v5 =	vld [tilespmem:s14+$0xFFFFFF50];
	v0 =	vmul.f32 $1.131370830e+01, v0  }
0x1d8: {  	v8 =	vld [tilespmem:s14+$0xFFFFFF80];
	v1 =	vmul.f32 $1.131370830e+01, v1  }
0x1d9: {  	v7 =	vld [tilespmem:s14+$0xFFFFFF70];
	v2 =	vmul.f32 $1.131370830e+01, v2;
	[tilespmem:s14+$0xF0] =	vst v0  }
0x1da: {  	v6 =	vmul.f32 $1.131370830e+01, v6;
	v0 =	vld [tilespmem:s14+$0xFFFFFF90];
	[tilespmem:s14+$0xFFFFFF10] =	vst v1  }
0x1db: {  	v1 =	vmul.f32 $1.131370830e+01, v3;
	v3 =	vld [tilespmem:s14+$0xFFFFFFA0];
	[tilespmem:s14+$0xFFFFFF20] =	vst v2;
	v2 =	vmul.f32 $1.131370830e+01, v4  }
0x1dc: {  	[tilespmem:s14+$0xFFFFFF60] =	vst v6;
	v6 =	vld [tilespmem:s14+$0xFFFFFFF0]  }
0x1dd: {  	v4 =	vld [tilespmem:s14+$0xFFFFFFB0];
	[tilespmem:s14+$0xFFFFFF40] =	vst v2;
	v2 =	vmul.f32 $1.131370830e+01, v8  }
0x1de: {  	[tilespmem:s14+$0xFFFFFF30] =	vst v1;
	v1 =	vmul.f32 $1.131370830e+01, v5;
	v5 =	vld [tilespmem:s14+$0xFFFFFFC0]  }
0x1df: {  	v8 =	vld [tilespmem:s14+$0xFFFFFFD0];
	[tilespmem:s14+$0xFFFFFF80] =	vst v2;
	v2 =	vmul.f32 $1.131370830e+01, v7  }
0x1e0: {  	[tilespmem:s14+$0xFFFFFF50] =	vst v1;
	v1 =	vld [tilespmem:s14+$0xFFFFFFE0];
	v0 =	vmul.f32 $1.131370830e+01, v0  }
0x1e1: {  	v7 =	vld [tilespmem:s14+$0x30];
	v6 =	vmul.f32 $1.131370830e+01, v6;
	[tilespmem:s14+$0xFFFFFF70] =	vst v2  }
0x1e2: {  	v2 =	vmul.f32 $1.131370830e+01, v3;
	v3 =	vld [tilespmem:s14+$0x0];
	[tilespmem:s14+$0xFFFFFF90] =	vst v0  }
0x1e3: {  	v0 =	vmul.f32 $1.131370830e+01, v4;
	v4 =	vld [tilespmem:s14+$0x10];
	[tilespmem:s14+$0xFFFFFFF0] =	vst v6  }
0x1e4: {  	[tilespmem:s14+$0xFFFFFFA0] =	vst v2;
	v2 =	vmul.f32 $1.131370830e+01, v5;
	v5 =	vld [tilespmem:s14+$0x20]  }
0x1e5: {  	v6 =	vld [tilespmem:s14+$0x80];
	[tilespmem:s14+$0xFFFFFFB0] =	vst v0;
	v0 =	vmul.f32 $1.131370830e+01, v8  }
0x1e6: {  	v1 =	vmul.f32 $1.131370830e+01, v1;
	[tilespmem:s14+$0xFFFFFFC0] =	vst v2;
	v2 =	vld [tilespmem:s14+$0x40]  }
0x1e7: {  	[tilespmem:s14+$0xFFFFFFD0] =	vst v0;
	v0 =	vmul.f32 $1.131370830e+01, v3  }
0x1e8: {  	v3 =	vld [tilespmem:s14+$0x50];
	[tilespmem:s14+$0xFFFFFFE0] =	vst v1;
	v4 =	vmul.f32 $1.131370830e+01, v4  }
0x1e9: {  	v1 =	vld [tilespmem:s14+$0x60];
	[tilespmem:s14+$0x0] =	vst v0;
	v0 =	vmul.f32 $1.131370830e+01, v5  }
0x1ea: {  	v6 =	vmul.f32 $1.131370830e+01, v6;
	v5 =	vld [tilespmem:s14+$0x70];
	[tilespmem:s14+$0x10] =	vst v4  }
0x1eb: {  	v4 =	vmul.f32 $1.131370830e+01, v7;
	v7 =	vld [tilespmem:s14+$0x90];
	[tilespmem:s14+$0x20] =	vst v0;
	v0 =	vmul.f32 $1.131370830e+01, v2  }
0x1ec: {  	v8 =	vld [tilespmem:s14+$0xA0];
	[tilespmem:s14+$0x80] =	vst v6  }
0x1ed: {  	v2 =	vmul.f32 $1.131370830e+01, v3;
	[tilespmem:s14+$0x40] =	vst v0;
	v0 =	vld [tilespmem:s14+$0xB0]  }
0x1ee: {  	[tilespmem:s14+$0x30] =	vst v4;
	v3 =	vmul.f32 $1.131370830e+01, v1;
	v1 =	vld [tilespmem:s14+$0xC0]  }
0x1ef: {  	[tilespmem:s14+$0x50] =	vst v2;
	v4 =	vmul.f32 $1.131370830e+01, v5;
	v2 =	vld [tilespmem:s14+$0xD0]  }
0x1f0: {  	[tilespmem:s14+$0x60] =	vst v3;
	v3 =	vld [tilespmem:s14+$0xE0];
	v5 =	vmul.f32 $1.131370830e+01, v7  }
0x1f1: {  	s13 =	simm.s32 $0x0;
	s15 =	simm.s32 $0x16B00;
	v6 =	vmul.f32 $1.131370830e+01, v8;
	[tilespmem:s14+$0x70] =	vst v4;
	v4 =	vld [tilespmem:s14+$0xFFFFFF00]  }
.LBB2_13:
0x1f2: {  	v7 =	vld [tilespmem:s15+$0xF0];
	s13 =	sadd.s32 $0x4, s13;
	[tilespmem:s14+$0x90] =	vst v5;
	v0 =	vmul.f32 $1.131370830e+01, v0  }
0x1f3: {  	v5 =	vld [tilespmem:s15+$0xFFFFFF10];
	p1 =	slt.u32 s13, $0x3C;
	[tilespmem:s14+$0xA0] =	vst v6;
	v1 =	vmul.f32 $1.131370830e+01, v1  }
0x1f4: {  	v6 =	vld [tilespmem:s15+$0xFFFFFF20];
	[tilespmem:s14+$0xB0] =	vst v0;
	v0 =	vmul.f32 $1.131370830e+01, v2  }
0x1f5: {  	v2 =	vld [tilespmem:s15+$0xFFFFFF30];
	[tilespmem:s14+$0xC0] =	vst v1;
	v1 =	vmul.f32 $1.131370830e+01, v3  }
0x1f6: {  	v3 =	vld [tilespmem:s15+$0xFFFFFF40];
	v4 =	vmul.f32 $1.131370830e+01, v4;
	[tilespmem:s14+$0xD0] =	vst v0  }
0x1f7: {  	v0 =	vld [tilespmem:s15+$0xFFFFFF50];
	v7 =	vmul.f32 $1.131370830e+01, v7;
	[tilespmem:s14+$0xE0] =	vst v1  }
0x1f8: {  	v1 =	vmul.f32 $1.131370830e+01, v5;
	v5 =	vld [tilespmem:s15+$0xFFFFFF60];
	[tilespmem:s14+$0xFFFFFF00] =	vst v4;
	s14 =	smov.u32 s15  }
0x1f9: {  	v4 =	vmul.f32 $1.131370830e+01, v6;
	v6 =	vld [tilespmem:s15+$0xFFFFFF70];
	[tilespmem:s15+$0xF0] =	vst v7  }
0x1fa: {  	[tilespmem:s15+$0xFFFFFF10] =	vst v1;
	v1 =	vmul.f32 $1.131370830e+01, v2;
	v2 =	vld [tilespmem:s15+$0xFFFFFF80]  }
0x1fb: {  	[tilespmem:s15+$0xFFFFFF20] =	vst v4;
	v3 =	vmul.f32 $1.131370830e+01, v3;
	v4 =	vld [tilespmem:s15+$0xFFFFFF90]  }
0x1fc: {  	[tilespmem:s15+$0xFFFFFF30] =	vst v1;
	v0 =	vmul.f32 $1.131370830e+01, v0;
	v1 =	vld [tilespmem:s15+$0xFFFFFFA0]  }
0x1fd: {  	[tilespmem:s15+$0xFFFFFF40] =	vst v3;
	v3 =	vmul.f32 $1.131370830e+01, v5;
	v5 =	vld [tilespmem:s15+$0xFFFFFFB0]  }
0x1fe: {  	[tilespmem:s15+$0xFFFFFF50] =	vst v0;
	v0 =	vmul.f32 $1.131370830e+01, v6;
	v6 =	vld [tilespmem:s15+$0xFFFFFFC0]  }
0x1ff: {  	[tilespmem:s15+$0xFFFFFF60] =	vst v3;
	v2 =	vmul.f32 $1.131370830e+01, v2;
	v3 =	vld [tilespmem:s15+$0xFFFFFFD0]  }
0x200: {  	[tilespmem:s15+$0xFFFFFF70] =	vst v0;
	v0 =	vmul.f32 $1.131370830e+01, v4;
	v4 =	vld [tilespmem:s15+$0xFFFFFFE0]  }
0x201: {  	[tilespmem:s15+$0xFFFFFF80] =	vst v2;
	v1 =	vmul.f32 $1.131370830e+01, v1;
	v2 =	vld [tilespmem:s15+$0xFFFFFFF0]  }
0x202: {  	[tilespmem:s15+$0xFFFFFF90] =	vst v0;
	v0 =	vmul.f32 $1.131370830e+01, v5;
	v5 =	vld [tilespmem:s15+$0x0]  }
0x203: {  	[tilespmem:s15+$0xFFFFFFA0] =	vst v1;
	v1 =	vmul.f32 $1.131370830e+01, v6;
	v6 =	vld [tilespmem:s15+$0x10]  }
0x204: {  	[tilespmem:s15+$0xFFFFFFB0] =	vst v0;
	v0 =	vmul.f32 $1.131370830e+01, v3;
	v3 =	vld [tilespmem:s15+$0x20]  }
0x205: {  	[tilespmem:s15+$0xFFFFFFC0] =	vst v1;
	v1 =	vmul.f32 $1.131370830e+01, v4;
	v4 =	vld [tilespmem:s15+$0x30]  }
0x206: {  	[tilespmem:s15+$0xFFFFFFD0] =	vst v0;
	v0 =	vmul.f32 $1.131370830e+01, v2;
	v2 =	vld [tilespmem:s15+$0x40]  }
0x207: {  	[tilespmem:s15+$0xFFFFFFE0] =	vst v1;
	v1 =	vmul.f32 $1.131370830e+01, v5;
	v5 =	vld [tilespmem:s15+$0x50]  }
0x208: {  	[tilespmem:s15+$0xFFFFFFF0] =	vst v0;
	v0 =	vmul.f32 $1.131370830e+01, v6;
	v6 =	vld [tilespmem:s15+$0x60]  }
0x209: {  	[tilespmem:s15+$0x0] =	vst v1;
	v1 =	vmul.f32 $1.131370830e+01, v3;
	v3 =	vld [tilespmem:s15+$0x70]  }
0x20a: {  	[tilespmem:s15+$0x10] =	vst v0;
	v0 =	vmul.f32 $1.131370830e+01, v4;
	v4 =	vld [tilespmem:s15+$0x80]  }
0x20b: {  	[tilespmem:s15+$0x20] =	vst v1;
	v1 =	vmul.f32 $1.131370830e+01, v2;
	v7 =	vld [tilespmem:s15+$0x90]  }
0x20c: {  	[tilespmem:s15+$0x30] =	vst v0;
	v2 =	vmul.f32 $1.131370830e+01, v5;
	v8 =	vld [tilespmem:s15+$0xA0]  }
.Ltmp7:
0x20d: {  	[tilespmem:s15+$0x40] =	vst v1;
	v5 =	vmul.f32 $1.131370830e+01, v6;
	v0 =	vld [tilespmem:s15+$0xB0];
	(pc) =	sbr.rel @p1 .LBB2_13-.Ltmp7, $4  }
0x20e: {  	[tilespmem:s15+$0x50] =	vst v2;
	v3 =	vmul.f32 $1.131370830e+01, v3;
	v1 =	vld [tilespmem:s15+$0xC0]  }
0x20f: {  	[tilespmem:s15+$0x60] =	vst v5;
	v6 =	vmul.f32 $1.131370830e+01, v4;
	v2 =	vld [tilespmem:s15+$0xD0]  }
0x210: {  	[tilespmem:s15+$0x70] =	vst v3;
	v5 =	vmul.f32 $1.131370830e+01, v7;
	v3 =	vld [tilespmem:s15+$0xE0]  }
0x211: {  	s15 =	sadd.s32 $0x200, s15;
	v4 =	vld [tilespmem:s14+$0xFFFFFF00];
	[tilespmem:s14+$0x80] =	vst v6;
	v6 =	vmul.f32 $1.131370830e+01, v8  }
0x212: {  	[tilespmem:s14+$0x90] =	vst v5;
	v0 =	vmul.f32 $1.131370830e+01, v0  }
0x213: {  	[tilespmem:s14+$0xA0] =	vst v6;
	v1 =	vmul.f32 $1.131370830e+01, v1  }
0x214: {  	[tilespmem:s14+$0xB0] =	vst v0;
	v0 =	vmul.f32 $1.131370830e+01, v2  }
0x215: {  	s11 =	sshll.u32 s11, $0xD;
	[tilespmem:s14+$0xC0] =	vst v1;
	v1 =	vmul.f32 $1.131370830e+01, v3  }
0x216: {  	s11 =	sadd.s32 s6, s11;
	v2 =	vmul.f32 $1.131370830e+01, v4;
	[tilespmem:s14+$0xD0] =	vst v0  }
0x217: {  	s11 =	sshrl.u32 s11, $0x3;
	[tilespmem:s14+$0xE0] =	vst v1  }
0x218: {  	s11 =	sadd.s32 s3, s11;
	[tilespmem:s14+$0xFFFFFF00] =	vst v2  }
0x219: {  	[hbm4b:s11+s4] =	stream.linear.scatter [tilespmem:s23], [sflag:$0xE], $0x2000, $0x38;
	[tilespmem:$0x1C800] =	vst v63  }
0x21a: {  	s11 =	simm.s32 @!p0 $0xA  }
0x21b: {  	_ =	swait.ge @!p0 [sflag:s11], $0x2000  }
0x21c: {  	s13 =	simm.s32 @!p0 $0x40;
	[sflag:s11] =	ssyncset.done @!p0 $0x0  }
0x21d: {  	s14 =	simm.s32 @!p0 $0xE800;
	[sflag:s11] =	ssyncadd.s32 @!p0 $0xFFFFE000;
	s11 =	sadd.s32 @!p0 $0x480, s0  }
0x21e: {  	[tilespmem:s14], [sflag:$0x2] =	stream.indirect.gather @!p0 [hbm4b:s1+s13], $0x80, s11, s13, $0xb8;
	[tilespmem:$0x1C800] =	vst v63  }
0x21f: {  	_ =	swait.ge [sflag:s31], $0x2000  }
0x220: {  	[sflag:s31] =	ssyncset.done $0x0  }
0x221: {  	s11 =	simm.s32 $0x18900;
	[sflag:s31] =	ssyncadd.s32 $0xFFFFE000  }
0x222: {  	v0 =	vld [tilespmem:s11+$0xF0]  }
0x223: {  	v1 =	vld [tilespmem:s11+$0xFFFFFF10]  }
0x224: {  	v2 =	vld [tilespmem:s11+$0xFFFFFF20]  }
0x225: {  	v3 =	vld [tilespmem:s11+$0xFFFFFF30]  }
0x226: {  	v6 =	vld [tilespmem:s11+$0xFFFFFF60]  }
0x227: {  	v4 =	vld [tilespmem:s11+$0xFFFFFF40]  }
0x228: {  	v5 =	vld [tilespmem:s11+$0xFFFFFF50];
	v0 =	vmul.f32 $1.131370830e+01, v0  }
0x229: {  	v8 =	vld [tilespmem:s11+$0xFFFFFF80];
	v1 =	vmul.f32 $1.131370830e+01, v1  }
0x22a: {  	v7 =	vld [tilespmem:s11+$0xFFFFFF70];
	v2 =	vmul.f32 $1.131370830e+01, v2;
	[tilespmem:s11+$0xF0] =	vst v0  }
0x22b: {  	v6 =	vmul.f32 $1.131370830e+01, v6;
	v0 =	vld [tilespmem:s11+$0xFFFFFF90];
	[tilespmem:s11+$0xFFFFFF10] =	vst v1  }
0x22c: {  	v1 =	vmul.f32 $1.131370830e+01, v3;
	v3 =	vld [tilespmem:s11+$0xFFFFFFA0];
	[tilespmem:s11+$0xFFFFFF20] =	vst v2;
	v2 =	vmul.f32 $1.131370830e+01, v4  }
0x22d: {  	[tilespmem:s11+$0xFFFFFF60] =	vst v6;
	v6 =	vld [tilespmem:s11+$0xFFFFFFF0]  }
0x22e: {  	v4 =	vld [tilespmem:s11+$0xFFFFFFB0];
	[tilespmem:s11+$0xFFFFFF40] =	vst v2;
	v2 =	vmul.f32 $1.131370830e+01, v8  }
0x22f: {  	[tilespmem:s11+$0xFFFFFF30] =	vst v1;
	v1 =	vmul.f32 $1.131370830e+01, v5;
	v5 =	vld [tilespmem:s11+$0xFFFFFFC0]  }
0x230: {  	v8 =	vld [tilespmem:s11+$0xFFFFFFD0];
	[tilespmem:s11+$0xFFFFFF80] =	vst v2;
	v2 =	vmul.f32 $1.131370830e+01, v7  }
0x231: {  	[tilespmem:s11+$0xFFFFFF50] =	vst v1;
	v1 =	vld [tilespmem:s11+$0xFFFFFFE0];
	v0 =	vmul.f32 $1.131370830e+01, v0  }
0x232: {  	v7 =	vld [tilespmem:s11+$0x30];
	v6 =	vmul.f32 $1.131370830e+01, v6;
	[tilespmem:s11+$0xFFFFFF70] =	vst v2  }
0x233: {  	v2 =	vmul.f32 $1.131370830e+01, v3;
	v3 =	vld [tilespmem:s11+$0x0];
	[tilespmem:s11+$0xFFFFFF90] =	vst v0  }
0x234: {  	v0 =	vmul.f32 $1.131370830e+01, v4;
	v4 =	vld [tilespmem:s11+$0x10];
	[tilespmem:s11+$0xFFFFFFF0] =	vst v6  }
0x235: {  	[tilespmem:s11+$0xFFFFFFA0] =	vst v2;
	v2 =	vmul.f32 $1.131370830e+01, v5;
	v5 =	vld [tilespmem:s11+$0x20]  }
0x236: {  	v6 =	vld [tilespmem:s11+$0x80];
	[tilespmem:s11+$0xFFFFFFB0] =	vst v0;
	v0 =	vmul.f32 $1.131370830e+01, v8  }
0x237: {  	v1 =	vmul.f32 $1.131370830e+01, v1;
	[tilespmem:s11+$0xFFFFFFC0] =	vst v2;
	v2 =	vld [tilespmem:s11+$0x40]  }
0x238: {  	[tilespmem:s11+$0xFFFFFFD0] =	vst v0;
	v0 =	vmul.f32 $1.131370830e+01, v3  }
0x239: {  	v3 =	vld [tilespmem:s11+$0x50];
	[tilespmem:s11+$0xFFFFFFE0] =	vst v1;
	v4 =	vmul.f32 $1.131370830e+01, v4  }
0x23a: {  	v1 =	vld [tilespmem:s11+$0x60];
	[tilespmem:s11+$0x0] =	vst v0;
	v0 =	vmul.f32 $1.131370830e+01, v5  }
0x23b: {  	v6 =	vmul.f32 $1.131370830e+01, v6;
	v5 =	vld [tilespmem:s11+$0x70];
	[tilespmem:s11+$0x10] =	vst v4  }
0x23c: {  	v4 =	vmul.f32 $1.131370830e+01, v7;
	v7 =	vld [tilespmem:s11+$0x90];
	[tilespmem:s11+$0x20] =	vst v0;
	v0 =	vmul.f32 $1.131370830e+01, v2  }
0x23d: {  	v8 =	vld [tilespmem:s11+$0xA0];
	[tilespmem:s11+$0x80] =	vst v6  }
0x23e: {  	v2 =	vmul.f32 $1.131370830e+01, v3;
	[tilespmem:s11+$0x40] =	vst v0;
	v0 =	vld [tilespmem:s11+$0xB0]  }
0x23f: {  	[tilespmem:s11+$0x30] =	vst v4;
	v3 =	vmul.f32 $1.131370830e+01, v1;
	v1 =	vld [tilespmem:s11+$0xC0]  }
0x240: {  	[tilespmem:s11+$0x50] =	vst v2;
	v4 =	vmul.f32 $1.131370830e+01, v5;
	v2 =	vld [tilespmem:s11+$0xD0]  }
0x241: {  	[tilespmem:s11+$0x60] =	vst v3;
	v3 =	vld [tilespmem:s11+$0xE0];
	v5 =	vmul.f32 $1.131370830e+01, v7  }
0x242: {  	s13 =	simm.s32 $0x0;
	s14 =	simm.s32 $0x18B00;
	v6 =	vmul.f32 $1.131370830e+01, v8;
	[tilespmem:s11+$0x70] =	vst v4;
	v4 =	vld [tilespmem:s11+$0xFFFFFF00]  }
.LBB2_15:
0x243: {  	v7 =	vld [tilespmem:s14+$0xF0];
	s13 =	sadd.s32 $0x4, s13;
	[tilespmem:s11+$0x90] =	vst v5;
	v0 =	vmul.f32 $1.131370830e+01, v0  }
0x244: {  	v5 =	vld [tilespmem:s14+$0xFFFFFF10];
	p1 =	slt.u32 s13, $0x3C;
	[tilespmem:s11+$0xA0] =	vst v6;
	v1 =	vmul.f32 $1.131370830e+01, v1  }
0x245: {  	v6 =	vld [tilespmem:s14+$0xFFFFFF20];
	[tilespmem:s11+$0xB0] =	vst v0;
	v0 =	vmul.f32 $1.131370830e+01, v2  }
0x246: {  	v2 =	vld [tilespmem:s14+$0xFFFFFF30];
	[tilespmem:s11+$0xC0] =	vst v1;
	v1 =	vmul.f32 $1.131370830e+01, v3  }
0x247: {  	v3 =	vld [tilespmem:s14+$0xFFFFFF40];
	v4 =	vmul.f32 $1.131370830e+01, v4;
	[tilespmem:s11+$0xD0] =	vst v0  }
0x248: {  	v0 =	vld [tilespmem:s14+$0xFFFFFF50];
	v7 =	vmul.f32 $1.131370830e+01, v7;
	[tilespmem:s11+$0xE0] =	vst v1  }
0x249: {  	v1 =	vmul.f32 $1.131370830e+01, v5;
	v5 =	vld [tilespmem:s14+$0xFFFFFF60];
	[tilespmem:s11+$0xFFFFFF00] =	vst v4;
	s11 =	smov.u32 s14  }
0x24a: {  	v4 =	vmul.f32 $1.131370830e+01, v6;
	v6 =	vld [tilespmem:s14+$0xFFFFFF70];
	[tilespmem:s14+$0xF0] =	vst v7  }
0x24b: {  	[tilespmem:s14+$0xFFFFFF10] =	vst v1;
	v1 =	vmul.f32 $1.131370830e+01, v2;
	v2 =	vld [tilespmem:s14+$0xFFFFFF80]  }
0x24c: {  	[tilespmem:s14+$0xFFFFFF20] =	vst v4;
	v3 =	vmul.f32 $1.131370830e+01, v3;
	v4 =	vld [tilespmem:s14+$0xFFFFFF90]  }
0x24d: {  	[tilespmem:s14+$0xFFFFFF30] =	vst v1;
	v0 =	vmul.f32 $1.131370830e+01, v0;
	v1 =	vld [tilespmem:s14+$0xFFFFFFA0]  }
0x24e: {  	[tilespmem:s14+$0xFFFFFF40] =	vst v3;
	v3 =	vmul.f32 $1.131370830e+01, v5;
	v5 =	vld [tilespmem:s14+$0xFFFFFFB0]  }
0x24f: {  	[tilespmem:s14+$0xFFFFFF50] =	vst v0;
	v0 =	vmul.f32 $1.131370830e+01, v6;
	v6 =	vld [tilespmem:s14+$0xFFFFFFC0]  }
0x250: {  	[tilespmem:s14+$0xFFFFFF60] =	vst v3;
	v2 =	vmul.f32 $1.131370830e+01, v2;
	v3 =	vld [tilespmem:s14+$0xFFFFFFD0]  }
0x251: {  	[tilespmem:s14+$0xFFFFFF70] =	vst v0;
	v0 =	vmul.f32 $1.131370830e+01, v4;
	v4 =	vld [tilespmem:s14+$0xFFFFFFE0]  }
0x252: {  	[tilespmem:s14+$0xFFFFFF80] =	vst v2;
	v1 =	vmul.f32 $1.131370830e+01, v1;
	v2 =	vld [tilespmem:s14+$0xFFFFFFF0]  }
0x253: {  	[tilespmem:s14+$0xFFFFFF90] =	vst v0;
	v0 =	vmul.f32 $1.131370830e+01, v5;
	v5 =	vld [tilespmem:s14+$0x0]  }
0x254: {  	[tilespmem:s14+$0xFFFFFFA0] =	vst v1;
	v1 =	vmul.f32 $1.131370830e+01, v6;
	v6 =	vld [tilespmem:s14+$0x10]  }
0x255: {  	[tilespmem:s14+$0xFFFFFFB0] =	vst v0;
	v0 =	vmul.f32 $1.131370830e+01, v3;
	v3 =	vld [tilespmem:s14+$0x20]  }
0x256: {  	[tilespmem:s14+$0xFFFFFFC0] =	vst v1;
	v1 =	vmul.f32 $1.131370830e+01, v4;
	v4 =	vld [tilespmem:s14+$0x30]  }
0x257: {  	[tilespmem:s14+$0xFFFFFFD0] =	vst v0;
	v0 =	vmul.f32 $1.131370830e+01, v2;
	v2 =	vld [tilespmem:s14+$0x40]  }
0x258: {  	[tilespmem:s14+$0xFFFFFFE0] =	vst v1;
	v1 =	vmul.f32 $1.131370830e+01, v5;
	v5 =	vld [tilespmem:s14+$0x50]  }
0x259: {  	[tilespmem:s14+$0xFFFFFFF0] =	vst v0;
	v0 =	vmul.f32 $1.131370830e+01, v6;
	v6 =	vld [tilespmem:s14+$0x60]  }
0x25a: {  	[tilespmem:s14+$0x0] =	vst v1;
	v1 =	vmul.f32 $1.131370830e+01, v3;
	v3 =	vld [tilespmem:s14+$0x70]  }
0x25b: {  	[tilespmem:s14+$0x10] =	vst v0;
	v0 =	vmul.f32 $1.131370830e+01, v4;
	v4 =	vld [tilespmem:s14+$0x80]  }
0x25c: {  	[tilespmem:s14+$0x20] =	vst v1;
	v1 =	vmul.f32 $1.131370830e+01, v2;
	v7 =	vld [tilespmem:s14+$0x90]  }
0x25d: {  	[tilespmem:s14+$0x30] =	vst v0;
	v2 =	vmul.f32 $1.131370830e+01, v5;
	v8 =	vld [tilespmem:s14+$0xA0]  }
.Ltmp8:
0x25e: {  	[tilespmem:s14+$0x40] =	vst v1;
	v5 =	vmul.f32 $1.131370830e+01, v6;
	v0 =	vld [tilespmem:s14+$0xB0];
	(pc) =	sbr.rel @p1 .LBB2_15-.Ltmp8, $4  }
0x25f: {  	[tilespmem:s14+$0x50] =	vst v2;
	v3 =	vmul.f32 $1.131370830e+01, v3;
	v1 =	vld [tilespmem:s14+$0xC0]  }
0x260: {  	[tilespmem:s14+$0x60] =	vst v5;
	v6 =	vmul.f32 $1.131370830e+01, v4;
	v2 =	vld [tilespmem:s14+$0xD0]  }
0x261: {  	[tilespmem:s14+$0x70] =	vst v3;
	v5 =	vmul.f32 $1.131370830e+01, v7;
	v3 =	vld [tilespmem:s14+$0xE0]  }
0x262: {  	s14 =	sadd.s32 $0x200, s14;
	v4 =	vld [tilespmem:s11+$0xFFFFFF00];
	[tilespmem:s11+$0x80] =	vst v6;
	v6 =	vmul.f32 $1.131370830e+01, v8  }
0x263: {  	[tilespmem:s11+$0x90] =	vst v5;
	v0 =	vmul.f32 $1.131370830e+01, v0  }
0x264: {  	[tilespmem:s11+$0xA0] =	vst v6;
	v1 =	vmul.f32 $1.131370830e+01, v1  }
0x265: {  	[tilespmem:s11+$0xB0] =	vst v0;
	v0 =	vmul.f32 $1.131370830e+01, v2  }
0x266: {  	s10 =	sshll.u32 s10, $0xD;
	[tilespmem:s11+$0xC0] =	vst v1;
	v1 =	vmul.f32 $1.131370830e+01, v3  }
0x267: {  	s10 =	sadd.s32 s6, s10;
	v2 =	vmul.f32 $1.131370830e+01, v4;
	[tilespmem:s11+$0xD0] =	vst v0  }
0x268: {  	s10 =	sshrl.u32 s10, $0x3;
	[tilespmem:s11+$0xE0] =	vst v1  }
0x269: {  	s10 =	sadd.s32 s3, s10;
	[tilespmem:s11+$0xFFFFFF00] =	vst v2  }
0x26a: {  	[hbm4b:s10+s4] =	stream.linear.scatter [tilespmem:s25], [sflag:$0xF], $0x2000, $0x38;
	[tilespmem:$0x1C800] =	vst v63  }
0x26b: {  	s10 =	simm.s32 @!p0 $0xB  }
0x26c: {  	_ =	swait.ge @!p0 [sflag:s10], $0x2000  }
0x26d: {  	s0 =	sadd.s32 @!p0 $0x500, s0;
	[sflag:s10] =	ssyncset.done @!p0 $0x0  }
0x26e: {  	s11 =	simm.s32 @!p0 $0x10800;
	[sflag:s10] =	ssyncadd.s32 @!p0 $0xFFFFE000;
	s10 =	simm.s32 @!p0 $0x40  }
0x26f: {  	[tilespmem:s11], [sflag:$0x3] =	stream.indirect.gather @!p0 [hbm4b:s1+s10], $0x80, s0, s10, $0xb8;
	[tilespmem:$0x1C800] =	vst v63  }
0x270: {  	_ =	swait.ge [sflag:s2], $0x2000  }
0x271: {  	[sflag:s2] =	ssyncset.done $0x0  }
0x272: {  	s0 =	simm.s32 $0x1A900;
	[sflag:s2] =	ssyncadd.s32 $0xFFFFE000  }
0x273: {  	v0 =	vld [tilespmem:s0+$0xF0]  }
0x274: {  	v1 =	vld [tilespmem:s0+$0xFFFFFF10]  }
0x275: {  	v2 =	vld [tilespmem:s0+$0xFFFFFF20]  }
0x276: {  	v3 =	vld [tilespmem:s0+$0xFFFFFF30]  }
0x277: {  	v6 =	vld [tilespmem:s0+$0xFFFFFF60]  }
0x278: {  	v4 =	vld [tilespmem:s0+$0xFFFFFF40]  }
0x279: {  	v5 =	vld [tilespmem:s0+$0xFFFFFF50];
	v0 =	vmul.f32 $1.131370830e+01, v0  }
0x27a: {  	v8 =	vld [tilespmem:s0+$0xFFFFFF80];
	v1 =	vmul.f32 $1.131370830e+01, v1  }
0x27b: {  	v7 =	vld [tilespmem:s0+$0xFFFFFF70];
	v2 =	vmul.f32 $1.131370830e+01, v2;
	[tilespmem:s0+$0xF0] =	vst v0  }
0x27c: {  	v6 =	vmul.f32 $1.131370830e+01, v6;
	v0 =	vld [tilespmem:s0+$0xFFFFFF90];
	[tilespmem:s0+$0xFFFFFF10] =	vst v1  }
0x27d: {  	v1 =	vmul.f32 $1.131370830e+01, v3;
	v3 =	vld [tilespmem:s0+$0xFFFFFFA0];
	[tilespmem:s0+$0xFFFFFF20] =	vst v2;
	v2 =	vmul.f32 $1.131370830e+01, v4  }
0x27e: {  	[tilespmem:s0+$0xFFFFFF60] =	vst v6;
	v6 =	vld [tilespmem:s0+$0xFFFFFFF0]  }
0x27f: {  	v4 =	vld [tilespmem:s0+$0xFFFFFFB0];
	[tilespmem:s0+$0xFFFFFF40] =	vst v2;
	v2 =	vmul.f32 $1.131370830e+01, v8  }
0x280: {  	[tilespmem:s0+$0xFFFFFF30] =	vst v1;
	v1 =	vmul.f32 $1.131370830e+01, v5;
	v5 =	vld [tilespmem:s0+$0xFFFFFFC0]  }
0x281: {  	v8 =	vld [tilespmem:s0+$0xFFFFFFD0];
	[tilespmem:s0+$0xFFFFFF80] =	vst v2;
	v2 =	vmul.f32 $1.131370830e+01, v7  }
0x282: {  	[tilespmem:s0+$0xFFFFFF50] =	vst v1;
	v1 =	vld [tilespmem:s0+$0xFFFFFFE0];
	v0 =	vmul.f32 $1.131370830e+01, v0  }
0x283: {  	v7 =	vld [tilespmem:s0+$0x30];
	v6 =	vmul.f32 $1.131370830e+01, v6;
	[tilespmem:s0+$0xFFFFFF70] =	vst v2  }
0x284: {  	v2 =	vmul.f32 $1.131370830e+01, v3;
	v3 =	vld [tilespmem:s0+$0x0];
	[tilespmem:s0+$0xFFFFFF90] =	vst v0  }
0x285: {  	v0 =	vmul.f32 $1.131370830e+01, v4;
	v4 =	vld [tilespmem:s0+$0x10];
	[tilespmem:s0+$0xFFFFFFF0] =	vst v6  }
0x286: {  	[tilespmem:s0+$0xFFFFFFA0] =	vst v2;
	v2 =	vmul.f32 $1.131370830e+01, v5;
	v5 =	vld [tilespmem:s0+$0x20]  }
0x287: {  	v6 =	vld [tilespmem:s0+$0x80];
	[tilespmem:s0+$0xFFFFFFB0] =	vst v0;
	v0 =	vmul.f32 $1.131370830e+01, v8  }
0x288: {  	v1 =	vmul.f32 $1.131370830e+01, v1;
	[tilespmem:s0+$0xFFFFFFC0] =	vst v2;
	v2 =	vld [tilespmem:s0+$0x40]  }
0x289: {  	[tilespmem:s0+$0xFFFFFFD0] =	vst v0;
	v0 =	vmul.f32 $1.131370830e+01, v3  }
0x28a: {  	v3 =	vld [tilespmem:s0+$0x50];
	[tilespmem:s0+$0xFFFFFFE0] =	vst v1;
	v4 =	vmul.f32 $1.131370830e+01, v4  }
0x28b: {  	v1 =	vld [tilespmem:s0+$0x60];
	[tilespmem:s0+$0x0] =	vst v0;
	v0 =	vmul.f32 $1.131370830e+01, v5  }
0x28c: {  	v6 =	vmul.f32 $1.131370830e+01, v6;
	v5 =	vld [tilespmem:s0+$0x70];
	[tilespmem:s0+$0x10] =	vst v4  }
0x28d: {  	v4 =	vmul.f32 $1.131370830e+01, v7;
	v7 =	vld [tilespmem:s0+$0x90];
	[tilespmem:s0+$0x20] =	vst v0;
	v0 =	vmul.f32 $1.131370830e+01, v2  }
0x28e: {  	v8 =	vld [tilespmem:s0+$0xA0];
	[tilespmem:s0+$0x80] =	vst v6  }
0x28f: {  	v2 =	vmul.f32 $1.131370830e+01, v3;
	[tilespmem:s0+$0x40] =	vst v0;
	v0 =	vld [tilespmem:s0+$0xB0]  }
0x290: {  	[tilespmem:s0+$0x30] =	vst v4;
	v3 =	vmul.f32 $1.131370830e+01, v1;
	v1 =	vld [tilespmem:s0+$0xC0]  }
0x291: {  	[tilespmem:s0+$0x50] =	vst v2;
	v4 =	vmul.f32 $1.131370830e+01, v5;
	v2 =	vld [tilespmem:s0+$0xD0]  }
0x292: {  	[tilespmem:s0+$0x60] =	vst v3;
	v3 =	vld [tilespmem:s0+$0xE0];
	v5 =	vmul.f32 $1.131370830e+01, v7  }
0x293: {  	s10 =	simm.s32 $0x0;
	s11 =	simm.s32 $0x1AB00;
	v6 =	vmul.f32 $1.131370830e+01, v8;
	[tilespmem:s0+$0x70] =	vst v4;
	v4 =	vld [tilespmem:s0+$0xFFFFFF00]  }
.LBB2_17:
0x294: {  	v7 =	vld [tilespmem:s11+$0xF0];
	s10 =	sadd.s32 $0x4, s10;
	[tilespmem:s0+$0x90] =	vst v5;
	v0 =	vmul.f32 $1.131370830e+01, v0  }
0x295: {  	v5 =	vld [tilespmem:s11+$0xFFFFFF10];
	p1 =	slt.u32 s10, $0x3C;
	[tilespmem:s0+$0xA0] =	vst v6;
	v1 =	vmul.f32 $1.131370830e+01, v1  }
0x296: {  	v6 =	vld [tilespmem:s11+$0xFFFFFF20];
	[tilespmem:s0+$0xB0] =	vst v0;
	v0 =	vmul.f32 $1.131370830e+01, v2  }
0x297: {  	v2 =	vld [tilespmem:s11+$0xFFFFFF30];
	[tilespmem:s0+$0xC0] =	vst v1;
	v1 =	vmul.f32 $1.131370830e+01, v3  }
0x298: {  	v3 =	vld [tilespmem:s11+$0xFFFFFF40];
	v4 =	vmul.f32 $1.131370830e+01, v4;
	[tilespmem:s0+$0xD0] =	vst v0  }
0x299: {  	v0 =	vld [tilespmem:s11+$0xFFFFFF50];
	v7 =	vmul.f32 $1.131370830e+01, v7;
	[tilespmem:s0+$0xE0] =	vst v1  }
0x29a: {  	v1 =	vmul.f32 $1.131370830e+01, v5;
	v5 =	vld [tilespmem:s11+$0xFFFFFF60];
	[tilespmem:s0+$0xFFFFFF00] =	vst v4;
	s0 =	smov.u32 s11  }
0x29b: {  	v4 =	vmul.f32 $1.131370830e+01, v6;
	v6 =	vld [tilespmem:s11+$0xFFFFFF70];
	[tilespmem:s11+$0xF0] =	vst v7  }
0x29c: {  	[tilespmem:s11+$0xFFFFFF10] =	vst v1;
	v1 =	vmul.f32 $1.131370830e+01, v2;
	v2 =	vld [tilespmem:s11+$0xFFFFFF80]  }
0x29d: {  	[tilespmem:s11+$0xFFFFFF20] =	vst v4;
	v3 =	vmul.f32 $1.131370830e+01, v3;
	v4 =	vld [tilespmem:s11+$0xFFFFFF90]  }
0x29e: {  	[tilespmem:s11+$0xFFFFFF30] =	vst v1;
	v0 =	vmul.f32 $1.131370830e+01, v0;
	v1 =	vld [tilespmem:s11+$0xFFFFFFA0]  }
0x29f: {  	[tilespmem:s11+$0xFFFFFF40] =	vst v3;
	v3 =	vmul.f32 $1.131370830e+01, v5;
	v5 =	vld [tilespmem:s11+$0xFFFFFFB0]  }
0x2a0: {  	[tilespmem:s11+$0xFFFFFF50] =	vst v0;
	v0 =	vmul.f32 $1.131370830e+01, v6;
	v6 =	vld [tilespmem:s11+$0xFFFFFFC0]  }
0x2a1: {  	[tilespmem:s11+$0xFFFFFF60] =	vst v3;
	v2 =	vmul.f32 $1.131370830e+01, v2;
	v3 =	vld [tilespmem:s11+$0xFFFFFFD0]  }
0x2a2: {  	[tilespmem:s11+$0xFFFFFF70] =	vst v0;
	v0 =	vmul.f32 $1.131370830e+01, v4;
	v4 =	vld [tilespmem:s11+$0xFFFFFFE0]  }
0x2a3: {  	[tilespmem:s11+$0xFFFFFF80] =	vst v2;
	v1 =	vmul.f32 $1.131370830e+01, v1;
	v2 =	vld [tilespmem:s11+$0xFFFFFFF0]  }
0x2a4: {  	[tilespmem:s11+$0xFFFFFF90] =	vst v0;
	v0 =	vmul.f32 $1.131370830e+01, v5;
	v5 =	vld [tilespmem:s11+$0x0]  }
0x2a5: {  	[tilespmem:s11+$0xFFFFFFA0] =	vst v1;
	v1 =	vmul.f32 $1.131370830e+01, v6;
	v6 =	vld [tilespmem:s11+$0x10]  }
0x2a6: {  	[tilespmem:s11+$0xFFFFFFB0] =	vst v0;
	v0 =	vmul.f32 $1.131370830e+01, v3;
	v3 =	vld [tilespmem:s11+$0x20]  }
0x2a7: {  	[tilespmem:s11+$0xFFFFFFC0] =	vst v1;
	v1 =	vmul.f32 $1.131370830e+01, v4;
	v4 =	vld [tilespmem:s11+$0x30]  }
0x2a8: {  	[tilespmem:s11+$0xFFFFFFD0] =	vst v0;
	v0 =	vmul.f32 $1.131370830e+01, v2;
	v2 =	vld [tilespmem:s11+$0x40]  }
0x2a9: {  	[tilespmem:s11+$0xFFFFFFE0] =	vst v1;
	v1 =	vmul.f32 $1.131370830e+01, v5;
	v5 =	vld [tilespmem:s11+$0x50]  }
0x2aa: {  	[tilespmem:s11+$0xFFFFFFF0] =	vst v0;
	v0 =	vmul.f32 $1.131370830e+01, v6;
	v6 =	vld [tilespmem:s11+$0x60]  }
0x2ab: {  	[tilespmem:s11+$0x0] =	vst v1;
	v1 =	vmul.f32 $1.131370830e+01, v3;
	v3 =	vld [tilespmem:s11+$0x70]  }
0x2ac: {  	[tilespmem:s11+$0x10] =	vst v0;
	v0 =	vmul.f32 $1.131370830e+01, v4;
	v4 =	vld [tilespmem:s11+$0x80]  }
0x2ad: {  	[tilespmem:s11+$0x20] =	vst v1;
	v1 =	vmul.f32 $1.131370830e+01, v2;
	v7 =	vld [tilespmem:s11+$0x90]  }
0x2ae: {  	[tilespmem:s11+$0x30] =	vst v0;
	v2 =	vmul.f32 $1.131370830e+01, v5;
	v8 =	vld [tilespmem:s11+$0xA0]  }
.Ltmp9:
0x2af: {  	[tilespmem:s11+$0x40] =	vst v1;
	v5 =	vmul.f32 $1.131370830e+01, v6;
	v0 =	vld [tilespmem:s11+$0xB0];
	(pc) =	sbr.rel @p1 .LBB2_17-.Ltmp9, $4  }
0x2b0: {  	[tilespmem:s11+$0x50] =	vst v2;
	v3 =	vmul.f32 $1.131370830e+01, v3;
	v1 =	vld [tilespmem:s11+$0xC0]  }
0x2b1: {  	[tilespmem:s11+$0x60] =	vst v5;
	v6 =	vmul.f32 $1.131370830e+01, v4;
	v2 =	vld [tilespmem:s11+$0xD0]  }
0x2b2: {  	[tilespmem:s11+$0x70] =	vst v3;
	v5 =	vmul.f32 $1.131370830e+01, v7;
	v3 =	vld [tilespmem:s11+$0xE0]  }
0x2b3: {  	s11 =	sadd.s32 $0x200, s11;
	v4 =	vld [tilespmem:s0+$0xFFFFFF00];
	[tilespmem:s0+$0x80] =	vst v6;
	v6 =	vmul.f32 $1.131370830e+01, v8  }
0x2b4: {  	[tilespmem:s0+$0x90] =	vst v5;
	v0 =	vmul.f32 $1.131370830e+01, v0  }
0x2b5: {  	[tilespmem:s0+$0xA0] =	vst v6;
	v1 =	vmul.f32 $1.131370830e+01, v1  }
0x2b6: {  	[tilespmem:s0+$0xB0] =	vst v0;
	v61 =	vmul.f32 $1.131370830e+01, v2  }
.Ltmp10:
0x2b7: {  	s5 =	sshll.u32 s5, $0xD;
	[tilespmem:s0+$0xC0] =	vst v1;
	v62 =	vmul.f32 $1.131370830e+01, v3;
	(pc) =	sbr.rel @p0 .LBB2_20-.Ltmp10, $4  }
0x2b8: {  	s5 =	sadd.s32 s6, s5;
	v63 =	vmul.f32 $1.131370830e+01, v4;
	[tilespmem:s0+$0xD0] =	vst v61  }
0x2b9: {  	s5 =	sshrl.u32 s5, $0x3;
	[tilespmem:s0+$0xE0] =	vst v62  }
0x2ba: {  	s17 =	sadd.s32 s3, s5;
	[tilespmem:s0+$0xFFFFFF00] =	vst v63  }
0x2bb: {  	[hbm4b:s17+s4] =	stream.linear.scatter [tilespmem:s28], [sflag:$0x10], $0x2000, $0x38;
	[tilespmem:$0x1C800] =	vst v63  }
.Ltmp11:
0x2bc: {  	(pc) =	sbr.rel .LBB2_2-.Ltmp11, $4  }
0x2bd: {  	_ =	swait.ge [sflag:s18], $0x2000;
	s0 =	sshll.u32 s16, $0xA  }
0x2be: {  	[sflag:s18] =	ssyncset.done $0x0;
	s0 =	sand.u32 $0x3FFFFC00, s0  }
0x2bf: {  	s16 =	sadd.s32 $0x1, s16;
	[sflag:s18] =	ssyncadd.s32 $0xFFFFE000;
	s0 =	sadd.s32 $0x580, s0  }
0x2c0: {  	[tilespmem:s19], [sflag:$0x4] =	stream.indirect.gather [hbm4b:s1+s12], $0x80, s0, s12, $0xb8;
	[tilespmem:$0x1C800] =	vst v63  }
.LBB2_21:
0x2c1: {  	_ =	sfence.sel $0x180000  }
0x2c2: {  	[bflag:$0x0] =	sbarrier.arrive $0xFFFF  }
0x2c3: {  	_ =	strace $0x90000047  }
0x2c4: {  	s0 =	stileid.u32;
	[bflag:$0x2] =	sbarrier.arrive $0xFFFF  }
0x2c5: {  	p0 =	sne.s32 s0, $0x0;
	s0 =	rddreg [dreg:$0x3]  }
0x2c6: {  	s0 =	sadd.s32 @!p0 $0x100000, s0  }
0x2c7: {  	[sflag:s0] =	ssyncadd.tile.s32 @!p0 $0x1;
	_ =	shalt  }
.Lfunc_end2:
_tile_overlayer_lowered:
.L_overlay_start_2:
0x2c8: {  	(tag) =	ssettag $0x2  }
0x2c9: {  	s0 =	rddreg [dreg:$0x0];
	s2 =	stileid.u32  }
0x2ca: {  	s1 =	rddreg [dreg:$0x1];
	p0 =	sne.s32 s2, $0x0  }
0x2cb: {  	s3 =	rddreg [dreg:$0x2];
	[bflag:$0x3] =	sbarrier.arrive $0xFFFF;
	s2 =	simm.s32 @!p0 $0x1C11  }
0x2cc: {  	[timem:s3], [sflag:s2] =	dma.local @!p0 [hbm:s0], s1  }
0x2cd: {  	s0 =	simm.s32 @!p0 $0x11  }
0x2ce: {  	_ =	swait.ge @!p0 [sflag:s0], s1  }
0x2cf: {  	s1 =	ssub.s32 @!p0 $0x0, s1;
	[sflag:s0] =	ssyncset.done @!p0 $0x0  }
0x2d0: {  	[sflag:s0] =	ssyncadd.s32 @!p0 s1  }
0x2d1: {  	[bflag:$0x3] =	sbarrier.arrive $0xFFFF  }
0x2d2: {  	_ =	shalt  }

</sc_bundles>
